<compile_context>
chip_gen: v7x
topology: tpu7x:2x2x1
jax: 0.10.2.dev20260603
libtpu: 0.0.44.dev20260713+nightly
codegen_flags: <defaults>
</compile_context>

<pallas_src>
import functools

import jax
import jax.numpy as jnp
from jax import lax
from jax.experimental import pallas as pl
from jax.experimental.pallas import tpu as pltpu
from jax.experimental.pallas import tpu_sc as plsc

_N = 10000
_E = 160000
_DN = 128
_DE = 128
_NC = 64
_DEF = _DE + _NC
_NCONV = 3
_NODE_DICT = 20
_EDGE_DICT = 400
_CLOW, _CHIGH = 0.0, 30.0
_GAP = (_CHIGH - _CLOW) / (_NC - 1)
_FH = _DEF // 2

_NCORE = 2
_NSUB = 16
_CH = 128
_NCHUNK = 79
_EPW = _CH * _NCHUNK
_EP = _EPW * _NSUB
_NPS = _N // _NSUB
_ZR = 125
_NLANE = 16
_NVEC = _FH // _NLANE

_TE = 2048
_TN = 2000


def _node_init_body(z_ref, emb_ref, wn1_ref, wn2_ref, h0_ref, hn0_ref):
    z = z_ref[0, 0, :]
    oh = (z[:, None] == lax.broadcasted_iota(jnp.int32, (_TN, _NODE_DICT), 1))
    h0 = oh.astype(jnp.float32) @ emb_ref[...]
    h0_ref[...] = h0
    hn = jnp.maximum(h0 @ wn1_ref[...], 0.0) @ wn2_ref[...]
    hn0_ref[0, :, :] = hn[:, :_FH]
    hn0_ref[1, :, :] = hn[:, _FH:]


def _node_init(Zr, node_emb, Wn1_0, Wn2_0):
    return pl.pallas_call(
        _node_init_body,
        grid=(_N // _TN,),
        in_specs=[
            pl.BlockSpec((1, 1, _TN), lambda t: (t, 0, 0)),
            pl.BlockSpec((_NODE_DICT, _DN), lambda t: (0, 0)),
            pl.BlockSpec((_DN, _DN), lambda t: (0, 0)),
            pl.BlockSpec((_DN, _DEF), lambda t: (0, 0)),
        ],
        out_specs=[
            pl.BlockSpec((_TN, _DN), lambda t: (t, 0)),
            pl.BlockSpec((_NCORE, _TN, _FH), lambda t: (0, t, 0)),
        ],
        out_shape=[
            jax.ShapeDtypeStruct((_N, _DN), jnp.float32),
            jax.ShapeDtypeStruct((_NCORE, _N, _FH), jnp.float32),
        ],
    )(Zr, node_emb, Wn1_0, Wn2_0)


def _he_body(et_ref, dist_ref, emb_ref, we1_ref, we2_ref,
             he0_ref, he1_ref, he2_ref):
    t = pl.program_id(0)
    et = et_ref[0, 0, :]
    oh = (et[:, None] == lax.broadcasted_iota(jnp.int32, (_TE, _EDGE_DICT), 1))
    eh1 = oh.astype(jnp.float32) @ emb_ref[...]
    d = dist_ref[0, 0, :]
    centers = _CLOW + _GAP * lax.broadcasted_iota(
        jnp.int32, (1, _NC), 1).astype(jnp.float32)
    rbf = jnp.exp(-((d[:, None] - centers) ** 2) / (_GAP * _GAP))
    eh = jnp.concatenate([eh1, rbf], axis=1)
    eid = t * _TE + lax.broadcasted_iota(jnp.int32, (_TE, 1), 0)
    mask = eid < _E
    for i, out_ref in enumerate((he0_ref, he1_ref, he2_ref)):
        he = jnp.maximum(eh @ we1_ref[i], 0.0) @ we2_ref[i]
        he = jnp.where(mask, he, 0.0)
        out_ref[0, :, :] = he[:, :_FH]
        out_ref[1, :, :] = he[:, _FH:]


def _he_precompute(et_p, dist_p, edge_emb, We1, We2):
    edge_out = jax.ShapeDtypeStruct((_NCORE, _EP, _FH), jnp.float32)
    return pl.pallas_call(
        _he_body,
        grid=(_EP // _TE,),
        in_specs=[
            pl.BlockSpec((1, 1, _TE), lambda t: (t, 0, 0)),
            pl.BlockSpec((1, 1, _TE), lambda t: (t, 0, 0)),
            pl.BlockSpec((_EDGE_DICT, _DE), lambda t: (0, 0)),
            pl.BlockSpec((_NCONV, _DEF, _DEF), lambda t: (0, 0, 0)),
            pl.BlockSpec((_NCONV, _DEF, _DEF), lambda t: (0, 0, 0)),
        ],
        out_specs=[pl.BlockSpec((_NCORE, _TE, _FH), lambda t: (0, t, 0))] * 3,
        out_shape=[edge_out] * 3,
    )(et_p, dist_p, edge_emb, We1, We2)


_SC_MESH = plsc.VectorSubcoreMesh(core_axis_name="c", subcore_axis_name="s")


@functools.partial(
    pl.kernel,
    out_type=jax.ShapeDtypeStruct((_NCORE, _N, _FH), jnp.float32),
    mesh=_SC_MESH,
    scratch_types=[
        pltpu.VMEM((_CH,), jnp.int32),
        pltpu.VMEM((_CH,), jnp.int32),
        pltpu.VMEM((_CH, _FH), jnp.float32),
        pltpu.VMEM((_CH, _FH), jnp.float32),
        pltpu.VMEM((_ZR, _FH), jnp.float32),
        pltpu.VMEM_SHARED((_N, _FH), jnp.float32),
        pltpu.SemaphoreType.DMA,
    ],
    compiler_params=pltpu.CompilerParams(use_tc_tiling_on_sc=False),
)
def _sc_message_pass(hn_hbm, he_hbm, src_hbm, dst_hbm, out_hbm,
                     src_v, dst_v, g_v, m_v, zero_v, agg_sh, sem):
    c = lax.axis_index("c")
    s = lax.axis_index("s")

    def _zfill(e, carry):
        for j in range(_NVEC):
            zero_v[e, pl.ds(j * _NLANE, _NLANE)] = jnp.zeros((_NLANE,),
                                                             jnp.float32)
        return carry
    lax.fori_loop(0, _ZR, _zfill, 0)
    for k in range(_NPS // _ZR):
        pltpu.sync_copy(zero_v, agg_sh.at[pl.ds(s * _NPS + k * _ZR, _ZR), :])
    plsc.subcore_barrier()

    base = s * _EPW

    def _chunk(k, carry):
        b = base + k * _CH
        pltpu.sync_copy(src_hbm.at[pl.ds(b, _CH)], src_v)
        pltpu.sync_copy(dst_hbm.at[pl.ds(b, _CH)], dst_v)
        pltpu.async_copy(hn_hbm.at[c].at[src_v], g_v, sem).wait()
        pltpu.sync_copy(he_hbm.at[c, pl.ds(b, _CH), :], m_v)

        def _mul(e, cc):
            for j in range(_NVEC):
                sl = pl.ds(j * _NLANE, _NLANE)
                m_v[e, sl] = m_v[e, sl] * g_v[e, sl]
            return cc
        lax.fori_loop(0, _CH, _mul, 0)
        pltpu.sync_copy(m_v, agg_sh.at[dst_v], add=True)
        return carry
    lax.fori_loop(0, _NCHUNK, _chunk, 0)
    plsc.subcore_barrier()

    pltpu.sync_copy(agg_sh.at[pl.ds(s * _NPS, _NPS), :],
                    out_hbm.at[c, pl.ds(s * _NPS, _NPS), :])


def _upd_hn_body(agg_ref, h_ref, wc_ref, wn1_ref, wn2_ref, h_out, hn_out):
    a = jnp.concatenate([agg_ref[0], agg_ref[1]], axis=1)
    h = h_ref[...] + jnp.tanh(a @ wc_ref[...])
    h_out[...] = h
    hn = jnp.maximum(h @ wn1_ref[...], 0.0) @ wn2_ref[...]
    hn_out[0, :, :] = hn[:, :_FH]
    hn_out[1, :, :] = hn[:, _FH:]


def _upd_hn(aggp, h, Wc_i, Wn1_n, Wn2_n):
    return pl.pallas_call(
        _upd_hn_body,
        grid=(_N // _TN,),
        in_specs=[
            pl.BlockSpec((_NCORE, _TN, _FH), lambda t: (0, t, 0)),
            pl.BlockSpec((_TN, _DN), lambda t: (t, 0)),
            pl.BlockSpec((_DEF, _DN), lambda t: (0, 0)),
            pl.BlockSpec((_DN, _DN), lambda t: (0, 0)),
            pl.BlockSpec((_DN, _DEF), lambda t: (0, 0)),
        ],
        out_specs=[
            pl.BlockSpec((_TN, _DN), lambda t: (t, 0)),
            pl.BlockSpec((_NCORE, _TN, _FH), lambda t: (0, t, 0)),
        ],
        out_shape=[
            jax.ShapeDtypeStruct((_N, _DN), jnp.float32),
            jax.ShapeDtypeStruct((_NCORE, _N, _FH), jnp.float32),
        ],
    )(aggp, h, Wc_i, Wn1_n, Wn2_n)


def _upd_read_body(agg_ref, h_ref, wc_ref, wr1_ref, wr2_ref, out_ref):
    a = jnp.concatenate([agg_ref[0], agg_ref[1]], axis=1)
    h = h_ref[...] + jnp.tanh(a @ wc_ref[...])
    r = jnp.maximum(h @ wr1_ref[...], 0.0)
    row = jnp.sum(r * wr2_ref[...], axis=0, keepdims=True)

    @pl.when(pl.program_id(0) == 0)
    def _():
        out_ref[...] = jnp.zeros((1, _DN), jnp.float32)
    out_ref[...] += row

    @pl.when(pl.program_id(0) == _N // _TN - 1)
    def _():
        out_ref[...] = jnp.zeros((1, _DN), jnp.float32) + jnp.sum(out_ref[...])


def _upd_read(aggp, h, Wc_i, Wr1, Wr2_row):
    return pl.pallas_call(
        _upd_read_body,
        grid=(_N // _TN,),
        in_specs=[
            pl.BlockSpec((_NCORE, _TN, _FH), lambda t: (0, t, 0)),
            pl.BlockSpec((_TN, _DN), lambda t: (t, 0)),
            pl.BlockSpec((_DEF, _DN), lambda t: (0, 0)),
            pl.BlockSpec((_DN, _DN), lambda t: (0, 0)),
            pl.BlockSpec((1, _DN), lambda t: (0, 0)),
        ],
        out_specs=pl.BlockSpec((1, _DN), lambda t: (0, 0)),
        out_shape=jax.ShapeDtypeStruct((1, _DN), jnp.float32),
    )(aggp, h, Wc_i, Wr1, Wr2_row)


def kernel(Z, edge_index, edge_type, dist, node_emb, edge_emb,
           Wn1, Wn2, We1, We2, Wc, Wr1, Wr2):
    pad = _EP - _E
    et_p = jnp.pad(edge_type, (0, pad)).reshape(_EP // _TE, 1, _TE)
    dist_p = jnp.pad(dist, (0, pad)).reshape(_EP // _TE, 1, _TE)
    src_p = jnp.pad(edge_index[0], (0, pad))
    dst_p = jnp.pad(edge_index[1], (0, pad))
    Zr = Z.reshape(_N // _TN, 1, _TN)

    h, hn = _node_init(Zr, node_emb, Wn1[0], Wn2[0])
    hes = _he_precompute(et_p, dist_p, edge_emb, We1, We2)

    for i in range(_NCONV):
        aggp = _sc_message_pass(hn, hes[i], src_p, dst_p)
        if i + 1 < _NCONV:
            h, hn = _upd_hn(aggp, h, Wc[i], Wn1[i + 1], Wn2[i + 1])
        else:
            out = _upd_read(aggp, h, Wc[i], Wr1, Wr2.reshape(1, _DN))
    return out[0, :1]

# --- scband reference (transcript-rebuilt; emitter-appended) ---
"""Pipeline reference for scband-dmgcn-29609504538897 (READ-ONLY COPY).

The authoritative reference and input builder live on the scoring server;
editing this copy changes nothing except your own understanding.
"""

import jax, jax.numpy as jnp
import numpy as np

N = 10000
E = 160000
DN = 128
DE = 128
NC = 64
DEF = DE + NC
NCONV = 3
NODE_DICT = 20
EDGE_DICT = 400
CLOW, CHIGH = 0.0, 30.0


def setup_inputs(seed: int = 0):
    key = jax.random.key(seed)
    ks = jax.random.split(key, 20)
    Z = jax.random.randint(ks[0], (N,), 0, NODE_DICT)
    edge_index = jax.random.randint(ks[1], (2, E), 0, N)
    edge_type = jax.random.randint(ks[2], (E,), 0, EDGE_DICT)
    dist = jax.random.uniform(ks[3], (E,), dtype=jnp.float32) * CHIGH
    node_emb = jax.random.normal(ks[4], (NODE_DICT, DN), dtype=jnp.float32) * 0.1
    edge_emb = jax.random.normal(ks[5], (EDGE_DICT, DE), dtype=jnp.float32) * 0.1
    Wn1 = jax.random.normal(ks[6], (NCONV, DN, DN), dtype=jnp.float32) * 0.05
    Wn2 = jax.random.normal(ks[7], (NCONV, DN, DEF), dtype=jnp.float32) * 0.05
    We1 = jax.random.normal(ks[8], (NCONV, DEF, DEF), dtype=jnp.float32) * 0.05
    We2 = jax.random.normal(ks[9], (NCONV, DEF, DEF), dtype=jnp.float32) * 0.05
    Wc = jax.random.normal(ks[10], (NCONV, DEF, DN), dtype=jnp.float32) * 0.05
    Wr1 = jax.random.normal(ks[11], (DN, DN), dtype=jnp.float32) * 0.05
    Wr2 = jax.random.normal(ks[12], (DN, 1), dtype=jnp.float32) * 0.05
    return {"Z": Z, "edge_index": edge_index, "edge_type": edge_type, "dist": dist,
            "node_emb": node_emb, "edge_emb": edge_emb,
            "Wn1": Wn1, "Wn2": Wn2, "We1": We1, "We2": We2, "Wc": Wc,
            "Wr1": Wr1, "Wr2": Wr2}


def reference(Z, edge_index, edge_type, dist, node_emb, edge_emb, Wn1, Wn2, We1, We2, Wc, Wr1, Wr2):
    # Node / edge type embeddings (gather)
    h = jnp.take(node_emb, Z, axis=0)            # [N, DN]
    eh = jnp.take(edge_emb, edge_type, axis=0)   # [E, DE]
    # RBF embedding of distances, then concat onto edge features
    centers = jnp.linspace(CLOW, CHIGH, NC)
    gap = (CHIGH - CLOW) / (NC - 1)
    rbf = jnp.exp(-((dist[:, None] - centers[None, :]) ** 2) / (gap ** 2))  # [E, NC]
    eh = jnp.concatenate([eh, rbf], axis=1)      # [E, DEF]
    src = edge_index[0]
    dst = edge_index[1]
    # n_conv DTNN-style interaction layers
    for i in range(NCONV):
        hn = jax.nn.relu(h @ Wn1[i]) @ Wn2[i]            # [N, DEF]
        he = jax.nn.relu(eh @ We1[i]) @ We2[i]           # [E, DEF]
        m = jnp.take(hn, src, axis=0) * he               # gather + elementwise [E, DEF]
        agg = jax.ops.segment_sum(m, dst, num_segments=N)  # scatter-add [N, DEF]
        h = h + jnp.tanh(agg @ Wc[i])                    # residual update [N, DN]
    # Readout MLP per node, then sum over nodes (single-graph batch)
    r = jax.nn.relu(h @ Wr1) @ Wr2                       # [N, 1]
    return jnp.sum(r, axis=0).reshape(-1)                # [1]

if __name__ == "__main__":
    import jax
    _d = setup_inputs()
    print(jax.jit(kernel)(*tuple(_d.values())))

</pallas_src>

<mosaic_0001>
#map = affine_map<(d0, d1) -> (0, 0, 0)>
#map1 = affine_map<(d0, d1) -> (0)>
module attributes {stable_mosaic.version = 14 : i64} {
  func.func @_sc_message_pass(%arg0: i32, %arg1: i32, %arg2: memref<2x10000x96xf32, #tpu.memory_space<hbm>>, %arg3: memref<2x161792x96xf32, #tpu.memory_space<hbm>>, %arg4: memref<161792xi32, #tpu.memory_space<hbm>>, %arg5: memref<161792xi32, #tpu.memory_space<hbm>>, %arg6: memref<2x10000x96xf32, #tpu.memory_space<hbm>>, %arg7: memref<128xi32, #tpu.memory_space<vmem>>, %arg8: memref<128xi32, #tpu.memory_space<vmem>>, %arg9: memref<128x96xf32, #tpu.memory_space<vmem>>, %arg10: memref<128x96xf32, #tpu.memory_space<vmem>>, %arg11: memref<125x96xf32, #tpu.memory_space<vmem>>, %arg12: memref<10000x96xf32, #tpu.memory_space<vmem_shared>>, %arg13: memref<!tpu.dma_semaphore, #tpu.memory_space<semaphore_mem>>) attributes {dimension_semantics = [#tpu.dimension_semantics<core_parallel>, #tpu.dimension_semantics<subcore_parallel>], iteration_bounds = array<i64: 2, 16>, scalar_prefetch = 0 : i64, scratch_operands = 7 : i64, tpu.core_type = #tpu.core_type<sc_vector_subcore>, window_params = [{transform_indices = #map}, {transform_indices = #map}, {transform_indices = #map1}, {transform_indices = #map1}, {transform_indices = #map}]} {
    %scan3A = arith.constant 0 : i32
    %scan3A_0 = arith.constant 0 : i32
    %scan3A_1 = arith.constant 125 : i32
    %scan3A_2 = arith.addi %scan3A_0, %scan3A_1 : i32
    %scan3A_3 = arith.constant 1 : i32
    scf.for %scan3A_36 = %scan3A_0 to %scan3A_2 step %scan3A_3  : i32 {
      %broadcast_in_dim3A = arith.constant 0.000000e+00 : f32
      %broadcast_in_dim3A_37 = vector.broadcast %broadcast_in_dim3A : f32 to vector<16xf32>
      %swap3A = arith.index_cast %scan3A_36 : i32 to index
      %swap3A_38 = arith.constant 0 : index
      %swap3A_39 = tpu.vector_load %arg11[%swap3A, %swap3A_38] {strides = array<i32>} : memref<125x96xf32, #tpu.memory_space<vmem>>, vector<1x16xf32>,
      %swap3A_40 = vector.shape_cast %swap3A_39 : vector<1x16xf32> to vector<16xf32>
      %swap3A_41 = vector.shape_cast %broadcast_in_dim3A_37 : vector<16xf32> to vector<1x16xf32>
      tpu.vector_store %arg11[%swap3A, %swap3A_38], %swap3A_41 {strides = array<i32>} : memref<125x96xf32, #tpu.memory_space<vmem>>, vector<1x16xf32>,
      %broadcast_in_dim3A_42 = arith.constant 0.000000e+00 : f32
      %broadcast_in_dim3A_43 = vector.broadcast %broadcast_in_dim3A_42 : f32 to vector<16xf32>
      %swap3A_44 = arith.index_cast %scan3A_36 : i32 to index
      %swap3A_45 = arith.constant 16 : index
      %swap3A_46 = tpu.vector_load %arg11[%swap3A_44, %swap3A_45] {strides = array<i32>} : memref<125x96xf32, #tpu.memory_space<vmem>>, vector<1x16xf32>,
      %swap3A_47 = vector.shape_cast %swap3A_46 : vector<1x16xf32> to vector<16xf32>
      %swap3A_48 = vector.shape_cast %broadcast_in_dim3A_43 : vector<16xf32> to vector<1x16xf32>
      tpu.vector_store %arg11[%swap3A_44, %swap3A_45], %swap3A_48 {strides = array<i32>} : memref<125x96xf32, #tpu.memory_space<vmem>>, vector<1x16xf32>,
      %broadcast_in_dim3A_49 = arith.constant 0.000000e+00 : f32
      %broadcast_in_dim3A_50 = vector.broadcast %broadcast_in_dim3A_49 : f32 to vector<16xf32>
      %swap3A_51 = arith.index_cast %scan3A_36 : i32 to index
      %swap3A_52 = arith.constant 32 : index
      %swap3A_53 = tpu.vector_load %arg11[%swap3A_51, %swap3A_52] {strides = array<i32>} : memref<125x96xf32, #tpu.memory_space<vmem>>, vector<1x16xf32>,
      %swap3A_54 = vector.shape_cast %swap3A_53 : vector<1x16xf32> to vector<16xf32>
      %swap3A_55 = vector.shape_cast %broadcast_in_dim3A_50 : vector<16xf32> to vector<1x16xf32>
      tpu.vector_store %arg11[%swap3A_51, %swap3A_52], %swap3A_55 {strides = array<i32>} : memref<125x96xf32, #tpu.memory_space<vmem>>, vector<1x16xf32>,
      %broadcast_in_dim3A_56 = arith.constant 0.000000e+00 : f32
      %broadcast_in_dim3A_57 = vector.broadcast %broadcast_in_dim3A_56 : f32 to vector<16xf32>
      %swap3A_58 = arith.index_cast %scan3A_36 : i32 to index
      %swap3A_59 = arith.constant 48 : index
      %swap3A_60 = tpu.vector_load %arg11[%swap3A_58, %swap3A_59] {strides = array<i32>} : memref<125x96xf32, #tpu.memory_space<vmem>>, vector<1x16xf32>,
      %swap3A_61 = vector.shape_cast %swap3A_60 : vector<1x16xf32> to vector<16xf32>
      %swap3A_62 = vector.shape_cast %broadcast_in_dim3A_57 : vector<16xf32> to vector<1x16xf32>
      tpu.vector_store %arg11[%swap3A_58, %swap3A_59], %swap3A_62 {strides = array<i32>} : memref<125x96xf32, #tpu.memory_space<vmem>>, vector<1x16xf32>,
      %broadcast_in_dim3A_63 = arith.constant 0.000000e+00 : f32
      %broadcast_in_dim3A_64 = vector.broadcast %broadcast_in_dim3A_63 : f32 to vector<16xf32>
      %swap3A_65 = arith.index_cast %scan3A_36 : i32 to index
      %swap3A_66 = arith.constant 64 : index
      %swap3A_67 = tpu.vector_load %arg11[%swap3A_65, %swap3A_66] {strides = array<i32>} : memref<125x96xf32, #tpu.memory_space<vmem>>, vector<1x16xf32>,
      %swap3A_68 = vector.shape_cast %swap3A_67 : vector<1x16xf32> to vector<16xf32>
      %swap3A_69 = vector.shape_cast %broadcast_in_dim3A_64 : vector<16xf32> to vector<1x16xf32>
      tpu.vector_store %arg11[%swap3A_65, %swap3A_66], %swap3A_69 {strides = array<i32>} : memref<125x96xf32, #tpu.memory_space<vmem>>, vector<1x16xf32>,
      %broadcast_in_dim3A_70 = arith.constant 0.000000e+00 : f32
      %broadcast_in_dim3A_71 = vector.broadcast %broadcast_in_dim3A_70 : f32 to vector<16xf32>
      %swap3A_72 = arith.index_cast %scan3A_36 : i32 to index
      %swap3A_73 = arith.constant 80 : index
      %swap3A_74 = tpu.vector_load %arg11[%swap3A_72, %swap3A_73] {strides = array<i32>} : memref<125x96xf32, #tpu.memory_space<vmem>>, vector<1x16xf32>,
      %swap3A_75 = vector.shape_cast %swap3A_74 : vector<1x16xf32> to vector<16xf32>
      %swap3A_76 = vector.shape_cast %broadcast_in_dim3A_71 : vector<16xf32> to vector<1x16xf32>
      tpu.vector_store %arg11[%swap3A_72, %swap3A_73], %swap3A_76 {strides = array<i32>} : memref<125x96xf32, #tpu.memory_space<vmem>>, vector<1x16xf32>,
    }
    %scan3A_4 = arith.constant 125 : i32
    %mul3A = arith.constant 625 : i32
    %mul3A_5 = arith.muli %arg1, %mul3A : i32
    %add3A = arith.constant 0 : i32
    %add3A_6 = arith.addi %mul3A_5, %add3A : i32
    "tpu.region"() ({
      %run_scoped3A = tpu.sem_alloc : memref<!tpu.dma_semaphore, #tpu.memory_space<semaphore_mem>>
      %dma_start3A = arith.constant 0 : i32
      %dma_start3A_36 = tpu.memref_slice %arg12[%add3A_6, %dma_start3A] : memref<10000x96xf32, #tpu.memory_space<vmem_shared>> -> memref<125x96xf32, #tpu.memory_space<vmem_shared>>
      %dma_start3A_37 = arith.constant 0 : i32
      %dma_start3A_38 = tpu.memref_slice %arg12[%add3A_6, %dma_start3A_37] : memref<10000x96xf32, #tpu.memory_space<vmem_shared>> -> memref<125x96xf32, #tpu.memory_space<vmem_shared>>
      tpu.enqueue_dma source(%arg11 : memref<125x96xf32, #tpu.memory_space<vmem>>) target(%dma_start3A_38 : memref<125x96xf32, #tpu.memory_space<vmem_shared>>) target_semaphore(%run_scoped3A : memref<!tpu.dma_semaphore, #tpu.memory_space<semaphore_mem>>)
      %dma_wait3A = arith.constant 0 : i32
      %dma_wait3A_39 = tpu.memref_slice %arg12[%add3A_6, %dma_wait3A] : memref<10000x96xf32, #tpu.memory_space<vmem_shared>> -> memref<125x96xf32, #tpu.memory_space<vmem_shared>>
      %dma_wait3A_40 = arith.constant 0 : i32
      %dma_wait3A_41 = tpu.memref_slice %arg12[%add3A_6, %dma_wait3A_40] : memref<10000x96xf32, #tpu.memory_space<vmem_shared>> -> memref<125x96xf32, #tpu.memory_space<vmem_shared>>
      tpu.wait_dma2 semaphore(%run_scoped3A : memref<!tpu.dma_semaphore, #tpu.memory_space<semaphore_mem>>) src(%arg11 : memref<125x96xf32, #tpu.memory_space<vmem>>) dst(%dma_wait3A_41 : memref<125x96xf32, #tpu.memory_space<vmem_shared>>)
      tpu.yield
    }) : () -> ()
    %mul3A_7 = arith.constant 625 : i32
    %mul3A_8 = arith.muli %arg1, %mul3A_7 : i32
    %add3A_9 = arith.constant 125 : i32
    %add3A_10 = arith.addi %mul3A_8, %add3A_9 : i32
    "tpu.region"() ({
      %run_scoped3A = tpu.sem_alloc : memref<!tpu.dma_semaphore, #tpu.memory_space<semaphore_mem>>
      %dma_start3A = arith.constant 0 : i32
      %dma_start3A_36 = tpu.memref_slice %arg12[%add3A_10, %dma_start3A] : memref<10000x96xf32, #tpu.memory_space<vmem_shared>> -> memref<125x96xf32, #tpu.memory_space<vmem_shared>>
      %dma_start3A_37 = arith.constant 0 : i32
      %dma_start3A_38 = tpu.memref_slice %arg12[%add3A_10, %dma_start3A_37] : memref<10000x96xf32, #tpu.memory_space<vmem_shared>> -> memref<125x96xf32, #tpu.memory_space<vmem_shared>>
      tpu.enqueue_dma source(%arg11 : memref<125x96xf32, #tpu.memory_space<vmem>>) target(%dma_start3A_38 : memref<125x96xf32, #tpu.memory_space<vmem_shared>>) target_semaphore(%run_scoped3A : memref<!tpu.dma_semaphore, #tpu.memory_space<semaphore_mem>>)
      %dma_wait3A = arith.constant 0 : i32
      %dma_wait3A_39 = tpu.memref_slice %arg12[%add3A_10, %dma_wait3A] : memref<10000x96xf32, #tpu.memory_space<vmem_shared>> -> memref<125x96xf32, #tpu.memory_space<vmem_shared>>
      %dma_wait3A_40 = arith.constant 0 : i32
      %dma_wait3A_41 = tpu.memref_slice %arg12[%add3A_10, %dma_wait3A_40] : memref<10000x96xf32, #tpu.memory_space<vmem_shared>> -> memref<125x96xf32, #tpu.memory_space<vmem_shared>>
      tpu.wait_dma2 semaphore(%run_scoped3A : memref<!tpu.dma_semaphore, #tpu.memory_space<semaphore_mem>>) src(%arg11 : memref<125x96xf32, #tpu.memory_space<vmem>>) dst(%dma_wait3A_41 : memref<125x96xf32, #tpu.memory_space<vmem_shared>>)
      tpu.yield
    }) : () -> ()
    %mul3A_11 = arith.constant 625 : i32
    %mul3A_12 = arith.muli %arg1, %mul3A_11 : i32
    %add3A_13 = arith.constant 250 : i32
    %add3A_14 = arith.addi %mul3A_12, %add3A_13 : i32
    "tpu.region"() ({
      %run_scoped3A = tpu.sem_alloc : memref<!tpu.dma_semaphore, #tpu.memory_space<semaphore_mem>>
      %dma_start3A = arith.constant 0 : i32
      %dma_start3A_36 = tpu.memref_slice %arg12[%add3A_14, %dma_start3A] : memref<10000x96xf32, #tpu.memory_space<vmem_shared>> -> memref<125x96xf32, #tpu.memory_space<vmem_shared>>
      %dma_start3A_37 = arith.constant 0 : i32
      %dma_start3A_38 = tpu.memref_slice %arg12[%add3A_14, %dma_start3A_37] : memref<10000x96xf32, #tpu.memory_space<vmem_shared>> -> memref<125x96xf32, #tpu.memory_space<vmem_shared>>
      tpu.enqueue_dma source(%arg11 : memref<125x96xf32, #tpu.memory_space<vmem>>) target(%dma_start3A_38 : memref<125x96xf32, #tpu.memory_space<vmem_shared>>) target_semaphore(%run_scoped3A : memref<!tpu.dma_semaphore, #tpu.memory_space<semaphore_mem>>)
      %dma_wait3A = arith.constant 0 : i32
      %dma_wait3A_39 = tpu.memref_slice %arg12[%add3A_14, %dma_wait3A] : memref<10000x96xf32, #tpu.memory_space<vmem_shared>> -> memref<125x96xf32, #tpu.memory_space<vmem_shared>>
      %dma_wait3A_40 = arith.constant 0 : i32
      %dma_wait3A_41 = tpu.memref_slice %arg12[%add3A_14, %dma_wait3A_40] : memref<10000x96xf32, #tpu.memory_space<vmem_shared>> -> memref<125x96xf32, #tpu.memory_space<vmem_shared>>
      tpu.wait_dma2 semaphore(%run_scoped3A : memref<!tpu.dma_semaphore, #tpu.memory_space<semaphore_mem>>) src(%arg11 : memref<125x96xf32, #tpu.memory_space<vmem>>) dst(%dma_wait3A_41 : memref<125x96xf32, #tpu.memory_space<vmem_shared>>)
      tpu.yield
    }) : () -> ()
    %mul3A_15 = arith.constant 625 : i32
    %mul3A_16 = arith.muli %arg1, %mul3A_15 : i32
    %add3A_17 = arith.constant 375 : i32
    %add3A_18 = arith.addi %mul3A_16, %add3A_17 : i32
    "tpu.region"() ({
      %run_scoped3A = tpu.sem_alloc : memref<!tpu.dma_semaphore, #tpu.memory_space<semaphore_mem>>
      %dma_start3A = arith.constant 0 : i32
      %dma_start3A_36 = tpu.memref_slice %arg12[%add3A_18, %dma_start3A] : memref<10000x96xf32, #tpu.memory_space<vmem_shared>> -> memref<125x96xf32, #tpu.memory_space<vmem_shared>>
      %dma_start3A_37 = arith.constant 0 : i32
      %dma_start3A_38 = tpu.memref_slice %arg12[%add3A_18, %dma_start3A_37] : memref<10000x96xf32, #tpu.memory_space<vmem_shared>> -> memref<125x96xf32, #tpu.memory_space<vmem_shared>>
      tpu.enqueue_dma source(%arg11 : memref<125x96xf32, #tpu.memory_space<vmem>>) target(%dma_start3A_38 : memref<125x96xf32, #tpu.memory_space<vmem_shared>>) target_semaphore(%run_scoped3A : memref<!tpu.dma_semaphore, #tpu.memory_space<semaphore_mem>>)
      %dma_wait3A = arith.constant 0 : i32
      %dma_wait3A_39 = tpu.memref_slice %arg12[%add3A_18, %dma_wait3A] : memref<10000x96xf32, #tpu.memory_space<vmem_shared>> -> memref<125x96xf32, #tpu.memory_space<vmem_shared>>
      %dma_wait3A_40 = arith.constant 0 : i32
      %dma_wait3A_41 = tpu.memref_slice %arg12[%add3A_18, %dma_wait3A_40] : memref<10000x96xf32, #tpu.memory_space<vmem_shared>> -> memref<125x96xf32, #tpu.memory_space<vmem_shared>>
      tpu.wait_dma2 semaphore(%run_scoped3A : memref<!tpu.dma_semaphore, #tpu.memory_space<semaphore_mem>>) src(%arg11 : memref<125x96xf32, #tpu.memory_space<vmem>>) dst(%dma_wait3A_41 : memref<125x96xf32, #tpu.memory_space<vmem_shared>>)
      tpu.yield
    }) : () -> ()
    %mul3A_19 = arith.constant 625 : i32
    %mul3A_20 = arith.muli %arg1, %mul3A_19 : i32
    %add3A_21 = arith.constant 500 : i32
    %add3A_22 = arith.addi %mul3A_20, %add3A_21 : i32
    "tpu.region"() ({
      %run_scoped3A = tpu.sem_alloc : memref<!tpu.dma_semaphore, #tpu.memory_space<semaphore_mem>>
      %dma_start3A = arith.constant 0 : i32
      %dma_start3A_36 = tpu.memref_slice %arg12[%add3A_22, %dma_start3A] : memref<10000x96xf32, #tpu.memory_space<vmem_shared>> -> memref<125x96xf32, #tpu.memory_space<vmem_shared>>
      %dma_start3A_37 = arith.constant 0 : i32
      %dma_start3A_38 = tpu.memref_slice %arg12[%add3A_22, %dma_start3A_37] : memref<10000x96xf32, #tpu.memory_space<vmem_shared>> -> memref<125x96xf32, #tpu.memory_space<vmem_shared>>
      tpu.enqueue_dma source(%arg11 : memref<125x96xf32, #tpu.memory_space<vmem>>) target(%dma_start3A_38 : memref<125x96xf32, #tpu.memory_space<vmem_shared>>) target_semaphore(%run_scoped3A : memref<!tpu.dma_semaphore, #tpu.memory_space<semaphore_mem>>)
      %dma_wait3A = arith.constant 0 : i32
      %dma_wait3A_39 = tpu.memref_slice %arg12[%add3A_22, %dma_wait3A] : memref<10000x96xf32, #tpu.memory_space<vmem_shared>> -> memref<125x96xf32, #tpu.memory_space<vmem_shared>>
      %dma_wait3A_40 = arith.constant 0 : i32
      %dma_wait3A_41 = tpu.memref_slice %arg12[%add3A_22, %dma_wait3A_40] : memref<10000x96xf32, #tpu.memory_space<vmem_shared>> -> memref<125x96xf32, #tpu.memory_space<vmem_shared>>
      tpu.wait_dma2 semaphore(%run_scoped3A : memref<!tpu.dma_semaphore, #tpu.memory_space<semaphore_mem>>) src(%arg11 : memref<125x96xf32, #tpu.memory_space<vmem>>) dst(%dma_wait3A_41 : memref<125x96xf32, #tpu.memory_space<vmem_shared>>)
      tpu.yield
    }) : () -> ()
    %barrier3A = arith.constant 0 : index
    tpu.barrier barrier_id(%barrier3A)
    %mul3A_23 = arith.constant 10112 : i32
    %mul3A_24 = arith.muli %arg1, %mul3A_23 : i32
    %scan3A_25 = arith.constant 0 : i32
    %scan3A_26 = arith.constant 0 : i32
    %scan3A_27 = arith.constant 79 : i32
    %scan3A_28 = arith.addi %scan3A_26, %scan3A_27 : i32
    %scan3A_29 = arith.constant 1 : i32
    scf.for %scan3A_36 = %scan3A_26 to %scan3A_28 step %scan3A_29  : i32 {
      %mul3A_37 = arith.constant 128 : i32
      %mul3A_38 = arith.muli %scan3A_36, %mul3A_37 : i32
      %add3A_39 = arith.addi %mul3A_24, %mul3A_38 : i32
      "tpu.region"() ({
        %run_scoped3A = tpu.sem_alloc : memref<!tpu.dma_semaphore, #tpu.memory_space<semaphore_mem>>
        %dma_start3A_58 = tpu.memref_slice %arg4[%add3A_39] : memref<161792xi32, #tpu.memory_space<hbm>> -> memref<128xi32, #tpu.memory_space<hbm>>
        %dma_start3A_59 = tpu.memref_slice %arg4[%add3A_39] : memref<161792xi32, #tpu.memory_space<hbm>> -> memref<128xi32, #tpu.memory_space<hbm>>
        tpu.enqueue_dma source(%dma_start3A_59 : memref<128xi32, #tpu.memory_space<hbm>>) target(%arg7 : memref<128xi32, #tpu.memory_space<vmem>>) target_semaphore(%run_scoped3A : memref<!tpu.dma_semaphore, #tpu.memory_space<semaphore_mem>>)
        %dma_wait3A_60 = tpu.memref_slice %arg4[%add3A_39] : memref<161792xi32, #tpu.memory_space<hbm>> -> memref<128xi32, #tpu.memory_space<hbm>>
        %dma_wait3A_61 = tpu.memref_slice %arg4[%add3A_39] : memref<161792xi32, #tpu.memory_space<hbm>> -> memref<128xi32, #tpu.memory_space<hbm>>
        tpu.wait_dma2 semaphore(%run_scoped3A : memref<!tpu.dma_semaphore, #tpu.memory_space<semaphore_mem>>) src(%dma_wait3A_61 : memref<128xi32, #tpu.memory_space<hbm>>) dst(%arg7 : memref<128xi32, #tpu.memory_space<vmem>>)
        tpu.yield
      }) : () -> ()
      "tpu.region"() ({
        %run_scoped3A = tpu.sem_alloc : memref<!tpu.dma_semaphore, #tpu.memory_space<semaphore_mem>>
        %dma_start3A_58 = tpu.memref_slice %arg5[%add3A_39] : memref<161792xi32, #tpu.memory_space<hbm>> -> memref<128xi32, #tpu.memory_space<hbm>>
        %dma_start3A_59 = tpu.memref_slice %arg5[%add3A_39] : memref<161792xi32, #tpu.memory_space<hbm>> -> memref<128xi32, #tpu.memory_space<hbm>>
        tpu.enqueue_dma source(%dma_start3A_59 : memref<128xi32, #tpu.memory_space<hbm>>) target(%arg8 : memref<128xi32, #tpu.memory_space<vmem>>) target_semaphore(%run_scoped3A : memref<!tpu.dma_semaphore, #tpu.memory_space<semaphore_mem>>)
        %dma_wait3A_60 = tpu.memref_slice %arg5[%add3A_39] : memref<161792xi32, #tpu.memory_space<hbm>> -> memref<128xi32, #tpu.memory_space<hbm>>
        %dma_wait3A_61 = tpu.memref_slice %arg5[%add3A_39] : memref<161792xi32, #tpu.memory_space<hbm>> -> memref<128xi32, #tpu.memory_space<hbm>>
        tpu.wait_dma2 semaphore(%run_scoped3A : memref<!tpu.dma_semaphore, #tpu.memory_space<semaphore_mem>>) src(%dma_wait3A_61 : memref<128xi32, #tpu.memory_space<hbm>>) dst(%arg8 : memref<128xi32, #tpu.memory_space<vmem>>)
        tpu.yield
      }) : () -> ()
      %dma_start3A = arith.constant 0 : i32
      %dma_start3A_40 = arith.constant 0 : i32
      %dma_start3A_41 = tpu.memref_slice %arg2[%arg0, %dma_start3A, %dma_start3A_40] : memref<2x10000x96xf32, #tpu.memory_space<hbm>> -> memref<1x10000x96xf32, #tpu.memory_space<hbm>>
      %dma_start3A_42 = tpu.memref_squeeze %dma_start3A_41 : memref<1x10000x96xf32, #tpu.memory_space<hbm>> -> memref<10000x96xf32, #tpu.memory_space<hbm>>
      %dma_start3A_43 = arith.constant 0 : i32
      %dma_start3A_44 = arith.constant 0 : i32
      %dma_start3A_45 = tpu.memref_slice %dma_start3A_42[%dma_start3A_43, %dma_start3A_44] : memref<10000x96xf32, #tpu.memory_space<hbm>> -> memref<10000x96xf32, #tpu.memory_space<hbm>>
      tpu.enqueue_indirect_dma source(%dma_start3A_45 : memref<10000x96xf32, #tpu.memory_space<hbm>>) target(%arg9 : memref<128x96xf32, #tpu.memory_space<vmem>>) offsets(%arg7 : memref<128xi32, #tpu.memory_space<vmem>>) semaphore(%arg13 : memref<!tpu.dma_semaphore, #tpu.memory_space<semaphore_mem>>)
      %dma_wait3A = arith.constant 0 : i32
      %dma_wait3A_46 = arith.constant 0 : i32
      %dma_wait3A_47 = tpu.memref_slice %arg2[%arg0, %dma_wait3A, %dma_wait3A_46] : memref<2x10000x96xf32, #tpu.memory_space<hbm>> -> memref<1x10000x96xf32, #tpu.memory_space<hbm>>
      %dma_wait3A_48 = tpu.memref_squeeze %dma_wait3A_47 : memref<1x10000x96xf32, #tpu.memory_space<hbm>> -> memref<10000x96xf32, #tpu.memory_space<hbm>>
      %dma_wait3A_49 = arith.constant 0 : i32
      %dma_wait3A_50 = arith.constant 0 : i32
      %dma_wait3A_51 = tpu.memref_slice %dma_wait3A_48[%dma_wait3A_49, %dma_wait3A_50] : memref<10000x96xf32, #tpu.memory_space<hbm>> -> memref<10000x96xf32, #tpu.memory_space<hbm>>
      tpu.wait_indirect_dma semaphore(%arg13 : memref<!tpu.dma_semaphore, #tpu.memory_space<semaphore_mem>>) src(%dma_wait3A_51 : memref<10000x96xf32, #tpu.memory_space<hbm>>) dst(%arg9 : memref<128x96xf32, #tpu.memory_space<vmem>>)
      "tpu.region"() ({
        %run_scoped3A = tpu.sem_alloc : memref<!tpu.dma_semaphore, #tpu.memory_space<semaphore_mem>>
        %dma_start3A_58 = arith.constant 0 : i32
        %dma_start3A_59 = tpu.memref_slice %arg3[%arg0, %add3A_39, %dma_start3A_58] : memref<2x161792x96xf32, #tpu.memory_space<hbm>> -> memref<1x128x96xf32, #tpu.memory_space<hbm>>
        %dma_start3A_60 = tpu.memref_squeeze %dma_start3A_59 : memref<1x128x96xf32, #tpu.memory_space<hbm>> -> memref<128x96xf32, #tpu.memory_space<hbm>>
        %dma_start3A_61 = arith.constant 0 : i32
        %dma_start3A_62 = tpu.memref_slice %arg3[%arg0, %add3A_39, %dma_start3A_61] : memref<2x161792x96xf32, #tpu.memory_space<hbm>> -> memref<1x128x96xf32, #tpu.memory_space<hbm>>
        %dma_start3A_63 = tpu.memref_squeeze %dma_start3A_62 : memref<1x128x96xf32, #tpu.memory_space<hbm>> -> memref<128x96xf32, #tpu.memory_space<hbm>>
        tpu.enqueue_dma source(%dma_start3A_63 : memref<128x96xf32, #tpu.memory_space<hbm>>) target(%arg10 : memref<128x96xf32, #tpu.memory_space<vmem>>) target_semaphore(%run_scoped3A : memref<!tpu.dma_semaphore, #tpu.memory_space<semaphore_mem>>)
        %dma_wait3A_64 = arith.constant 0 : i32
        %dma_wait3A_65 = tpu.memref_slice %arg3[%arg0, %add3A_39, %dma_wait3A_64] : memref<2x161792x96xf32, #tpu.memory_space<hbm>> -> memref<1x128x96xf32, #tpu.memory_space<hbm>>
        %dma_wait3A_66 = tpu.memref_squeeze %dma_wait3A_65 : memref<1x128x96xf32, #tpu.memory_space<hbm>> -> memref<128x96xf32, #tpu.memory_space<hbm>>
        %dma_wait3A_67 = arith.constant 0 : i32
        %dma_wait3A_68 = tpu.memref_slice %arg3[%arg0, %add3A_39, %dma_wait3A_67] : memref<2x161792x96xf32, #tpu.memory_space<hbm>> -> memref<1x128x96xf32, #tpu.memory_space<hbm>>
        %dma_wait3A_69 = tpu.memref_squeeze %dma_wait3A_68 : memref<1x128x96xf32, #tpu.memory_space<hbm>> -> memref<128x96xf32, #tpu.memory_space<hbm>>
        tpu.wait_dma2 semaphore(%run_scoped3A : memref<!tpu.dma_semaphore, #tpu.memory_space<semaphore_mem>>) src(%dma_wait3A_69 : memref<128x96xf32, #tpu.memory_space<hbm>>) dst(%arg10 : memref<128x96xf32, #tpu.memory_space<vmem>>)
        tpu.yield
      }) : () -> ()
      %scan3A_52 = arith.constant 0 : i32
      %scan3A_53 = arith.constant 0 : i32
      %scan3A_54 = arith.constant 128 : i32
      %scan3A_55 = arith.addi %scan3A_53, %scan3A_54 : i32
      %scan3A_56 = arith.constant 1 : i32
      scf.for %scan3A_58 = %scan3A_53 to %scan3A_55 step %scan3A_56  : i32 {
        %get3A = arith.index_cast %scan3A_58 : i32 to index
        %get3A_59 = arith.constant 0 : index
        %get3A_60 = tpu.vector_load %arg10[%get3A, %get3A_59] {strides = array<i32>} : memref<128x96xf32, #tpu.memory_space<vmem>>, vector<1x16xf32>,
        %get3A_61 = vector.shape_cast %get3A_60 : vector<1x16xf32> to vector<16xf32>
        %get3A_62 = arith.index_cast %scan3A_58 : i32 to index
        %get3A_63 = arith.constant 0 : index
        %get3A_64 = tpu.vector_load %arg9[%get3A_62, %get3A_63] {strides = array<i32>} : memref<128x96xf32, #tpu.memory_space<vmem>>, vector<1x16xf32>,
        %get3A_65 = vector.shape_cast %get3A_64 : vector<1x16xf32> to vector<16xf32>
        %mul3A_66 = arith.mulf %get3A_61, %get3A_65 : vector<16xf32>
        %swap3A = arith.index_cast %scan3A_58 : i32 to index
        %swap3A_67 = arith.constant 0 : index
        %swap3A_68 = tpu.vector_load %arg10[%swap3A, %swap3A_67] {strides = array<i32>} : memref<128x96xf32, #tpu.memory_space<vmem>>, vector<1x16xf32>,
        %swap3A_69 = vector.shape_cast %swap3A_68 : vector<1x16xf32> to vector<16xf32>
        %swap3A_70 = vector.shape_cast %mul3A_66 : vector<16xf32> to vector<1x16xf32>
        tpu.vector_store %arg10[%swap3A, %swap3A_67], %swap3A_70 {strides = array<i32>} : memref<128x96xf32, #tpu.memory_space<vmem>>, vector<1x16xf32>,
        %get3A_71 = arith.index_cast %scan3A_58 : i32 to index
        %get3A_72 = arith.constant 16 : index
        %get3A_73 = tpu.vector_load %arg10[%get3A_71, %get3A_72] {strides = array<i32>} : memref<128x96xf32, #tpu.memory_space<vmem>>, vector<1x16xf32>,
        %get3A_74 = vector.shape_cast %get3A_73 : vector<1x16xf32> to vector<16xf32>
        %get3A_75 = arith.index_cast %scan3A_58 : i32 to index
        %get3A_76 = arith.constant 16 : index
        %get3A_77 = tpu.vector_load %arg9[%get3A_75, %get3A_76] {strides = array<i32>} : memref<128x96xf32, #tpu.memory_space<vmem>>, vector<1x16xf32>,
        %get3A_78 = vector.shape_cast %get3A_77 : vector<1x16xf32> to vector<16xf32>
        %mul3A_79 = arith.mulf %get3A_74, %get3A_78 : vector<16xf32>
        %swap3A_80 = arith.index_cast %scan3A_58 : i32 to index
        %swap3A_81 = arith.constant 16 : index
        %swap3A_82 = tpu.vector_load %arg10[%swap3A_80, %swap3A_81] {strides = array<i32>} : memref<128x96xf32, #tpu.memory_space<vmem>>, vector<1x16xf32>,
        %swap3A_83 = vector.shape_cast %swap3A_82 : vector<1x16xf32> to vector<16xf32>
        %swap3A_84 = vector.shape_cast %mul3A_79 : vector<16xf32> to vector<1x16xf32>
        tpu.vector_store %arg10[%swap3A_80, %swap3A_81], %swap3A_84 {strides = array<i32>} : memref<128x96xf32, #tpu.memory_space<vmem>>, vector<1x16xf32>,
        %get3A_85 = arith.index_cast %scan3A_58 : i32 to index
        %get3A_86 = arith.constant 32 : index
        %get3A_87 = tpu.vector_load %arg10[%get3A_85, %get3A_86] {strides = array<i32>} : memref<128x96xf32, #tpu.memory_space<vmem>>, vector<1x16xf32>,
        %get3A_88 = vector.shape_cast %get3A_87 : vector<1x16xf32> to vector<16xf32>
        %get3A_89 = arith.index_cast %scan3A_58 : i32 to index
        %get3A_90 = arith.constant 32 : index
        %get3A_91 = tpu.vector_load %arg9[%get3A_89, %get3A_90] {strides = array<i32>} : memref<128x96xf32, #tpu.memory_space<vmem>>, vector<1x16xf32>,
        %get3A_92 = vector.shape_cast %get3A_91 : vector<1x16xf32> to vector<16xf32>
        %mul3A_93 = arith.mulf %get3A_88, %get3A_92 : vector<16xf32>
        %swap3A_94 = arith.index_cast %scan3A_58 : i32 to index
        %swap3A_95 = arith.constant 32 : index
        %swap3A_96 = tpu.vector_load %arg10[%swap3A_94, %swap3A_95] {strides = array<i32>} : memref<128x96xf32, #tpu.memory_space<vmem>>, vector<1x16xf32>,
        %swap3A_97 = vector.shape_cast %swap3A_96 : vector<1x16xf32> to vector<16xf32>
        %swap3A_98 = vector.shape_cast %mul3A_93 : vector<16xf32> to vector<1x16xf32>
        tpu.vector_store %arg10[%swap3A_94, %swap3A_95], %swap3A_98 {strides = array<i32>} : memref<128x96xf32, #tpu.memory_space<vmem>>, vector<1x16xf32>,
        %get3A_99 = arith.index_cast %scan3A_58 : i32 to index
        %get3A_100 = arith.constant 48 : index
        %get3A_101 = tpu.vector_load %arg10[%get3A_99, %get3A_100] {strides = array<i32>} : memref<128x96xf32, #tpu.memory_space<vmem>>, vector<1x16xf32>,
        %get3A_102 = vector.shape_cast %get3A_101 : vector<1x16xf32> to vector<16xf32>
        %get3A_103 = arith.index_cast %scan3A_58 : i32 to index
        %get3A_104 = arith.constant 48 : index
        %get3A_105 = tpu.vector_load %arg9[%get3A_103, %get3A_104] {strides = array<i32>} : memref<128x96xf32, #tpu.memory_space<vmem>>, vector<1x16xf32>,
        %get3A_106 = vector.shape_cast %get3A_105 : vector<1x16xf32> to vector<16xf32>
        %mul3A_107 = arith.mulf %get3A_102, %get3A_106 : vector<16xf32>
        %swap3A_108 = arith.index_cast %scan3A_58 : i32 to index
        %swap3A_109 = arith.constant 48 : index
        %swap3A_110 = tpu.vector_load %arg10[%swap3A_108, %swap3A_109] {strides = array<i32>} : memref<128x96xf32, #tpu.memory_space<vmem>>, vector<1x16xf32>,
        %swap3A_111 = vector.shape_cast %swap3A_110 : vector<1x16xf32> to vector<16xf32>
        %swap3A_112 = vector.shape_cast %mul3A_107 : vector<16xf32> to vector<1x16xf32>
        tpu.vector_store %arg10[%swap3A_108, %swap3A_109], %swap3A_112 {strides = array<i32>} : memref<128x96xf32, #tpu.memory_space<vmem>>, vector<1x16xf32>,
        %get3A_113 = arith.index_cast %scan3A_58 : i32 to index
        %get3A_114 = arith.constant 64 : index
        %get3A_115 = tpu.vector_load %arg10[%get3A_113, %get3A_114] {strides = array<i32>} : memref<128x96xf32, #tpu.memory_space<vmem>>, vector<1x16xf32>,
        %get3A_116 = vector.shape_cast %get3A_115 : vector<1x16xf32> to vector<16xf32>
        %get3A_117 = arith.index_cast %scan3A_58 : i32 to index
        %get3A_118 = arith.constant 64 : index
        %get3A_119 = tpu.vector_load %arg9[%get3A_117, %get3A_118] {strides = array<i32>} : memref<128x96xf32, #tpu.memory_space<vmem>>, vector<1x16xf32>,
        %get3A_120 = vector.shape_cast %get3A_119 : vector<1x16xf32> to vector<16xf32>
        %mul3A_121 = arith.mulf %get3A_116, %get3A_120 : vector<16xf32>
        %swap3A_122 = arith.index_cast %scan3A_58 : i32 to index
        %swap3A_123 = arith.constant 64 : index
        %swap3A_124 = tpu.vector_load %arg10[%swap3A_122, %swap3A_123] {strides = array<i32>} : memref<128x96xf32, #tpu.memory_space<vmem>>, vector<1x16xf32>,
        %swap3A_125 = vector.shape_cast %swap3A_124 : vector<1x16xf32> to vector<16xf32>
        %swap3A_126 = vector.shape_cast %mul3A_121 : vector<16xf32> to vector<1x16xf32>
        tpu.vector_store %arg10[%swap3A_122, %swap3A_123], %swap3A_126 {strides = array<i32>} : memref<128x96xf32, #tpu.memory_space<vmem>>, vector<1x16xf32>,
        %get3A_127 = arith.index_cast %scan3A_58 : i32 to index
        %get3A_128 = arith.constant 80 : index
        %get3A_129 = tpu.vector_load %arg10[%get3A_127, %get3A_128] {strides = array<i32>} : memref<128x96xf32, #tpu.memory_space<vmem>>, vector<1x16xf32>,
        %get3A_130 = vector.shape_cast %get3A_129 : vector<1x16xf32> to vector<16xf32>
        %get3A_131 = arith.index_cast %scan3A_58 : i32 to index
        %get3A_132 = arith.constant 80 : index
        %get3A_133 = tpu.vector_load %arg9[%get3A_131, %get3A_132] {strides = array<i32>} : memref<128x96xf32, #tpu.memory_space<vmem>>, vector<1x16xf32>,
        %get3A_134 = vector.shape_cast %get3A_133 : vector<1x16xf32> to vector<16xf32>
        %mul3A_135 = arith.mulf %get3A_130, %get3A_134 : vector<16xf32>
        %swap3A_136 = arith.index_cast %scan3A_58 : i32 to index
        %swap3A_137 = arith.constant 80 : index
        %swap3A_138 = tpu.vector_load %arg10[%swap3A_136, %swap3A_137] {strides = array<i32>} : memref<128x96xf32, #tpu.memory_space<vmem>>, vector<1x16xf32>,
        %swap3A_139 = vector.shape_cast %swap3A_138 : vector<1x16xf32> to vector<16xf32>
        %swap3A_140 = vector.shape_cast %mul3A_135 : vector<16xf32> to vector<1x16xf32>
        tpu.vector_store %arg10[%swap3A_136, %swap3A_137], %swap3A_140 {strides = array<i32>} : memref<128x96xf32, #tpu.memory_space<vmem>>, vector<1x16xf32>,
      }
      %scan3A_57 = arith.constant 128 : i32
      "tpu.region"() ({
        %run_scoped3A = tpu.sem_alloc : memref<!tpu.dma_semaphore, #tpu.memory_space<semaphore_mem>>
        %dma_start3A_58 = arith.constant 0 : i32
        %dma_start3A_59 = arith.constant 0 : i32
        %dma_start3A_60 = tpu.memref_slice %arg12[%dma_start3A_58, %dma_start3A_59] : memref<10000x96xf32, #tpu.memory_space<vmem_shared>> -> memref<10000x96xf32, #tpu.memory_space<vmem_shared>>
        tpu.enqueue_indirect_dma source(%arg10 : memref<128x96xf32, #tpu.memory_space<vmem>>) target(%dma_start3A_60 : memref<10000x96xf32, #tpu.memory_space<vmem_shared>>) offsets(%arg8 : memref<128xi32, #tpu.memory_space<vmem>>) semaphore(%run_scoped3A : memref<!tpu.dma_semaphore, #tpu.memory_space<semaphore_mem>>) {add = true}
        %dma_wait3A_61 = arith.constant 0 : i32
        %dma_wait3A_62 = arith.constant 0 : i32
        %dma_wait3A_63 = tpu.memref_slice %arg12[%dma_wait3A_61, %dma_wait3A_62] : memref<10000x96xf32, #tpu.memory_space<vmem_shared>> -> memref<10000x96xf32, #tpu.memory_space<vmem_shared>>
        tpu.wait_indirect_dma semaphore(%run_scoped3A : memref<!tpu.dma_semaphore, #tpu.memory_space<semaphore_mem>>) src(%arg10 : memref<128x96xf32, #tpu.memory_space<vmem>>) dst(%dma_wait3A_63 : memref<10000x96xf32, #tpu.memory_space<vmem_shared>>)
        tpu.yield
      }) : () -> ()
    }
    %scan3A_30 = arith.constant 79 : i32
    %barrier3A_31 = arith.constant 0 : index
    tpu.barrier barrier_id(%barrier3A_31)
    %mul3A_32 = arith.constant 625 : i32
    %mul3A_33 = arith.muli %arg1, %mul3A_32 : i32
    %mul3A_34 = arith.constant 625 : i32
    %mul3A_35 = arith.muli %arg1, %mul3A_34 : i32
    "tpu.region"() ({
      %run_scoped3A = tpu.sem_alloc : memref<!tpu.dma_semaphore, #tpu.memory_space<semaphore_mem>>
      %dma_start3A = arith.constant 0 : i32
      %dma_start3A_36 = tpu.memref_slice %arg6[%arg0, %mul3A_35, %dma_start3A] : memref<2x10000x96xf32, #tpu.memory_space<hbm>> -> memref<1x625x96xf32, #tpu.memory_space<hbm>>
      %dma_start3A_37 = tpu.memref_squeeze %dma_start3A_36 : memref<1x625x96xf32, #tpu.memory_space<hbm>> -> memref<625x96xf32, #tpu.memory_space<hbm>>
      %dma_start3A_38 = arith.constant 0 : i32
      %dma_start3A_39 = tpu.memref_slice %arg12[%mul3A_33, %dma_start3A_38] : memref<10000x96xf32, #tpu.memory_space<vmem_shared>> -> memref<625x96xf32, #tpu.memory_space<vmem_shared>>
      tpu.enqueue_dma source(%dma_start3A_39 : memref<625x96xf32, #tpu.memory_space<vmem_shared>>) target(%dma_start3A_37 : memref<625x96xf32, #tpu.memory_space<hbm>>) target_semaphore(%run_scoped3A : memref<!tpu.dma_semaphore, #tpu.memory_space<semaphore_mem>>)
      %dma_wait3A = arith.constant 0 : i32
      %dma_wait3A_40 = tpu.memref_slice %arg6[%arg0, %mul3A_35, %dma_wait3A] : memref<2x10000x96xf32, #tpu.memory_space<hbm>> -> memref<1x625x96xf32, #tpu.memory_space<hbm>>
      %dma_wait3A_41 = tpu.memref_squeeze %dma_wait3A_40 : memref<1x625x96xf32, #tpu.memory_space<hbm>> -> memref<625x96xf32, #tpu.memory_space<hbm>>
      %dma_wait3A_42 = arith.constant 0 : i32
      %dma_wait3A_43 = tpu.memref_slice %arg12[%mul3A_33, %dma_wait3A_42] : memref<10000x96xf32, #tpu.memory_space<vmem_shared>> -> memref<625x96xf32, #tpu.memory_space<vmem_shared>>
      tpu.wait_dma2 semaphore(%run_scoped3A : memref<!tpu.dma_semaphore, #tpu.memory_space<semaphore_mem>>) src(%dma_wait3A_43 : memref<625x96xf32, #tpu.memory_space<vmem_shared>>) dst(%dma_wait3A_41 : memref<625x96xf32, #tpu.memory_space<hbm>>)
      tpu.yield
    }) : () -> ()
    return
  }
}

#map = affine_map<(d0, d1) -> (0, 0, 0)>
#map1 = affine_map<(d0, d1) -> (0)>
module attributes {stable_mosaic.version = 14 : i64} {
  func.func @_sc_message_pass(%arg0: i32, %arg1: i32, %arg2: memref<2x10000x96xf32, #tpu.memory_space<hbm>>, %arg3: memref<2x161792x96xf32, #tpu.memory_space<hbm>>, %arg4: memref<161792xi32, #tpu.memory_space<hbm>>, %arg5: memref<161792xi32, #tpu.memory_space<hbm>>, %arg6: memref<2x10000x96xf32, #tpu.memory_space<hbm>>, %arg7: memref<128xi32, #tpu.memory_space<vmem>>, %arg8: memref<128xi32, #tpu.memory_space<vmem>>, %arg9: memref<128x96xf32, #tpu.memory_space<vmem>>, %arg10: memref<128x96xf32, #tpu.memory_space<vmem>>, %arg11: memref<125x96xf32, #tpu.memory_space<vmem>>, %arg12: memref<10000x96xf32, #tpu.memory_space<vmem_shared>>, %arg13: memref<!tpu.dma_semaphore, #tpu.memory_space<semaphore_mem>>) attributes {dimension_semantics = [#tpu.dimension_semantics<core_parallel>, #tpu.dimension_semantics<subcore_parallel>], iteration_bounds = array<i64: 2, 16>, scalar_prefetch = 0 : i64, scratch_operands = 7 : i64, tpu.core_type = #tpu.core_type<sc_vector_subcore>, window_params = [{transform_indices = #map}, {transform_indices = #map}, {transform_indices = #map1}, {transform_indices = #map1}, {transform_indices = #map}]} {
    %scan3A = arith.constant 0 : i32
    %scan3A_0 = arith.constant 0 : i32
    %scan3A_1 = arith.constant 125 : i32
    %scan3A_2 = arith.addi %scan3A_0, %scan3A_1 : i32
    %scan3A_3 = arith.constant 1 : i32
    scf.for %scan3A_36 = %scan3A_0 to %scan3A_2 step %scan3A_3  : i32 {
      %broadcast_in_dim3A = arith.constant 0.000000e+00 : f32
      %broadcast_in_dim3A_37 = vector.broadcast %broadcast_in_dim3A : f32 to vector<16xf32>
      %swap3A = arith.index_cast %scan3A_36 : i32 to index
      %swap3A_38 = arith.constant 0 : index
      %swap3A_39 = tpu.vector_load %arg11[%swap3A, %swap3A_38] {strides = array<i32>} : memref<125x96xf32, #tpu.memory_space<vmem>>, vector<1x16xf32>,
      %swap3A_40 = vector.shape_cast %swap3A_39 : vector<1x16xf32> to vector<16xf32>
      %swap3A_41 = vector.shape_cast %broadcast_in_dim3A_37 : vector<16xf32> to vector<1x16xf32>
      tpu.vector_store %arg11[%swap3A, %swap3A_38], %swap3A_41 {strides = array<i32>} : memref<125x96xf32, #tpu.memory_space<vmem>>, vector<1x16xf32>,
      %broadcast_in_dim3A_42 = arith.constant 0.000000e+00 : f32
      %broadcast_in_dim3A_43 = vector.broadcast %broadcast_in_dim3A_42 : f32 to vector<16xf32>
      %swap3A_44 = arith.index_cast %scan3A_36 : i32 to index
      %swap3A_45 = arith.constant 16 : index
      %swap3A_46 = tpu.vector_load %arg11[%swap3A_44, %swap3A_45] {strides = array<i32>} : memref<125x96xf32, #tpu.memory_space<vmem>>, vector<1x16xf32>,
      %swap3A_47 = vector.shape_cast %swap3A_46 : vector<1x16xf32> to vector<16xf32>
      %swap3A_48 = vector.shape_cast %broadcast_in_dim3A_43 : vector<16xf32> to vector<1x16xf32>
      tpu.vector_store %arg11[%swap3A_44, %swap3A_45], %swap3A_48 {strides = array<i32>} : memref<125x96xf32, #tpu.memory_space<vmem>>, vector<1x16xf32>,
      %broadcast_in_dim3A_49 = arith.constant 0.000000e+00 : f32
      %broadcast_in_dim3A_50 = vector.broadcast %broadcast_in_dim3A_49 : f32 to vector<16xf32>
      %swap3A_51 = arith.index_cast %scan3A_36 : i32 to index
      %swap3A_52 = arith.constant 32 : index
      %swap3A_53 = tpu.vector_load %arg11[%swap3A_51, %swap3A_52] {strides = array<i32>} : memref<125x96xf32, #tpu.memory_space<vmem>>, vector<1x16xf32>,
      %swap3A_54 = vector.shape_cast %swap3A_53 : vector<1x16xf32> to vector<16xf32>
      %swap3A_55 = vector.shape_cast %broadcast_in_dim3A_50 : vector<16xf32> to vector<1x16xf32>
      tpu.vector_store %arg11[%swap3A_51, %swap3A_52], %swap3A_55 {strides = array<i32>} : memref<125x96xf32, #tpu.memory_space<vmem>>, vector<1x16xf32>,
      %broadcast_in_dim3A_56 = arith.constant 0.000000e+00 : f32
      %broadcast_in_dim3A_57 = vector.broadcast %broadcast_in_dim3A_56 : f32 to vector<16xf32>
      %swap3A_58 = arith.index_cast %scan3A_36 : i32 to index
      %swap3A_59 = arith.constant 48 : index
      %swap3A_60 = tpu.vector_load %arg11[%swap3A_58, %swap3A_59] {strides = array<i32>} : memref<125x96xf32, #tpu.memory_space<vmem>>, vector<1x16xf32>,
      %swap3A_61 = vector.shape_cast %swap3A_60 : vector<1x16xf32> to vector<16xf32>
      %swap3A_62 = vector.shape_cast %broadcast_in_dim3A_57 : vector<16xf32> to vector<1x16xf32>
      tpu.vector_store %arg11[%swap3A_58, %swap3A_59], %swap3A_62 {strides = array<i32>} : memref<125x96xf32, #tpu.memory_space<vmem>>, vector<1x16xf32>,
      %broadcast_in_dim3A_63 = arith.constant 0.000000e+00 : f32
      %broadcast_in_dim3A_64 = vector.broadcast %broadcast_in_dim3A_63 : f32 to vector<16xf32>
      %swap3A_65 = arith.index_cast %scan3A_36 : i32 to index
      %swap3A_66 = arith.constant 64 : index
      %swap3A_67 = tpu.vector_load %arg11[%swap3A_65, %swap3A_66] {strides = array<i32>} : memref<125x96xf32, #tpu.memory_space<vmem>>, vector<1x16xf32>,
      %swap3A_68 = vector.shape_cast %swap3A_67 : vector<1x16xf32> to vector<16xf32>
      %swap3A_69 = vector.shape_cast %broadcast_in_dim3A_64 : vector<16xf32> to vector<1x16xf32>
      tpu.vector_store %arg11[%swap3A_65, %swap3A_66], %swap3A_69 {strides = array<i32>} : memref<125x96xf32, #tpu.memory_space<vmem>>, vector<1x16xf32>,
      %broadcast_in_dim3A_70 = arith.constant 0.000000e+00 : f32
      %broadcast_in_dim3A_71 = vector.broadcast %broadcast_in_dim3A_70 : f32 to vector<16xf32>
      %swap3A_72 = arith.index_cast %scan3A_36 : i32 to index
      %swap3A_73 = arith.constant 80 : index
      %swap3A_74 = tpu.vector_load %arg11[%swap3A_72, %swap3A_73] {strides = array<i32>} : memref<125x96xf32, #tpu.memory_space<vmem>>, vector<1x16xf32>,
      %swap3A_75 = vector.shape_cast %swap3A_74 : vector<1x16xf32> to vector<16xf32>
      %swap3A_76 = vector.shape_cast %broadcast_in_dim3A_71 : vector<16xf32> to vector<1x16xf32>
      tpu.vector_store %arg11[%swap3A_72, %swap3A_73], %swap3A_76 {strides = array<i32>} : memref<125x96xf32, #tpu.memory_space<vmem>>, vector<1x16xf32>,
    }
    %scan3A_4 = arith.constant 125 : i32
    %mul3A = arith.constant 625 : i32
    %mul3A_5 = arith.muli %arg1, %mul3A : i32
    %add3A = arith.constant 0 : i32
    %add3A_6 = arith.addi %mul3A_5, %add3A : i32
    "tpu.region"() ({
      %run_scoped3A = tpu.sem_alloc : memref<!tpu.dma_semaphore, #tpu.memory_space<semaphore_mem>>
      %dma_start3A = arith.constant 0 : i32
      %dma_start3A_36 = tpu.memref_slice %arg12[%add3A_6, %dma_start3A] : memref<10000x96xf32, #tpu.memory_space<vmem_shared>> -> memref<125x96xf32, #tpu.memory_space<vmem_shared>>
      %dma_start3A_37 = arith.constant 0 : i32
      %dma_start3A_38 = tpu.memref_slice %arg12[%add3A_6, %dma_start3A_37] : memref<10000x96xf32, #tpu.memory_space<vmem_shared>> -> memref<125x96xf32, #tpu.memory_space<vmem_shared>>
      tpu.enqueue_dma source(%arg11 : memref<125x96xf32, #tpu.memory_space<vmem>>) target(%dma_start3A_38 : memref<125x96xf32, #tpu.memory_space<vmem_shared>>) target_semaphore(%run_scoped3A : memref<!tpu.dma_semaphore, #tpu.memory_space<semaphore_mem>>)
      %dma_wait3A = arith.constant 0 : i32
      %dma_wait3A_39 = tpu.memref_slice %arg12[%add3A_6, %dma_wait3A] : memref<10000x96xf32, #tpu.memory_space<vmem_shared>> -> memref<125x96xf32, #tpu.memory_space<vmem_shared>>
      %dma_wait3A_40 = arith.constant 0 : i32
      %dma_wait3A_41 = tpu.memref_slice %arg12[%add3A_6, %dma_wait3A_40] : memref<10000x96xf32, #tpu.memory_space<vmem_shared>> -> memref<125x96xf32, #tpu.memory_space<vmem_shared>>
      tpu.wait_dma2 semaphore(%run_scoped3A : memref<!tpu.dma_semaphore, #tpu.memory_space<semaphore_mem>>) src(%arg11 : memref<125x96xf32, #tpu.memory_space<vmem>>) dst(%dma_wait3A_41 : memref<125x96xf32, #tpu.memory_space<vmem_shared>>)
      tpu.yield
    }) : () -> ()
    %mul3A_7 = arith.constant 625 : i32
    %mul3A_8 = arith.muli %arg1, %mul3A_7 : i32
    %add3A_9 = arith.constant 125 : i32
    %add3A_10 = arith.addi %mul3A_8, %add3A_9 : i32
    "tpu.region"() ({
      %run_scoped3A = tpu.sem_alloc : memref<!tpu.dma_semaphore, #tpu.memory_space<semaphore_mem>>
      %dma_start3A = arith.constant 0 : i32
      %dma_start3A_36 = tpu.memref_slice %arg12[%add3A_10, %dma_start3A] : memref<10000x96xf32, #tpu.memory_space<vmem_shared>> -> memref<125x96xf32, #tpu.memory_space<vmem_shared>>
      %dma_start3A_37 = arith.constant 0 : i32
      %dma_start3A_38 = tpu.memref_slice %arg12[%add3A_10, %dma_start3A_37] : memref<10000x96xf32, #tpu.memory_space<vmem_shared>> -> memref<125x96xf32, #tpu.memory_space<vmem_shared>>
      tpu.enqueue_dma source(%arg11 : memref<125x96xf32, #tpu.memory_space<vmem>>) target(%dma_start3A_38 : memref<125x96xf32, #tpu.memory_space<vmem_shared>>) target_semaphore(%run_scoped3A : memref<!tpu.dma_semaphore, #tpu.memory_space<semaphore_mem>>)
      %dma_wait3A = arith.constant 0 : i32
      %dma_wait3A_39 = tpu.memref_slice %arg12[%add3A_10, %dma_wait3A] : memref<10000x96xf32, #tpu.memory_space<vmem_shared>> -> memref<125x96xf32, #tpu.memory_space<vmem_shared>>
      %dma_wait3A_40 = arith.constant 0 : i32
      %dma_wait3A_41 = tpu.memref_slice %arg12[%add3A_10, %dma_wait3A_40] : memref<10000x96xf32, #tpu.memory_space<vmem_shared>> -> memref<125x96xf32, #tpu.memory_space<vmem_shared>>
      tpu.wait_dma2 semaphore(%run_scoped3A : memref<!tpu.dma_semaphore, #tpu.memory_space<semaphore_mem>>) src(%arg11 : memref<125x96xf32, #tpu.memory_space<vmem>>) dst(%dma_wait3A_41 : memref<125x96xf32, #tpu.memory_space<vmem_shared>>)
      tpu.yield
    }) : () -> ()
    %mul3A_11 = arith.constant 625 : i32
    %mul3A_12 = arith.muli %arg1, %mul3A_11 : i32
    %add3A_13 = arith.constant 250 : i32
    %add3A_14 = arith.addi %mul3A_12, %add3A_13 : i32
    "tpu.region"() ({
      %run_scoped3A = tpu.sem_alloc : memref<!tpu.dma_semaphore, #tpu.memory_space<semaphore_mem>>
      %dma_start3A = arith.constant 0 : i32
      %dma_start3A_36 = tpu.memref_slice %arg12[%add3A_14, %dma_start3A] : memref<10000x96xf32, #tpu.memory_space<vmem_shared>> -> memref<125x96xf32, #tpu.memory_space<vmem_shared>>
      %dma_start3A_37 = arith.constant 0 : i32
      %dma_start3A_38 = tpu.memref_slice %arg12[%add3A_14, %dma_start3A_37] : memref<10000x96xf32, #tpu.memory_space<vmem_shared>> -> memref<125x96xf32, #tpu.memory_space<vmem_shared>>
      tpu.enqueue_dma source(%arg11 : memref<125x96xf32, #tpu.memory_space<vmem>>) target(%dma_start3A_38 : memref<125x96xf32, #tpu.memory_space<vmem_shared>>) target_semaphore(%run_scoped3A : memref<!tpu.dma_semaphore, #tpu.memory_space<semaphore_mem>>)
      %dma_wait3A = arith.constant 0 : i32
      %dma_wait3A_39 = tpu.memref_slice %arg12[%add3A_14, %dma_wait3A] : memref<10000x96xf32, #tpu.memory_space<vmem_shared>> -> memref<125x96xf32, #tpu.memory_space<vmem_shared>>
      %dma_wait3A_40 = arith.constant 0 : i32
      %dma_wait3A_41 = tpu.memref_slice %arg12[%add3A_14, %dma_wait3A_40] : memref<10000x96xf32, #tpu.memory_space<vmem_shared>> -> memref<125x96xf32, #tpu.memory_space<vmem_shared>>
      tpu.wait_dma2 semaphore(%run_scoped3A : memref<!tpu.dma_semaphore, #tpu.memory_space<semaphore_mem>>) src(%arg11 : memref<125x96xf32, #tpu.memory_space<vmem>>) dst(%dma_wait3A_41 : memref<125x96xf32, #tpu.memory_space<vmem_shared>>)
      tpu.yield
    }) : () -> ()
    %mul3A_15 = arith.constant 625 : i32
    %mul3A_16 = arith.muli %arg1, %mul3A_15 : i32
    %add3A_17 = arith.constant 375 : i32
    %add3A_18 = arith.addi %mul3A_16, %add3A_17 : i32
    "tpu.region"() ({
      %run_scoped3A = tpu.sem_alloc : memref<!tpu.dma_semaphore, #tpu.memory_space<semaphore_mem>>
      %dma_start3A = arith.constant 0 : i32
      %dma_start3A_36 = tpu.memref_slice %arg12[%add3A_18, %dma_start3A] : memref<10000x96xf32, #tpu.memory_space<vmem_shared>> -> memref<125x96xf32, #tpu.memory_space<vmem_shared>>
      %dma_start3A_37 = arith.constant 0 : i32
      %dma_start3A_38 = tpu.memref_slice %arg12[%add3A_18, %dma_start3A_37] : memref<10000x96xf32, #tpu.memory_space<vmem_shared>> -> memref<125x96xf32, #tpu.memory_space<vmem_shared>>
      tpu.enqueue_dma source(%arg11 : memref<125x96xf32, #tpu.memory_space<vmem>>) target(%dma_start3A_38 : memref<125x96xf32, #tpu.memory_space<vmem_shared>>) target_semaphore(%run_scoped3A : memref<!tpu.dma_semaphore, #tpu.memory_space<semaphore_mem>>)
      %dma_wait3A = arith.constant 0 : i32
      %dma_wait3A_39 = tpu.memref_slice %arg12[%add3A_18, %dma_wait3A] : memref<10000x96xf32, #tpu.memory_space<vmem_shared>> -> memref<125x96xf32, #tpu.memory_space<vmem_shared>>
      %dma_wait3A_40 = arith.constant 0 : i32
      %dma_wait3A_41 = tpu.memref_slice %arg12[%add3A_18, %dma_wait3A_40] : memref<10000x96xf32, #tpu.memory_space<vmem_shared>> -> memref<125x96xf32, #tpu.memory_space<vmem_shared>>
      tpu.wait_dma2 semaphore(%run_scoped3A : memref<!tpu.dma_semaphore, #tpu.memory_space<semaphore_mem>>) src(%arg11 : memref<125x96xf32, #tpu.memory_space<vmem>>) dst(%dma_wait3A_41 : memref<125x96xf32, #tpu.memory_space<vmem_shared>>)
      tpu.yield
    }) : () -> ()
    %mul3A_19 = arith.constant 625 : i32
    %mul3A_20 = arith.muli %arg1, %mul3A_19 : i32
    %add3A_21 = arith.constant 500 : i32
    %add3A_22 = arith.addi %mul3A_20, %add3A_21 : i32
    "tpu.region"() ({
      %run_scoped3A = tpu.sem_alloc : memref<!tpu.dma_semaphore, #tpu.memory_space<semaphore_mem>>
      %dma_start3A = arith.constant 0 : i32
      %dma_start3A_36 = tpu.memref_slice %arg12[%add3A_22, %dma_start3A] : memref<10000x96xf32, #tpu.memory_space<vmem_shared>> -> memref<125x96xf32, #tpu.memory_space<vmem_shared>>
      %dma_start3A_37 = arith.constant 0 : i32
      %dma_start3A_38 = tpu.memref_slice %arg12[%add3A_22, %dma_start3A_37] : memref<10000x96xf32, #tpu.memory_space<vmem_shared>> -> memref<125x96xf32, #tpu.memory_space<vmem_shared>>
      tpu.enqueue_dma source(%arg11 : memref<125x96xf32, #tpu.memory_space<vmem>>) target(%dma_start3A_38 : memref<125x96xf32, #tpu.memory_space<vmem_shared>>) target_semaphore(%run_scoped3A : memref<!tpu.dma_semaphore, #tpu.memory_space<semaphore_mem>>)
      %dma_wait3A = arith.constant 0 : i32
      %dma_wait3A_39 = tpu.memref_slice %arg12[%add3A_22, %dma_wait3A] : memref<10000x96xf32, #tpu.memory_space<vmem_shared>> -> memref<125x96xf32, #tpu.memory_space<vmem_shared>>
      %dma_wait3A_40 = arith.constant 0 : i32
      %dma_wait3A_41 = tpu.memref_slice %arg12[%add3A_22, %dma_wait3A_40] : memref<10000x96xf32, #tpu.memory_space<vmem_shared>> -> memref<125x96xf32, #tpu.memory_space<vmem_shared>>
      tpu.wait_dma2 semaphore(%run_scoped3A : memref<!tpu.dma_semaphore, #tpu.memory_space<semaphore_mem>>) src(%arg11 : memref<125x96xf32, #tpu.memory_space<vmem>>) dst(%dma_wait3A_41 : memref<125x96xf32, #tpu.memory_space<vmem_shared>>)
      tpu.yield
    }) : () -> ()
    %barrier3A = arith.constant 0 : index
    tpu.barrier barrier_id(%barrier3A)
    %mul3A_23 = arith.constant 10112 : i32
    %mul3A_24 = arith.muli %arg1, %mul3A_23 : i32
    %scan3A_25 = arith.constant 0 : i32
    %scan3A_26 = arith.constant 0 : i32
    %scan3A_27 = arith.constant 79 : i32
    %scan3A_28 = arith.addi %scan3A_26, %scan3A_27 : i32
    %scan3A_29 = arith.constant 1 : i32
    scf.for %scan3A_36 = %scan3A_26 to %scan3A_28 step %scan3A_29  : i32 {
      %mul3A_37 = arith.constant 128 : i32
      %mul3A_38 = arith.muli %scan3A_36, %mul3A_37 : i32
      %add3A_39 = arith.addi %mul3A_24, %mul3A_38 : i32
      "tpu.region"() ({
        %run_scoped3A = tpu.sem_alloc : memref<!tpu.dma_semaphore, #tpu.memory_space<semaphore_mem>>
        %dma_start3A_58 = tpu.memref_slice %arg4[%add3A_39] : memref<161792xi32, #tpu.memory_space<hbm>> -> memref<128xi32, #tpu.memory_space<hbm>>
        %dma_start3A_59 = tpu.memref_slice %arg4[%add3A_39] : memref<161792xi32, #tpu.memory_space<hbm>> -> memref<128xi32, #tpu.memory_space<hbm>>
        tpu.enqueue_dma source(%dma_start3A_59 : memref<128xi32, #tpu.memory_space<hbm>>) target(%arg7 : memref<128xi32, #tpu.memory_space<vmem>>) target_semaphore(%run_scoped3A : memref<!tpu.dma_semaphore, #tpu.memory_space<semaphore_mem>>)
        %dma_wait3A_60 = tpu.memref_slice %arg4[%add3A_39] : memref<161792xi32, #tpu.memory_space<hbm>> -> memref<128xi32, #tpu.memory_space<hbm>>
        %dma_wait3A_61 = tpu.memref_slice %arg4[%add3A_39] : memref<161792xi32, #tpu.memory_space<hbm>> -> memref<128xi32, #tpu.memory_space<hbm>>
        tpu.wait_dma2 semaphore(%run_scoped3A : memref<!tpu.dma_semaphore, #tpu.memory_space<semaphore_mem>>) src(%dma_wait3A_61 : memref<128xi32, #tpu.memory_space<hbm>>) dst(%arg7 : memref<128xi32, #tpu.memory_space<vmem>>)
        tpu.yield
      }) : () -> ()
      "tpu.region"() ({
        %run_scoped3A = tpu.sem_alloc : memref<!tpu.dma_semaphore, #tpu.memory_space<semaphore_mem>>
        %dma_start3A_58 = tpu.memref_slice %arg5[%add3A_39] : memref<161792xi32, #tpu.memory_space<hbm>> -> memref<128xi32, #tpu.memory_space<hbm>>
        %dma_start3A_59 = tpu.memref_slice %arg5[%add3A_39] : memref<161792xi32, #tpu.memory_space<hbm>> -> memref<128xi32, #tpu.memory_space<hbm>>
        tpu.enqueue_dma source(%dma_start3A_59 : memref<128xi32, #tpu.memory_space<hbm>>) target(%arg8 : memref<128xi32, #tpu.memory_space<vmem>>) target_semaphore(%run_scoped3A : memref<!tpu.dma_semaphore, #tpu.memory_space<semaphore_mem>>)
        %dma_wait3A_60 = tpu.memref_slice %arg5[%add3A_39] : memref<161792xi32, #tpu.memory_space<hbm>> -> memref<128xi32, #tpu.memory_space<hbm>>
        %dma_wait3A_61 = tpu.memref_slice %arg5[%add3A_39] : memref<161792xi32, #tpu.memory_space<hbm>> -> memref<128xi32, #tpu.memory_space<hbm>>
        tpu.wait_dma2 semaphore(%run_scoped3A : memref<!tpu.dma_semaphore, #tpu.memory_space<semaphore_mem>>) src(%dma_wait3A_61 : memref<128xi32, #tpu.memory_space<hbm>>) dst(%arg8 : memref<128xi32, #tpu.memory_space<vmem>>)
        tpu.yield
      }) : () -> ()
      %dma_start3A = arith.constant 0 : i32
      %dma_start3A_40 = arith.constant 0 : i32
      %dma_start3A_41 = tpu.memref_slice %arg2[%arg0, %dma_start3A, %dma_start3A_40] : memref<2x10000x96xf32, #tpu.memory_space<hbm>> -> memref<1x10000x96xf32, #tpu.memory_space<hbm>>
      %dma_start3A_42 = tpu.memref_squeeze %dma_start3A_41 : memref<1x10000x96xf32, #tpu.memory_space<hbm>> -> memref<10000x96xf32, #tpu.memory_space<hbm>>
      %dma_start3A_43 = arith.constant 0 : i32
      %dma_start3A_44 = arith.constant 0 : i32
      %dma_start3A_45 = tpu.memref_slice %dma_start3A_42[%dma_start3A_43, %dma_start3A_44] : memref<10000x96xf32, #tpu.memory_space<hbm>> -> memref<10000x96xf32, #tpu.memory_space<hbm>>
      tpu.enqueue_indirect_dma source(%dma_start3A_45 : memref<10000x96xf32, #tpu.memory_space<hbm>>) target(%arg9 : memref<128x96xf32, #tpu.memory_space<vmem>>) offsets(%arg7 : memref<128xi32, #tpu.memory_space<vmem>>) semaphore(%arg13 : memref<!tpu.dma_semaphore, #tpu.memory_space<semaphore_mem>>)
      %dma_wait3A = arith.constant 0 : i32
      %dma_wait3A_46 = arith.constant 0 : i32
      %dma_wait3A_47 = tpu.memref_slice %arg2[%arg0, %dma_wait3A, %dma_wait3A_46] : memref<2x10000x96xf32, #tpu.memory_space<hbm>> -> memref<1x10000x96xf32, #tpu.memory_space<hbm>>
      %dma_wait3A_48 = tpu.memref_squeeze %dma_wait3A_47 : memref<1x10000x96xf32, #tpu.memory_space<hbm>> -> memref<10000x96xf32, #tpu.memory_space<hbm>>
      %dma_wait3A_49 = arith.constant 0 : i32
      %dma_wait3A_50 = arith.constant 0 : i32
      %dma_wait3A_51 = tpu.memref_slice %dma_wait3A_48[%dma_wait3A_49, %dma_wait3A_50] : memref<10000x96xf32, #tpu.memory_space<hbm>> -> memref<10000x96xf32, #tpu.memory_space<hbm>>
      tpu.wait_indirect_dma semaphore(%arg13 : memref<!tpu.dma_semaphore, #tpu.memory_space<semaphore_mem>>) src(%dma_wait3A_51 : memref<10000x96xf32, #tpu.memory_space<hbm>>) dst(%arg9 : memref<128x96xf32, #tpu.memory_space<vmem>>)
      "tpu.region"() ({
        %run_scoped3A = tpu.sem_alloc : memref<!tpu.dma_semaphore, #tpu.memory_space<semaphore_mem>>
        %dma_start3A_58 = arith.constant 0 : i32
        %dma_start3A_59 = tpu.memref_slice %arg3[%arg0, %add3A_39, %dma_start3A_58] : memref<2x161792x96xf32, #tpu.memory_space<hbm>> -> memref<1x128x96xf32, #tpu.memory_space<hbm>>
        %dma_start3A_60 = tpu.memref_squeeze %dma_start3A_59 : memref<1x128x96xf32, #tpu.memory_space<hbm>> -> memref<128x96xf32, #tpu.memory_space<hbm>>
        %dma_start3A_61 = arith.constant 0 : i32
        %dma_start3A_62 = tpu.memref_slice %arg3[%arg0, %add3A_39, %dma_start3A_61] : memref<2x161792x96xf32, #tpu.memory_space<hbm>> -> memref<1x128x96xf32, #tpu.memory_space<hbm>>
        %dma_start3A_63 = tpu.memref_squeeze %dma_start3A_62 : memref<1x128x96xf32, #tpu.memory_space<hbm>> -> memref<128x96xf32, #tpu.memory_space<hbm>>
        tpu.enqueue_dma source(%dma_start3A_63 : memref<128x96xf32, #tpu.memory_space<hbm>>) target(%arg10 : memref<128x96xf32, #tpu.memory_space<vmem>>) target_semaphore(%run_scoped3A : memref<!tpu.dma_semaphore, #tpu.memory_space<semaphore_mem>>)
        %dma_wait3A_64 = arith.constant 0 : i32
        %dma_wait3A_65 = tpu.memref_slice %arg3[%arg0, %add3A_39, %dma_wait3A_64] : memref<2x161792x96xf32, #tpu.memory_space<hbm>> -> memref<1x128x96xf32, #tpu.memory_space<hbm>>
        %dma_wait3A_66 = tpu.memref_squeeze %dma_wait3A_65 : memref<1x128x96xf32, #tpu.memory_space<hbm>> -> memref<128x96xf32, #tpu.memory_space<hbm>>
        %dma_wait3A_67 = arith.constant 0 : i32
        %dma_wait3A_68 = tpu.memref_slice %arg3[%arg0, %add3A_39, %dma_wait3A_67] : memref<2x161792x96xf32, #tpu.memory_space<hbm>> -> memref<1x128x96xf32, #tpu.memory_space<hbm>>
        %dma_wait3A_69 = tpu.memref_squeeze %dma_wait3A_68 : memref<1x128x96xf32, #tpu.memory_space<hbm>> -> memref<128x96xf32, #tpu.memory_space<hbm>>
        tpu.wait_dma2 semaphore(%run_scoped3A : memref<!tpu.dma_semaphore, #tpu.memory_space<semaphore_mem>>) src(%dma_wait3A_69 : memref<128x96xf32, #tpu.memory_space<hbm>>) dst(%arg10 : memref<128x96xf32, #tpu.memory_space<vmem>>)
        tpu.yield
      }) : () -> ()
      %scan3A_52 = arith.constant 0 : i32
      %scan3A_53 = arith.constant 0 : i32
      %scan3A_54 = arith.constant 128 : i32
      %scan3A_55 = arith.addi %scan3A_53, %scan3A_54 : i32
      %scan3A_56 = arith.constant 1 : i32
      scf.for %scan3A_58 = %scan3A_53 to %scan3A_55 step %scan3A_56  : i32 {
        %get3A = arith.index_cast %scan3A_58 : i32 to index
        %get3A_59 = arith.constant 0 : index
        %get3A_60 = tpu.vector_load %arg10[%get3A, %get3A_59] {strides = array<i32>} : memref<128x96xf32, #tpu.memory_space<vmem>>, vector<1x16xf32>,
        %get3A_61 = vector.shape_cast %get3A_60 : vector<1x16xf32> to vector<16xf32>
        %get3A_62 = arith.index_cast %scan3A_58 : i32 to index
        %get3A_63 = arith.constant 0 : index
        %get3A_64 = tpu.vector_load %arg9[%get3A_62, %get3A_63] {strides = array<i32>} : memref<128x96xf32, #tpu.memory_space<vmem>>, vector<1x16xf32>,
        %get3A_65 = vector.shape_cast %get3A_64 : vector<1x16xf32> to vector<16xf32>
        %mul3A_66 = arith.mulf %get3A_61, %get3A_65 : vector<16xf32>
        %swap3A = arith.index_cast %scan3A_58 : i32 to index
        %swap3A_67 = arith.constant 0 : index
        %swap3A_68 = tpu.vector_load %arg10[%swap3A, %swap3A_67] {strides = array<i32>} : memref<128x96xf32, #tpu.memory_space<vmem>>, vector<1x16xf32>,
        %swap3A_69 = vector.shape_cast %swap3A_68 : vector<1x16xf32> to vector<16xf32>
        %swap3A_70 = vector.shape_cast %mul3A_66 : vector<16xf32> to vector<1x16xf32>
        tpu.vector_store %arg10[%swap3A, %swap3A_67], %swap3A_70 {strides = array<i32>} : memref<128x96xf32, #tpu.memory_space<vmem>>, vector<1x16xf32>,
        %get3A_71 = arith.index_cast %scan3A_58 : i32 to index
        %get3A_72 = arith.constant 16 : index
        %get3A_73 = tpu.vector_load %arg10[%get3A_71, %get3A_72] {strides = array<i32>} : memref<128x96xf32, #tpu.memory_space<vmem>>, vector<1x16xf32>,
        %get3A_74 = vector.shape_cast %get3A_73 : vector<1x16xf32> to vector<16xf32>
        %get3A_75 = arith.index_cast %scan3A_58 : i32 to index
        %get3A_76 = arith.constant 16 : index
        %get3A_77 = tpu.vector_load %arg9[%get3A_75, %get3A_76] {strides = array<i32>} : memref<128x96xf32, #tpu.memory_space<vmem>>, vector<1x16xf32>,
        %get3A_78 = vector.shape_cast %get3A_77 : vector<1x16xf32> to vector<16xf32>
        %mul3A_79 = arith.mulf %get3A_74, %get3A_78 : vector<16xf32>
        %swap3A_80 = arith.index_cast %scan3A_58 : i32 to index
        %swap3A_81 = arith.constant 16 : index
        %swap3A_82 = tpu.vector_load %arg10[%swap3A_80, %swap3A_81] {strides = array<i32>} : memref<128x96xf32, #tpu.memory_space<vmem>>, vector<1x16xf32>,
        %swap3A_83 = vector.shape_cast %swap3A_82 : vector<1x16xf32> to vector<16xf32>
        %swap3A_84 = vector.shape_cast %mul3A_79 : vector<16xf32> to vector<1x16xf32>
        tpu.vector_store %arg10[%swap3A_80, %swap3A_81], %swap3A_84 {strides = array<i32>} : memref<128x96xf32, #tpu.memory_space<vmem>>, vector<1x16xf32>,
        %get3A_85 = arith.index_cast %scan3A_58 : i32 to index
        %get3A_86 = arith.constant 32 : index
        %get3A_87 = tpu.vector_load %arg10[%get3A_85, %get3A_86] {strides = array<i32>} : memref<128x96xf32, #tpu.memory_space<vmem>>, vector<1x16xf32>,
        %get3A_88 = vector.shape_cast %get3A_87 : vector<1x16xf32> to vector<16xf32>
        %get3A_89 = arith.index_cast %scan3A_58 : i32 to index
        %get3A_90 = arith.constant 32 : index
        %get3A_91 = tpu.vector_load %arg9[%get3A_89, %get3A_90] {strides = array<i32>} : memref<128x96xf32, #tpu.memory_space<vmem>>, vector<1x16xf32>,
        %get3A_92 = vector.shape_cast %get3A_91 : vector<1x16xf32> to vector<16xf32>
        %mul3A_93 = arith.mulf %get3A_88, %get3A_92 : vector<16xf32>
        %swap3A_94 = arith.index_cast %scan3A_58 : i32 to index
        %swap3A_95 = arith.constant 32 : index
        %swap3A_96 = tpu.vector_load %arg10[%swap3A_94, %swap3A_95] {strides = array<i32>} : memref<128x96xf32, #tpu.memory_space<vmem>>, vector<1x16xf32>,
        %swap3A_97 = vector.shape_cast %swap3A_96 : vector<1x16xf32> to vector<16xf32>
        %swap3A_98 = vector.shape_cast %mul3A_93 : vector<16xf32> to vector<1x16xf32>
        tpu.vector_store %arg10[%swap3A_94, %swap3A_95], %swap3A_98 {strides = array<i32>} : memref<128x96xf32, #tpu.memory_space<vmem>>, vector<1x16xf32>,
        %get3A_99 = arith.index_cast %scan3A_58 : i32 to index
        %get3A_100 = arith.constant 48 : index
        %get3A_101 = tpu.vector_load %arg10[%get3A_99, %get3A_100] {strides = array<i32>} : memref<128x96xf32, #tpu.memory_space<vmem>>, vector<1x16xf32>,
        %get3A_102 = vector.shape_cast %get3A_101 : vector<1x16xf32> to vector<16xf32>
        %get3A_103 = arith.index_cast %scan3A_58 : i32 to index
        %get3A_104 = arith.constant 48 : index
        %get3A_105 = tpu.vector_load %arg9[%get3A_103, %get3A_104] {strides = array<i32>} : memref<128x96xf32, #tpu.memory_space<vmem>>, vector<1x16xf32>,
        %get3A_106 = vector.shape_cast %get3A_105 : vector<1x16xf32> to vector<16xf32>
        %mul3A_107 = arith.mulf %get3A_102, %get3A_106 : vector<16xf32>
        %swap3A_108 = arith.index_cast %scan3A_58 : i32 to index
        %swap3A_109 = arith.constant 48 : index
        %swap3A_110 = tpu.vector_load %arg10[%swap3A_108, %swap3A_109] {strides = array<i32>} : memref<128x96xf32, #tpu.memory_space<vmem>>, vector<1x16xf32>,
        %swap3A_111 = vector.shape_cast %swap3A_110 : vector<1x16xf32> to vector<16xf32>
        %swap3A_112 = vector.shape_cast %mul3A_107 : vector<16xf32> to vector<1x16xf32>
        tpu.vector_store %arg10[%swap3A_108, %swap3A_109], %swap3A_112 {strides = array<i32>} : memref<128x96xf32, #tpu.memory_space<vmem>>, vector<1x16xf32>,
        %get3A_113 = arith.index_cast %scan3A_58 : i32 to index
        %get3A_114 = arith.constant 64 : index
        %get3A_115 = tpu.vector_load %arg10[%get3A_113, %get3A_114] {strides = array<i32>} : memref<128x96xf32, #tpu.memory_space<vmem>>, vector<1x16xf32>,
        %get3A_116 = vector.shape_cast %get3A_115 : vector<1x16xf32> to vector<16xf32>
        %get3A_117 = arith.index_cast %scan3A_58 : i32 to index
        %get3A_118 = arith.constant 64 : index
        %get3A_119 = tpu.vector_load %arg9[%get3A_117, %get3A_118] {strides = array<i32>} : memref<128x96xf32, #tpu.memory_space<vmem>>, vector<1x16xf32>,
        %get3A_120 = vector.shape_cast %get3A_119 : vector<1x16xf32> to vector<16xf32>
        %mul3A_121 = arith.mulf %get3A_116, %get3A_120 : vector<16xf32>
        %swap3A_122 = arith.index_cast %scan3A_58 : i32 to index
        %swap3A_123 = arith.constant 64 : index
        %swap3A_124 = tpu.vector_load %arg10[%swap3A_122, %swap3A_123] {strides = array<i32>} : memref<128x96xf32, #tpu.memory_space<vmem>>, vector<1x16xf32>,
        %swap3A_125 = vector.shape_cast %swap3A_124 : vector<1x16xf32> to vector<16xf32>
        %swap3A_126 = vector.shape_cast %mul3A_121 : vector<16xf32> to vector<1x16xf32>
        tpu.vector_store %arg10[%swap3A_122, %swap3A_123], %swap3A_126 {strides = array<i32>} : memref<128x96xf32, #tpu.memory_space<vmem>>, vector<1x16xf32>,
        %get3A_127 = arith.index_cast %scan3A_58 : i32 to index
        %get3A_128 = arith.constant 80 : index
        %get3A_129 = tpu.vector_load %arg10[%get3A_127, %get3A_128] {strides = array<i32>} : memref<128x96xf32, #tpu.memory_space<vmem>>, vector<1x16xf32>,
        %get3A_130 = vector.shape_cast %get3A_129 : vector<1x16xf32> to vector<16xf32>
        %get3A_131 = arith.index_cast %scan3A_58 : i32 to index
        %get3A_132 = arith.constant 80 : index
        %get3A_133 = tpu.vector_load %arg9[%get3A_131, %get3A_132] {strides = array<i32>} : memref<128x96xf32, #tpu.memory_space<vmem>>, vector<1x16xf32>,
        %get3A_134 = vector.shape_cast %get3A_133 : vector<1x16xf32> to vector<16xf32>
        %mul3A_135 = arith.mulf %get3A_130, %get3A_134 : vector<16xf32>
        %swap3A_136 = arith.index_cast %scan3A_58 : i32 to index
        %swap3A_137 = arith.constant 80 : index
        %swap3A_138 = tpu.vector_load %arg10[%swap3A_136, %swap3A_137] {strides = array<i32>} : memref<128x96xf32, #tpu.memory_space<vmem>>, vector<1x16xf32>,
        %swap3A_139 = vector.shape_cast %swap3A_138 : vector<1x16xf32> to vector<16xf32>
        %swap3A_140 = vector.shape_cast %mul3A_135 : vector<16xf32> to vector<1x16xf32>
        tpu.vector_store %arg10[%swap3A_136, %swap3A_137], %swap3A_140 {strides = array<i32>} : memref<128x96xf32, #tpu.memory_space<vmem>>, vector<1x16xf32>,
      }
      %scan3A_57 = arith.constant 128 : i32
      "tpu.region"() ({
        %run_scoped3A = tpu.sem_alloc : memref<!tpu.dma_semaphore, #tpu.memory_space<semaphore_mem>>
        %dma_start3A_58 = arith.constant 0 : i32
        %dma_start3A_59 = arith.constant 0 : i32
        %dma_start3A_60 = tpu.memref_slice %arg12[%dma_start3A_58, %dma_start3A_59] : memref<10000x96xf32, #tpu.memory_space<vmem_shared>> -> memref<10000x96xf32, #tpu.memory_space<vmem_shared>>
        tpu.enqueue_indirect_dma source(%arg10 : memref<128x96xf32, #tpu.memory_space<vmem>>) target(%dma_start3A_60 : memref<10000x96xf32, #tpu.memory_space<vmem_shared>>) offsets(%arg8 : memref<128xi32, #tpu.memory_space<vmem>>) semaphore(%run_scoped3A : memref<!tpu.dma_semaphore, #tpu.memory_space<semaphore_mem>>) {add = true}
        %dma_wait3A_61 = arith.constant 0 : i32
        %dma_wait3A_62 = arith.constant 0 : i32
        %dma_wait3A_63 = tpu.memref_slice %arg12[%dma_wait3A_61, %dma_wait3A_62] : memref<10000x96xf32, #tpu.memory_space<vmem_shared>> -> memref<10000x96xf32, #tpu.memory_space<vmem_shared>>
        tpu.wait_indirect_dma semaphore(%run_scoped3A : memref<!tpu.dma_semaphore, #tpu.memory_space<semaphore_mem>>) src(%arg10 : memref<128x96xf32, #tpu.memory_space<vmem>>) dst(%dma_wait3A_63 : memref<10000x96xf32, #tpu.memory_space<vmem_shared>>)
        tpu.yield
      }) : () -> ()
    }
    %scan3A_30 = arith.constant 79 : i32
    %barrier3A_31 = arith.constant 0 : index
    tpu.barrier barrier_id(%barrier3A_31)
    %mul3A_32 = arith.constant 625 : i32
    %mul3A_33 = arith.muli %arg1, %mul3A_32 : i32
    %mul3A_34 = arith.constant 625 : i32
    %mul3A_35 = arith.muli %arg1, %mul3A_34 : i32
    "tpu.region"() ({
      %run_scoped3A = tpu.sem_alloc : memref<!tpu.dma_semaphore, #tpu.memory_space<semaphore_mem>>
      %dma_start3A = arith.constant 0 : i32
      %dma_start3A_36 = tpu.memref_slice %arg6[%arg0, %mul3A_35, %dma_start3A] : memref<2x10000x96xf32, #tpu.memory_space<hbm>> -> memref<1x625x96xf32, #tpu.memory_space<hbm>>
      %dma_start3A_37 = tpu.memref_squeeze %dma_start3A_36 : memref<1x625x96xf32, #tpu.memory_space<hbm>> -> memref<625x96xf32, #tpu.memory_space<hbm>>
      %dma_start3A_38 = arith.constant 0 : i32
      %dma_start3A_39 = tpu.memref_slice %arg12[%mul3A_33, %dma_start3A_38] : memref<10000x96xf32, #tpu.memory_space<vmem_shared>> -> memref<625x96xf32, #tpu.memory_space<vmem_shared>>
      tpu.enqueue_dma source(%dma_start3A_39 : memref<625x96xf32, #tpu.memory_space<vmem_shared>>) target(%dma_start3A_37 : memref<625x96xf32, #tpu.memory_space<hbm>>) target_semaphore(%run_scoped3A : memref<!tpu.dma_semaphore, #tpu.memory_space<semaphore_mem>>)
      %dma_wait3A = arith.constant 0 : i32
      %dma_wait3A_40 = tpu.memref_slice %arg6[%arg0, %mul3A_35, %dma_wait3A] : memref<2x10000x96xf32, #tpu.memory_space<hbm>> -> memref<1x625x96xf32, #tpu.memory_space<hbm>>
      %dma_wait3A_41 = tpu.memref_squeeze %dma_wait3A_40 : memref<1x625x96xf32, #tpu.memory_space<hbm>> -> memref<625x96xf32, #tpu.memory_space<hbm>>
      %dma_wait3A_42 = arith.constant 0 : i32
      %dma_wait3A_43 = tpu.memref_slice %arg12[%mul3A_33, %dma_wait3A_42] : memref<10000x96xf32, #tpu.memory_space<vmem_shared>> -> memref<625x96xf32, #tpu.memory_space<vmem_shared>>
      tpu.wait_dma2 semaphore(%run_scoped3A : memref<!tpu.dma_semaphore, #tpu.memory_space<semaphore_mem>>) src(%dma_wait3A_43 : memref<625x96xf32, #tpu.memory_space<vmem_shared>>) dst(%dma_wait3A_41 : memref<625x96xf32, #tpu.memory_space<hbm>>)
      tpu.yield
    }) : () -> ()
    return
  }
}

#map = affine_map<(d0, d1) -> (0, 0, 0)>
#map1 = affine_map<(d0, d1) -> (0)>
module attributes {stable_mosaic.version = 14 : i64} {
  func.func @_sc_message_pass(%arg0: i32, %arg1: i32, %arg2: memref<2x10000x96xf32, #tpu.memory_space<hbm>>, %arg3: memref<2x161792x96xf32, #tpu.memory_space<hbm>>, %arg4: memref<161792xi32, #tpu.memory_space<hbm>>, %arg5: memref<161792xi32, #tpu.memory_space<hbm>>, %arg6: memref<2x10000x96xf32, #tpu.memory_space<hbm>>, %arg7: memref<128xi32, #tpu.memory_space<vmem>>, %arg8: memref<128xi32, #tpu.memory_space<vmem>>, %arg9: memref<128x96xf32, #tpu.memory_space<vmem>>, %arg10: memref<128x96xf32, #tpu.memory_space<vmem>>, %arg11: memref<125x96xf32, #tpu.memory_space<vmem>>, %arg12: memref<10000x96xf32, #tpu.memory_space<vmem_shared>>, %arg13: memref<!tpu.dma_semaphore, #tpu.memory_space<semaphore_mem>>) attributes {dimension_semantics = [#tpu.dimension_semantics<core_parallel>, #tpu.dimension_semantics<subcore_parallel>], iteration_bounds = array<i64: 2, 16>, scalar_prefetch = 0 : i64, scratch_operands = 7 : i64, tpu.core_type = #tpu.core_type<sc_vector_subcore>, window_params = [{transform_indices = #map}, {transform_indices = #map}, {transform_indices = #map1}, {transform_indices = #map1}, {transform_indices = #map}]} {
    %scan3A = arith.constant 0 : i32
    %scan3A_0 = arith.constant 0 : i32
    %scan3A_1 = arith.constant 125 : i32
    %scan3A_2 = arith.addi %scan3A_0, %scan3A_1 : i32
    %scan3A_3 = arith.constant 1 : i32
    scf.for %scan3A_36 = %scan3A_0 to %scan3A_2 step %scan3A_3  : i32 {
      %broadcast_in_dim3A = arith.constant 0.000000e+00 : f32
      %broadcast_in_dim3A_37 = vector.broadcast %broadcast_in_dim3A : f32 to vector<16xf32>
      %swap3A = arith.index_cast %scan3A_36 : i32 to index
      %swap3A_38 = arith.constant 0 : index
      %swap3A_39 = tpu.vector_load %arg11[%swap3A, %swap3A_38] {strides = array<i32>} : memref<125x96xf32, #tpu.memory_space<vmem>>, vector<1x16xf32>,
      %swap3A_40 = vector.shape_cast %swap3A_39 : vector<1x16xf32> to vector<16xf32>
      %swap3A_41 = vector.shape_cast %broadcast_in_dim3A_37 : vector<16xf32> to vector<1x16xf32>
      tpu.vector_store %arg11[%swap3A, %swap3A_38], %swap3A_41 {strides = array<i32>} : memref<125x96xf32, #tpu.memory_space<vmem>>, vector<1x16xf32>,
      %broadcast_in_dim3A_42 = arith.constant 0.000000e+00 : f32
      %broadcast_in_dim3A_43 = vector.broadcast %broadcast_in_dim3A_42 : f32 to vector<16xf32>
      %swap3A_44 = arith.index_cast %scan3A_36 : i32 to index
      %swap3A_45 = arith.constant 16 : index
      %swap3A_46 = tpu.vector_load %arg11[%swap3A_44, %swap3A_45] {strides = array<i32>} : memref<125x96xf32, #tpu.memory_space<vmem>>, vector<1x16xf32>,
      %swap3A_47 = vector.shape_cast %swap3A_46 : vector<1x16xf32> to vector<16xf32>
      %swap3A_48 = vector.shape_cast %broadcast_in_dim3A_43 : vector<16xf32> to vector<1x16xf32>
      tpu.vector_store %arg11[%swap3A_44, %swap3A_45], %swap3A_48 {strides = array<i32>} : memref<125x96xf32, #tpu.memory_space<vmem>>, vector<1x16xf32>,
      %broadcast_in_dim3A_49 = arith.constant 0.000000e+00 : f32
      %broadcast_in_dim3A_50 = vector.broadcast %broadcast_in_dim3A_49 : f32 to vector<16xf32>
      %swap3A_51 = arith.index_cast %scan3A_36 : i32 to index
      %swap3A_52 = arith.constant 32 : index
      %swap3A_53 = tpu.vector_load %arg11[%swap3A_51, %swap3A_52] {strides = array<i32>} : memref<125x96xf32, #tpu.memory_space<vmem>>, vector<1x16xf32>,
      %swap3A_54 = vector.shape_cast %swap3A_53 : vector<1x16xf32> to vector<16xf32>
      %swap3A_55 = vector.shape_cast %broadcast_in_dim3A_50 : vector<16xf32> to vector<1x16xf32>
      tpu.vector_store %arg11[%swap3A_51, %swap3A_52], %swap3A_55 {strides = array<i32>} : memref<125x96xf32, #tpu.memory_space<vmem>>, vector<1x16xf32>,
      %broadcast_in_dim3A_56 = arith.constant 0.000000e+00 : f32
      %broadcast_in_dim3A_57 = vector.broadcast %broadcast_in_dim3A_56 : f32 to vector<16xf32>
      %swap3A_58 = arith.index_cast %scan3A_36 : i32 to index
      %swap3A_59 = arith.constant 48 : index
      %swap3A_60 = tpu.vector_load %arg11[%swap3A_58, %swap3A_59] {strides = array<i32>} : memref<125x96xf32, #tpu.memory_space<vmem>>, vector<1x16xf32>,
      %swap3A_61 = vector.shape_cast %swap3A_60 : vector<1x16xf32> to vector<16xf32>
      %swap3A_62 = vector.shape_cast %broadcast_in_dim3A_57 : vector<16xf32> to vector<1x16xf32>
      tpu.vector_store %arg11[%swap3A_58, %swap3A_59], %swap3A_62 {strides = array<i32>} : memref<125x96xf32, #tpu.memory_space<vmem>>, vector<1x16xf32>,
      %broadcast_in_dim3A_63 = arith.constant 0.000000e+00 : f32
      %broadcast_in_dim3A_64 = vector.broadcast %broadcast_in_dim3A_63 : f32 to vector<16xf32>
      %swap3A_65 = arith.index_cast %scan3A_36 : i32 to index
      %swap3A_66 = arith.constant 64 : index
      %swap3A_67 = tpu.vector_load %arg11[%swap3A_65, %swap3A_66] {strides = array<i32>} : memref<125x96xf32, #tpu.memory_space<vmem>>, vector<1x16xf32>,
      %swap3A_68 = vector.shape_cast %swap3A_67 : vector<1x16xf32> to vector<16xf32>
      %swap3A_69 = vector.shape_cast %broadcast_in_dim3A_64 : vector<16xf32> to vector<1x16xf32>
      tpu.vector_store %arg11[%swap3A_65, %swap3A_66], %swap3A_69 {strides = array<i32>} : memref<125x96xf32, #tpu.memory_space<vmem>>, vector<1x16xf32>,
      %broadcast_in_dim3A_70 = arith.constant 0.000000e+00 : f32
      %broadcast_in_dim3A_71 = vector.broadcast %broadcast_in_dim3A_70 : f32 to vector<16xf32>
      %swap3A_72 = arith.index_cast %scan3A_36 : i32 to index
      %swap3A_73 = arith.constant 80 : index
      %swap3A_74 = tpu.vector_load %arg11[%swap3A_72, %swap3A_73] {strides = array<i32>} : memref<125x96xf32, #tpu.memory_space<vmem>>, vector<1x16xf32>,
      %swap3A_75 = vector.shape_cast %swap3A_74 : vector<1x16xf32> to vector<16xf32>
      %swap3A_76 = vector.shape_cast %broadcast_in_dim3A_71 : vector<16xf32> to vector<1x16xf32>
      tpu.vector_store %arg11[%swap3A_72, %swap3A_73], %swap3A_76 {strides = array<i32>} : memref<125x96xf32, #tpu.memory_space<vmem>>, vector<1x16xf32>,
    }
    %scan3A_4 = arith.constant 125 : i32
    %mul3A = arith.constant 625 : i32
    %mul3A_5 = arith.muli %arg1, %mul3A : i32
    %add3A = arith.constant 0 : i32
    %add3A_6 = arith.addi %mul3A_5, %add3A : i32
    "tpu.region"() ({
      %run_scoped3A = tpu.sem_alloc : memref<!tpu.dma_semaphore, #tpu.memory_space<semaphore_mem>>
      %dma_start3A = arith.constant 0 : i32
      %dma_start3A_36 = tpu.memref_slice %arg12[%add3A_6, %dma_start3A] : memref<10000x96xf32, #tpu.memory_space<vmem_shared>> -> memref<125x96xf32, #tpu.memory_space<vmem_shared>>
      %dma_start3A_37 = arith.constant 0 : i32
      %dma_start3A_38 = tpu.memref_slice %arg12[%add3A_6, %dma_start3A_37] : memref<10000x96xf32, #tpu.memory_space<vmem_shared>> -> memref<125x96xf32, #tpu.memory_space<vmem_shared>>
      tpu.enqueue_dma source(%arg11 : memref<125x96xf32, #tpu.memory_space<vmem>>) target(%dma_start3A_38 : memref<125x96xf32, #tpu.memory_space<vmem_shared>>) target_semaphore(%run_scoped3A : memref<!tpu.dma_semaphore, #tpu.memory_space<semaphore_mem>>)
      %dma_wait3A = arith.constant 0 : i32
      %dma_wait3A_39 = tpu.memref_slice %arg12[%add3A_6, %dma_wait3A] : memref<10000x96xf32, #tpu.memory_space<vmem_shared>> -> memref<125x96xf32, #tpu.memory_space<vmem_shared>>
      %dma_wait3A_40 = arith.constant 0 : i32
      %dma_wait3A_41 = tpu.memref_slice %arg12[%add3A_6, %dma_wait3A_40] : memref<10000x96xf32, #tpu.memory_space<vmem_shared>> -> memref<125x96xf32, #tpu.memory_space<vmem_shared>>
      tpu.wait_dma2 semaphore(%run_scoped3A : memref<!tpu.dma_semaphore, #tpu.memory_space<semaphore_mem>>) src(%arg11 : memref<125x96xf32, #tpu.memory_space<vmem>>) dst(%dma_wait3A_41 : memref<125x96xf32, #tpu.memory_space<vmem_shared>>)
      tpu.yield
    }) : () -> ()
    %mul3A_7 = arith.constant 625 : i32
    %mul3A_8 = arith.muli %arg1, %mul3A_7 : i32
    %add3A_9 = arith.constant 125 : i32
    %add3A_10 = arith.addi %mul3A_8, %add3A_9 : i32
    "tpu.region"() ({
      %run_scoped3A = tpu.sem_alloc : memref<!tpu.dma_semaphore, #tpu.memory_space<semaphore_mem>>
      %dma_start3A = arith.constant 0 : i32
      %dma_start3A_36 = tpu.memref_slice %arg12[%add3A_10, %dma_start3A] : memref<10000x96xf32, #tpu.memory_space<vmem_shared>> -> memref<125x96xf32, #tpu.memory_space<vmem_shared>>
      %dma_start3A_37 = arith.constant 0 : i32
      %dma_start3A_38 = tpu.memref_slice %arg12[%add3A_10, %dma_start3A_37] : memref<10000x96xf32, #tpu.memory_space<vmem_shared>> -> memref<125x96xf32, #tpu.memory_space<vmem_shared>>
      tpu.enqueue_dma source(%arg11 : memref<125x96xf32, #tpu.memory_space<vmem>>) target(%dma_start3A_38 : memref<125x96xf32, #tpu.memory_space<vmem_shared>>) target_semaphore(%run_scoped3A : memref<!tpu.dma_semaphore, #tpu.memory_space<semaphore_mem>>)
      %dma_wait3A = arith.constant 0 : i32
      %dma_wait3A_39 = tpu.memref_slice %arg12[%add3A_10, %dma_wait3A] : memref<10000x96xf32, #tpu.memory_space<vmem_shared>> -> memref<125x96xf32, #tpu.memory_space<vmem_shared>>
      %dma_wait3A_40 = arith.constant 0 : i32
      %dma_wait3A_41 = tpu.memref_slice %arg12[%add3A_10, %dma_wait3A_40] : memref<10000x96xf32, #tpu.memory_space<vmem_shared>> -> memref<125x96xf32, #tpu.memory_space<vmem_shared>>
      tpu.wait_dma2 semaphore(%run_scoped3A : memref<!tpu.dma_semaphore, #tpu.memory_space<semaphore_mem>>) src(%arg11 : memref<125x96xf32, #tpu.memory_space<vmem>>) dst(%dma_wait3A_41 : memref<125x96xf32, #tpu.memory_space<vmem_shared>>)
      tpu.yield
    }) : () -> ()
    %mul3A_11 = arith.constant 625 : i32
    %mul3A_12 = arith.muli %arg1, %mul3A_11 : i32
    %add3A_13 = arith.constant 250 : i32
    %add3A_14 = arith.addi %mul3A_12, %add3A_13 : i32
    "tpu.region"() ({
      %run_scoped3A = tpu.sem_alloc : memref<!tpu.dma_semaphore, #tpu.memory_space<semaphore_mem>>
      %dma_start3A = arith.constant 0 : i32
      %dma_start3A_36 = tpu.memref_slice %arg12[%add3A_14, %dma_start3A] : memref<10000x96xf32, #tpu.memory_space<vmem_shared>> -> memref<125x96xf32, #tpu.memory_space<vmem_shared>>
      %dma_start3A_37 = arith.constant 0 : i32
      %dma_start3A_38 = tpu.memref_slice %arg12[%add3A_14, %dma_start3A_37] : memref<10000x96xf32, #tpu.memory_space<vmem_shared>> -> memref<125x96xf32, #tpu.memory_space<vmem_shared>>
      tpu.enqueue_dma source(%arg11 : memref<125x96xf32, #tpu.memory_space<vmem>>) target(%dma_start3A_38 : memref<125x96xf32, #tpu.memory_space<vmem_shared>>) target_semaphore(%run_scoped3A : memref<!tpu.dma_semaphore, #tpu.memory_space<semaphore_mem>>)
      %dma_wait3A = arith.constant 0 : i32
      %dma_wait3A_39 = tpu.memref_slice %arg12[%add3A_14, %dma_wait3A] : memref<10000x96xf32, #tpu.memory_space<vmem_shared>> -> memref<125x96xf32, #tpu.memory_space<vmem_shared>>
      %dma_wait3A_40 = arith.constant 0 : i32
      %dma_wait3A_41 = tpu.memref_slice %arg12[%add3A_14, %dma_wait3A_40] : memref<10000x96xf32, #tpu.memory_space<vmem_shared>> -> memref<125x96xf32, #tpu.memory_space<vmem_shared>>
      tpu.wait_dma2 semaphore(%run_scoped3A : memref<!tpu.dma_semaphore, #tpu.memory_space<semaphore_mem>>) src(%arg11 : memref<125x96xf32, #tpu.memory_space<vmem>>) dst(%dma_wait3A_41 : memref<125x96xf32, #tpu.memory_space<vmem_shared>>)
      tpu.yield
    }) : () -> ()
    %mul3A_15 = arith.constant 625 : i32
    %mul3A_16 = arith.muli %arg1, %mul3A_15 : i32
    %add3A_17 = arith.constant 375 : i32
    %add3A_18 = arith.addi %mul3A_16, %add3A_17 : i32
    "tpu.region"() ({
      %run_scoped3A = tpu.sem_alloc : memref<!tpu.dma_semaphore, #tpu.memory_space<semaphore_mem>>
      %dma_start3A = arith.constant 0 : i32
      %dma_start3A_36 = tpu.memref_slice %arg12[%add3A_18, %dma_start3A] : memref<10000x96xf32, #tpu.memory_space<vmem_shared>> -> memref<125x96xf32, #tpu.memory_space<vmem_shared>>
      %dma_start3A_37 = arith.constant 0 : i32
      %dma_start3A_38 = tpu.memref_slice %arg12[%add3A_18, %dma_start3A_37] : memref<10000x96xf32, #tpu.memory_space<vmem_shared>> -> memref<125x96xf32, #tpu.memory_space<vmem_shared>>
      tpu.enqueue_dma source(%arg11 : memref<125x96xf32, #tpu.memory_space<vmem>>) target(%dma_start3A_38 : memref<125x96xf32, #tpu.memory_space<vmem_shared>>) target_semaphore(%run_scoped3A : memref<!tpu.dma_semaphore, #tpu.memory_space<semaphore_mem>>)
      %dma_wait3A = arith.constant 0 : i32
      %dma_wait3A_39 = tpu.memref_slice %arg12[%add3A_18, %dma_wait3A] : memref<10000x96xf32, #tpu.memory_space<vmem_shared>> -> memref<125x96xf32, #tpu.memory_space<vmem_shared>>
      %dma_wait3A_40 = arith.constant 0 : i32
      %dma_wait3A_41 = tpu.memref_slice %arg12[%add3A_18, %dma_wait3A_40] : memref<10000x96xf32, #tpu.memory_space<vmem_shared>> -> memref<125x96xf32, #tpu.memory_space<vmem_shared>>
      tpu.wait_dma2 semaphore(%run_scoped3A : memref<!tpu.dma_semaphore, #tpu.memory_space<semaphore_mem>>) src(%arg11 : memref<125x96xf32, #tpu.memory_space<vmem>>) dst(%dma_wait3A_41 : memref<125x96xf32, #tpu.memory_space<vmem_shared>>)
      tpu.yield
    }) : () -> ()
    %mul3A_19 = arith.constant 625 : i32
    %mul3A_20 = arith.muli %arg1, %mul3A_19 : i32
    %add3A_21 = arith.constant 500 : i32
    %add3A_22 = arith.addi %mul3A_20, %add3A_21 : i32
    "tpu.region"() ({
      %run_scoped3A = tpu.sem_alloc : memref<!tpu.dma_semaphore, #tpu.memory_space<semaphore_mem>>
      %dma_start3A = arith.constant 0 : i32
      %dma_start3A_36 = tpu.memref_slice %arg12[%add3A_22, %dma_start3A] : memref<10000x96xf32, #tpu.memory_space<vmem_shared>> -> memref<125x96xf32, #tpu.memory_space<vmem_shared>>
      %dma_start3A_37 = arith.constant 0 : i32
      %dma_start3A_38 = tpu.memref_slice %arg12[%add3A_22, %dma_start3A_37] : memref<10000x96xf32, #tpu.memory_space<vmem_shared>> -> memref<125x96xf32, #tpu.memory_space<vmem_shared>>
      tpu.enqueue_dma source(%arg11 : memref<125x96xf32, #tpu.memory_space<vmem>>) target(%dma_start3A_38 : memref<125x96xf32, #tpu.memory_space<vmem_shared>>) target_semaphore(%run_scoped3A : memref<!tpu.dma_semaphore, #tpu.memory_space<semaphore_mem>>)
      %dma_wait3A = arith.constant 0 : i32
      %dma_wait3A_39 = tpu.memref_slice %arg12[%add3A_22, %dma_wait3A] : memref<10000x96xf32, #tpu.memory_space<vmem_shared>> -> memref<125x96xf32, #tpu.memory_space<vmem_shared>>
      %dma_wait3A_40 = arith.constant 0 : i32
      %dma_wait3A_41 = tpu.memref_slice %arg12[%add3A_22, %dma_wait3A_40] : memref<10000x96xf32, #tpu.memory_space<vmem_shared>> -> memref<125x96xf32, #tpu.memory_space<vmem_shared>>
      tpu.wait_dma2 semaphore(%run_scoped3A : memref<!tpu.dma_semaphore, #tpu.memory_space<semaphore_mem>>) src(%arg11 : memref<125x96xf32, #tpu.memory_space<vmem>>) dst(%dma_wait3A_41 : memref<125x96xf32, #tpu.memory_space<vmem_shared>>)
      tpu.yield
    }) : () -> ()
    %barrier3A = arith.constant 0 : index
    tpu.barrier barrier_id(%barrier3A)
    %mul3A_23 = arith.constant 10112 : i32
    %mul3A_24 = arith.muli %arg1, %mul3A_23 : i32
    %scan3A_25 = arith.constant 0 : i32
    %scan3A_26 = arith.constant 0 : i32
    %scan3A_27 = arith.constant 79 : i32
    %scan3A_28 = arith.addi %scan3A_26, %scan3A_27 : i32
    %scan3A_29 = arith.constant 1 : i32
    scf.for %scan3A_36 = %scan3A_26 to %scan3A_28 step %scan3A_29  : i32 {
      %mul3A_37 = arith.constant 128 : i32
      %mul3A_38 = arith.muli %scan3A_36, %mul3A_37 : i32
      %add3A_39 = arith.addi %mul3A_24, %mul3A_38 : i32
      "tpu.region"() ({
        %run_scoped3A = tpu.sem_alloc : memref<!tpu.dma_semaphore, #tpu.memory_space<semaphore_mem>>
        %dma_start3A_58 = tpu.memref_slice %arg4[%add3A_39] : memref<161792xi32, #tpu.memory_space<hbm>> -> memref<128xi32, #tpu.memory_space<hbm>>
        %dma_start3A_59 = tpu.memref_slice %arg4[%add3A_39] : memref<161792xi32, #tpu.memory_space<hbm>> -> memref<128xi32, #tpu.memory_space<hbm>>
        tpu.enqueue_dma source(%dma_start3A_59 : memref<128xi32, #tpu.memory_space<hbm>>) target(%arg7 : memref<128xi32, #tpu.memory_space<vmem>>) target_semaphore(%run_scoped3A : memref<!tpu.dma_semaphore, #tpu.memory_space<semaphore_mem>>)
        %dma_wait3A_60 = tpu.memref_slice %arg4[%add3A_39] : memref<161792xi32, #tpu.memory_space<hbm>> -> memref<128xi32, #tpu.memory_space<hbm>>
        %dma_wait3A_61 = tpu.memref_slice %arg4[%add3A_39] : memref<161792xi32, #tpu.memory_space<hbm>> -> memref<128xi32, #tpu.memory_space<hbm>>
        tpu.wait_dma2 semaphore(%run_scoped3A : memref<!tpu.dma_semaphore, #tpu.memory_space<semaphore_mem>>) src(%dma_wait3A_61 : memref<128xi32, #tpu.memory_space<hbm>>) dst(%arg7 : memref<128xi32, #tpu.memory_space<vmem>>)
        tpu.yield
      }) : () -> ()
      "tpu.region"() ({
        %run_scoped3A = tpu.sem_alloc : memref<!tpu.dma_semaphore, #tpu.memory_space<semaphore_mem>>
        %dma_start3A_58 = tpu.memref_slice %arg5[%add3A_39] : memref<161792xi32, #tpu.memory_space<hbm>> -> memref<128xi32, #tpu.memory_space<hbm>>
        %dma_start3A_59 = tpu.memref_slice %arg5[%add3A_39] : memref<161792xi32, #tpu.memory_space<hbm>> -> memref<128xi32, #tpu.memory_space<hbm>>
        tpu.enqueue_dma source(%dma_start3A_59 : memref<128xi32, #tpu.memory_space<hbm>>) target(%arg8 : memref<128xi32, #tpu.memory_space<vmem>>) target_semaphore(%run_scoped3A : memref<!tpu.dma_semaphore, #tpu.memory_space<semaphore_mem>>)
        %dma_wait3A_60 = tpu.memref_slice %arg5[%add3A_39] : memref<161792xi32, #tpu.memory_space<hbm>> -> memref<128xi32, #tpu.memory_space<hbm>>
        %dma_wait3A_61 = tpu.memref_slice %arg5[%add3A_39] : memref<161792xi32, #tpu.memory_space<hbm>> -> memref<128xi32, #tpu.memory_space<hbm>>
        tpu.wait_dma2 semaphore(%run_scoped3A : memref<!tpu.dma_semaphore, #tpu.memory_space<semaphore_mem>>) src(%dma_wait3A_61 : memref<128xi32, #tpu.memory_space<hbm>>) dst(%arg8 : memref<128xi32, #tpu.memory_space<vmem>>)
        tpu.yield
      }) : () -> ()
      %dma_start3A = arith.constant 0 : i32
      %dma_start3A_40 = arith.constant 0 : i32
      %dma_start3A_41 = tpu.memref_slice %arg2[%arg0, %dma_start3A, %dma_start3A_40] : memref<2x10000x96xf32, #tpu.memory_space<hbm>> -> memref<1x10000x96xf32, #tpu.memory_space<hbm>>
      %dma_start3A_42 = tpu.memref_squeeze %dma_start3A_41 : memref<1x10000x96xf32, #tpu.memory_space<hbm>> -> memref<10000x96xf32, #tpu.memory_space<hbm>>
      %dma_start3A_43 = arith.constant 0 : i32
      %dma_start3A_44 = arith.constant 0 : i32
      %dma_start3A_45 = tpu.memref_slice %dma_start3A_42[%dma_start3A_43, %dma_start3A_44] : memref<10000x96xf32, #tpu.memory_space<hbm>> -> memref<10000x96xf32, #tpu.memory_space<hbm>>
      tpu.enqueue_indirect_dma source(%dma_start3A_45 : memref<10000x96xf32, #tpu.memory_space<hbm>>) target(%arg9 : memref<128x96xf32, #tpu.memory_space<vmem>>) offsets(%arg7 : memref<128xi32, #tpu.memory_space<vmem>>) semaphore(%arg13 : memref<!tpu.dma_semaphore, #tpu.memory_space<semaphore_mem>>)
      %dma_wait3A = arith.constant 0 : i32
      %dma_wait3A_46 = arith.constant 0 : i32
      %dma_wait3A_47 = tpu.memref_slice %arg2[%arg0, %dma_wait3A, %dma_wait3A_46] : memref<2x10000x96xf32, #tpu.memory_space<hbm>> -> memref<1x10000x96xf32, #tpu.memory_space<hbm>>
      %dma_wait3A_48 = tpu.memref_squeeze %dma_wait3A_47 : memref<1x10000x96xf32, #tpu.memory_space<hbm>> -> memref<10000x96xf32, #tpu.memory_space<hbm>>
      %dma_wait3A_49 = arith.constant 0 : i32
      %dma_wait3A_50 = arith.constant 0 : i32
      %dma_wait3A_51 = tpu.memref_slice %dma_wait3A_48[%dma_wait3A_49, %dma_wait3A_50] : memref<10000x96xf32, #tpu.memory_space<hbm>> -> memref<10000x96xf32, #tpu.memory_space<hbm>>
      tpu.wait_indirect_dma semaphore(%arg13 : memref<!tpu.dma_semaphore, #tpu.memory_space<semaphore_mem>>) src(%dma_wait3A_51 : memref<10000x96xf32, #tpu.memory_space<hbm>>) dst(%arg9 : memref<128x96xf32, #tpu.memory_space<vmem>>)
      "tpu.region"() ({
        %run_scoped3A = tpu.sem_alloc : memref<!tpu.dma_semaphore, #tpu.memory_space<semaphore_mem>>
        %dma_start3A_58 = arith.constant 0 : i32
        %dma_start3A_59 = tpu.memref_slice %arg3[%arg0, %add3A_39, %dma_start3A_58] : memref<2x161792x96xf32, #tpu.memory_space<hbm>> -> memref<1x128x96xf32, #tpu.memory_space<hbm>>
        %dma_start3A_60 = tpu.memref_squeeze %dma_start3A_59 : memref<1x128x96xf32, #tpu.memory_space<hbm>> -> memref<128x96xf32, #tpu.memory_space<hbm>>
        %dma_start3A_61 = arith.constant 0 : i32
        %dma_start3A_62 = tpu.memref_slice %arg3[%arg0, %add3A_39, %dma_start3A_61] : memref<2x161792x96xf32, #tpu.memory_space<hbm>> -> memref<1x128x96xf32, #tpu.memory_space<hbm>>
        %dma_start3A_63 = tpu.memref_squeeze %dma_start3A_62 : memref<1x128x96xf32, #tpu.memory_space<hbm>> -> memref<128x96xf32, #tpu.memory_space<hbm>>
        tpu.enqueue_dma source(%dma_start3A_63 : memref<128x96xf32, #tpu.memory_space<hbm>>) target(%arg10 : memref<128x96xf32, #tpu.memory_space<vmem>>) target_semaphore(%run_scoped3A : memref<!tpu.dma_semaphore, #tpu.memory_space<semaphore_mem>>)
        %dma_wait3A_64 = arith.constant 0 : i32
        %dma_wait3A_65 = tpu.memref_slice %arg3[%arg0, %add3A_39, %dma_wait3A_64] : memref<2x161792x96xf32, #tpu.memory_space<hbm>> -> memref<1x128x96xf32, #tpu.memory_space<hbm>>
        %dma_wait3A_66 = tpu.memref_squeeze %dma_wait3A_65 : memref<1x128x96xf32, #tpu.memory_space<hbm>> -> memref<128x96xf32, #tpu.memory_space<hbm>>
        %dma_wait3A_67 = arith.constant 0 : i32
        %dma_wait3A_68 = tpu.memref_slice %arg3[%arg0, %add3A_39, %dma_wait3A_67] : memref<2x161792x96xf32, #tpu.memory_space<hbm>> -> memref<1x128x96xf32, #tpu.memory_space<hbm>>
        %dma_wait3A_69 = tpu.memref_squeeze %dma_wait3A_68 : memref<1x128x96xf32, #tpu.memory_space<hbm>> -> memref<128x96xf32, #tpu.memory_space<hbm>>
        tpu.wait_dma2 semaphore(%run_scoped3A : memref<!tpu.dma_semaphore, #tpu.memory_space<semaphore_mem>>) src(%dma_wait3A_69 : memref<128x96xf32, #tpu.memory_space<hbm>>) dst(%arg10 : memref<128x96xf32, #tpu.memory_space<vmem>>)
        tpu.yield
      }) : () -> ()
      %scan3A_52 = arith.constant 0 : i32
      %scan3A_53 = arith.constant 0 : i32
      %scan3A_54 = arith.constant 128 : i32
      %scan3A_55 = arith.addi %scan3A_53, %scan3A_54 : i32
      %scan3A_56 = arith.constant 1 : i32
      scf.for %scan3A_58 = %scan3A_53 to %scan3A_55 step %scan3A_56  : i32 {
        %get3A = arith.index_cast %scan3A_58 : i32 to index
        %get3A_59 = arith.constant 0 : index
        %get3A_60 = tpu.vector_load %arg10[%get3A, %get3A_59] {strides = array<i32>} : memref<128x96xf32, #tpu.memory_space<vmem>>, vector<1x16xf32>,
        %get3A_61 = vector.shape_cast %get3A_60 : vector<1x16xf32> to vector<16xf32>
        %get3A_62 = arith.index_cast %scan3A_58 : i32 to index
        %get3A_63 = arith.constant 0 : index
        %get3A_64 = tpu.vector_load %arg9[%get3A_62, %get3A_63] {strides = array<i32>} : memref<128x96xf32, #tpu.memory_space<vmem>>, vector<1x16xf32>,
        %get3A_65 = vector.shape_cast %get3A_64 : vector<1x16xf32> to vector<16xf32>
        %mul3A_66 = arith.mulf %get3A_61, %get3A_65 : vector<16xf32>
        %swap3A = arith.index_cast %scan3A_58 : i32 to index
        %swap3A_67 = arith.constant 0 : index
        %swap3A_68 = tpu.vector_load %arg10[%swap3A, %swap3A_67] {strides = array<i32>} : memref<128x96xf32, #tpu.memory_space<vmem>>, vector<1x16xf32>,
        %swap3A_69 = vector.shape_cast %swap3A_68 : vector<1x16xf32> to vector<16xf32>
        %swap3A_70 = vector.shape_cast %mul3A_66 : vector<16xf32> to vector<1x16xf32>
        tpu.vector_store %arg10[%swap3A, %swap3A_67], %swap3A_70 {strides = array<i32>} : memref<128x96xf32, #tpu.memory_space<vmem>>, vector<1x16xf32>,
        %get3A_71 = arith.index_cast %scan3A_58 : i32 to index
        %get3A_72 = arith.constant 16 : index
        %get3A_73 = tpu.vector_load %arg10[%get3A_71, %get3A_72] {strides = array<i32>} : memref<128x96xf32, #tpu.memory_space<vmem>>, vector<1x16xf32>,
        %get3A_74 = vector.shape_cast %get3A_73 : vector<1x16xf32> to vector<16xf32>
        %get3A_75 = arith.index_cast %scan3A_58 : i32 to index
        %get3A_76 = arith.constant 16 : index
        %get3A_77 = tpu.vector_load %arg9[%get3A_75, %get3A_76] {strides = array<i32>} : memref<128x96xf32, #tpu.memory_space<vmem>>, vector<1x16xf32>,
        %get3A_78 = vector.shape_cast %get3A_77 : vector<1x16xf32> to vector<16xf32>
        %mul3A_79 = arith.mulf %get3A_74, %get3A_78 : vector<16xf32>
        %swap3A_80 = arith.index_cast %scan3A_58 : i32 to index
        %swap3A_81 = arith.constant 16 : index
        %swap3A_82 = tpu.vector_load %arg10[%swap3A_80, %swap3A_81] {strides = array<i32>} : memref<128x96xf32, #tpu.memory_space<vmem>>, vector<1x16xf32>,
        %swap3A_83 = vector.shape_cast %swap3A_82 : vector<1x16xf32> to vector<16xf32>
        %swap3A_84 = vector.shape_cast %mul3A_79 : vector<16xf32> to vector<1x16xf32>
        tpu.vector_store %arg10[%swap3A_80, %swap3A_81], %swap3A_84 {strides = array<i32>} : memref<128x96xf32, #tpu.memory_space<vmem>>, vector<1x16xf32>,
        %get3A_85 = arith.index_cast %scan3A_58 : i32 to index
        %get3A_86 = arith.constant 32 : index
        %get3A_87 = tpu.vector_load %arg10[%get3A_85, %get3A_86] {strides = array<i32>} : memref<128x96xf32, #tpu.memory_space<vmem>>, vector<1x16xf32>,
        %get3A_88 = vector.shape_cast %get3A_87 : vector<1x16xf32> to vector<16xf32>
        %get3A_89 = arith.index_cast %scan3A_58 : i32 to index
        %get3A_90 = arith.constant 32 : index
        %get3A_91 = tpu.vector_load %arg9[%get3A_89, %get3A_90] {strides = array<i32>} : memref<128x96xf32, #tpu.memory_space<vmem>>, vector<1x16xf32>,
        %get3A_92 = vector.shape_cast %get3A_91 : vector<1x16xf32> to vector<16xf32>
        %mul3A_93 = arith.mulf %get3A_88, %get3A_92 : vector<16xf32>
        %swap3A_94 = arith.index_cast %scan3A_58 : i32 to index
        %swap3A_95 = arith.constant 32 : index
        %swap3A_96 = tpu.vector_load %arg10[%swap3A_94, %swap3A_95] {strides = array<i32>} : memref<128x96xf32, #tpu.memory_space<vmem>>, vector<1x16xf32>,
        %swap3A_97 = vector.shape_cast %swap3A_96 : vector<1x16xf32> to vector<16xf32>
        %swap3A_98 = vector.shape_cast %mul3A_93 : vector<16xf32> to vector<1x16xf32>
        tpu.vector_store %arg10[%swap3A_94, %swap3A_95], %swap3A_98 {strides = array<i32>} : memref<128x96xf32, #tpu.memory_space<vmem>>, vector<1x16xf32>,
        %get3A_99 = arith.index_cast %scan3A_58 : i32 to index
        %get3A_100 = arith.constant 48 : index
        %get3A_101 = tpu.vector_load %arg10[%get3A_99, %get3A_100] {strides = array<i32>} : memref<128x96xf32, #tpu.memory_space<vmem>>, vector<1x16xf32>,
        %get3A_102 = vector.shape_cast %get3A_101 : vector<1x16xf32> to vector<16xf32>
        %get3A_103 = arith.index_cast %scan3A_58 : i32 to index
        %get3A_104 = arith.constant 48 : index
        %get3A_105 = tpu.vector_load %arg9[%get3A_103, %get3A_104] {strides = array<i32>} : memref<128x96xf32, #tpu.memory_space<vmem>>, vector<1x16xf32>,
        %get3A_106 = vector.shape_cast %get3A_105 : vector<1x16xf32> to vector<16xf32>
        %mul3A_107 = arith.mulf %get3A_102, %get3A_106 : vector<16xf32>
        %swap3A_108 = arith.index_cast %scan3A_58 : i32 to index
        %swap3A_109 = arith.constant 48 : index
        %swap3A_110 = tpu.vector_load %arg10[%swap3A_108, %swap3A_109] {strides = array<i32>} : memref<128x96xf32, #tpu.memory_space<vmem>>, vector<1x16xf32>,
        %swap3A_111 = vector.shape_cast %swap3A_110 : vector<1x16xf32> to vector<16xf32>
        %swap3A_112 = vector.shape_cast %mul3A_107 : vector<16xf32> to vector<1x16xf32>
        tpu.vector_store %arg10[%swap3A_108, %swap3A_109], %swap3A_112 {strides = array<i32>} : memref<128x96xf32, #tpu.memory_space<vmem>>, vector<1x16xf32>,
        %get3A_113 = arith.index_cast %scan3A_58 : i32 to index
        %get3A_114 = arith.constant 64 : index
        %get3A_115 = tpu.vector_load %arg10[%get3A_113, %get3A_114] {strides = array<i32>} : memref<128x96xf32, #tpu.memory_space<vmem>>, vector<1x16xf32>,
        %get3A_116 = vector.shape_cast %get3A_115 : vector<1x16xf32> to vector<16xf32>
        %get3A_117 = arith.index_cast %scan3A_58 : i32 to index
        %get3A_118 = arith.constant 64 : index
        %get3A_119 = tpu.vector_load %arg9[%get3A_117, %get3A_118] {strides = array<i32>} : memref<128x96xf32, #tpu.memory_space<vmem>>, vector<1x16xf32>,
        %get3A_120 = vector.shape_cast %get3A_119 : vector<1x16xf32> to vector<16xf32>
        %mul3A_121 = arith.mulf %get3A_116, %get3A_120 : vector<16xf32>
        %swap3A_122 = arith.index_cast %scan3A_58 : i32 to index
        %swap3A_123 = arith.constant 64 : index
        %swap3A_124 = tpu.vector_load %arg10[%swap3A_122, %swap3A_123] {strides = array<i32>} : memref<128x96xf32, #tpu.memory_space<vmem>>, vector<1x16xf32>,
        %swap3A_125 = vector.shape_cast %swap3A_124 : vector<1x16xf32> to vector<16xf32>
        %swap3A_126 = vector.shape_cast %mul3A_121 : vector<16xf32> to vector<1x16xf32>
        tpu.vector_store %arg10[%swap3A_122, %swap3A_123], %swap3A_126 {strides = array<i32>} : memref<128x96xf32, #tpu.memory_space<vmem>>, vector<1x16xf32>,
        %get3A_127 = arith.index_cast %scan3A_58 : i32 to index
        %get3A_128 = arith.constant 80 : index
        %get3A_129 = tpu.vector_load %arg10[%get3A_127, %get3A_128] {strides = array<i32>} : memref<128x96xf32, #tpu.memory_space<vmem>>, vector<1x16xf32>,
        %get3A_130 = vector.shape_cast %get3A_129 : vector<1x16xf32> to vector<16xf32>
        %get3A_131 = arith.index_cast %scan3A_58 : i32 to index
        %get3A_132 = arith.constant 80 : index
        %get3A_133 = tpu.vector_load %arg9[%get3A_131, %get3A_132] {strides = array<i32>} : memref<128x96xf32, #tpu.memory_space<vmem>>, vector<1x16xf32>,
        %get3A_134 = vector.shape_cast %get3A_133 : vector<1x16xf32> to vector<16xf32>
        %mul3A_135 = arith.mulf %get3A_130, %get3A_134 : vector<16xf32>
        %swap3A_136 = arith.index_cast %scan3A_58 : i32 to index
        %swap3A_137 = arith.constant 80 : index
        %swap3A_138 = tpu.vector_load %arg10[%swap3A_136, %swap3A_137] {strides = array<i32>} : memref<128x96xf32, #tpu.memory_space<vmem>>, vector<1x16xf32>,
        %swap3A_139 = vector.shape_cast %swap3A_138 : vector<1x16xf32> to vector<16xf32>
        %swap3A_140 = vector.shape_cast %mul3A_135 : vector<16xf32> to vector<1x16xf32>
        tpu.vector_store %arg10[%swap3A_136, %swap3A_137], %swap3A_140 {strides = array<i32>} : memref<128x96xf32, #tpu.memory_space<vmem>>, vector<1x16xf32>,
      }
      %scan3A_57 = arith.constant 128 : i32
      "tpu.region"() ({
        %run_scoped3A = tpu.sem_alloc : memref<!tpu.dma_semaphore, #tpu.memory_space<semaphore_mem>>
        %dma_start3A_58 = arith.constant 0 : i32
        %dma_start3A_59 = arith.constant 0 : i32
        %dma_start3A_60 = tpu.memref_slice %arg12[%dma_start3A_58, %dma_start3A_59] : memref<10000x96xf32, #tpu.memory_space<vmem_shared>> -> memref<10000x96xf32, #tpu.memory_space<vmem_shared>>
        tpu.enqueue_indirect_dma source(%arg10 : memref<128x96xf32, #tpu.memory_space<vmem>>) target(%dma_start3A_60 : memref<10000x96xf32, #tpu.memory_space<vmem_shared>>) offsets(%arg8 : memref<128xi32, #tpu.memory_space<vmem>>) semaphore(%run_scoped3A : memref<!tpu.dma_semaphore, #tpu.memory_space<semaphore_mem>>) {add = true}
        %dma_wait3A_61 = arith.constant 0 : i32
        %dma_wait3A_62 = arith.constant 0 : i32
        %dma_wait3A_63 = tpu.memref_slice %arg12[%dma_wait3A_61, %dma_wait3A_62] : memref<10000x96xf32, #tpu.memory_space<vmem_shared>> -> memref<10000x96xf32, #tpu.memory_space<vmem_shared>>
        tpu.wait_indirect_dma semaphore(%run_scoped3A : memref<!tpu.dma_semaphore, #tpu.memory_space<semaphore_mem>>) src(%arg10 : memref<128x96xf32, #tpu.memory_space<vmem>>) dst(%dma_wait3A_63 : memref<10000x96xf32, #tpu.memory_space<vmem_shared>>)
        tpu.yield
      }) : () -> ()
    }
    %scan3A_30 = arith.constant 79 : i32
    %barrier3A_31 = arith.constant 0 : index
    tpu.barrier barrier_id(%barrier3A_31)
    %mul3A_32 = arith.constant 625 : i32
    %mul3A_33 = arith.muli %arg1, %mul3A_32 : i32
    %mul3A_34 = arith.constant 625 : i32
    %mul3A_35 = arith.muli %arg1, %mul3A_34 : i32
    "tpu.region"() ({
      %run_scoped3A = tpu.sem_alloc : memref<!tpu.dma_semaphore, #tpu.memory_space<semaphore_mem>>
      %dma_start3A = arith.constant 0 : i32
      %dma_start3A_36 = tpu.memref_slice %arg6[%arg0, %mul3A_35, %dma_start3A] : memref<2x10000x96xf32, #tpu.memory_space<hbm>> -> memref<1x625x96xf32, #tpu.memory_space<hbm>>
      %dma_start3A_37 = tpu.memref_squeeze %dma_start3A_36 : memref<1x625x96xf32, #tpu.memory_space<hbm>> -> memref<625x96xf32, #tpu.memory_space<hbm>>
      %dma_start3A_38 = arith.constant 0 : i32
      %dma_start3A_39 = tpu.memref_slice %arg12[%mul3A_33, %dma_start3A_38] : memref<10000x96xf32, #tpu.memory_space<vmem_shared>> -> memref<625x96xf32, #tpu.memory_space<vmem_shared>>
      tpu.enqueue_dma source(%dma_start3A_39 : memref<625x96xf32, #tpu.memory_space<vmem_shared>>) target(%dma_start3A_37 : memref<625x96xf32, #tpu.memory_space<hbm>>) target_semaphore(%run_scoped3A : memref<!tpu.dma_semaphore, #tpu.memory_space<semaphore_mem>>)
      %dma_wait3A = arith.constant 0 : i32
      %dma_wait3A_40 = tpu.memref_slice %arg6[%arg0, %mul3A_35, %dma_wait3A] : memref<2x10000x96xf32, #tpu.memory_space<hbm>> -> memref<1x625x96xf32, #tpu.memory_space<hbm>>
      %dma_wait3A_41 = tpu.memref_squeeze %dma_wait3A_40 : memref<1x625x96xf32, #tpu.memory_space<hbm>> -> memref<625x96xf32, #tpu.memory_space<hbm>>
      %dma_wait3A_42 = arith.constant 0 : i32
      %dma_wait3A_43 = tpu.memref_slice %arg12[%mul3A_33, %dma_wait3A_42] : memref<10000x96xf32, #tpu.memory_space<vmem_shared>> -> memref<625x96xf32, #tpu.memory_space<vmem_shared>>
      tpu.wait_dma2 semaphore(%run_scoped3A : memref<!tpu.dma_semaphore, #tpu.memory_space<semaphore_mem>>) src(%dma_wait3A_43 : memref<625x96xf32, #tpu.memory_space<vmem_shared>>) dst(%dma_wait3A_41 : memref<625x96xf32, #tpu.memory_space<hbm>>)
      tpu.yield
    }) : () -> ()
    return
  }
}

module attributes {stable_mosaic.version = 14 : i64} {
  func.func @_node_init_body(%arg0: i32, %arg1: memref<1x1x2000xi32, #tpu.memory_space<vmem>>, %arg2: memref<20x128xf32, #tpu.memory_space<vmem>>, %arg3: memref<128x128xf32, #tpu.memory_space<vmem>>, %arg4: memref<128x192xf32, #tpu.memory_space<vmem>>, %arg5: memref<2000x128xf32, #tpu.memory_space<vmem>>, %arg6: memref<2x2000x96xf32, #tpu.memory_space<vmem>>) attributes {dimension_semantics = [#tpu.dimension_semantics<arbitrary>], iteration_bounds = array<i64: 5>, scalar_prefetch = 0 : i64, scratch_operands = 0 : i64, tpu.core_type = #tpu.core_type<tc>, window_params = [{transform_indices = @transform_0, window_bounds = array<i64: 1, 1, 2000>}, {pipeline_mode = #tpu.pipeline_mode<synchronous>, transform_indices = @transform_1, window_bounds = array<i64: 20, 128>}, {pipeline_mode = #tpu.pipeline_mode<synchronous>, transform_indices = @transform_2, window_bounds = array<i64: 128, 128>}, {pipeline_mode = #tpu.pipeline_mode<synchronous>, transform_indices = @transform_3, window_bounds = array<i64: 128, 192>}, {transform_indices = @transform_4, window_bounds = array<i64: 2000, 128>}, {transform_indices = @transform_5, window_bounds = array<i64: 2, 2000, 96>}]} {
    %get3A = arith.constant 0 : index
    %get3A_0 = arith.constant 0 : index
    %get3A_1 = arith.constant 0 : index
    %get3A_2 = vector.load %arg1[%get3A, %get3A_0, %get3A_1] : memref<1x1x2000xi32, #tpu.memory_space<vmem>>, vector<1x1x2000xi32>
    %get3A_3 = vector.shape_cast %get3A_2 : vector<1x1x2000xi32> to vector<2000xi32>
    %broadcast_in_dim3A = vector.shape_cast %get3A_3 : vector<2000xi32> to vector<2000x1xi32>
    %iota3A = tpu.iota {dimensions = array<i32: 1>} : vector<2000x20xi32>
    %eq3A = vector.broadcast %broadcast_in_dim3A : vector<2000x1xi32> to vector<2000x20xi32>
    %eq3A_4 = arith.cmpi eq, %eq3A, %iota3A : vector<2000x20xi32>
    %convert_element_type3A = arith.extui %eq3A_4 : vector<2000x20xi1> to vector<2000x20xi32>
    %convert_element_type3A_5 = arith.sitofp %convert_element_type3A : vector<2000x20xi32> to vector<2000x20xf32>
    %get3A_6 = arith.constant 0 : index
    %get3A_7 = arith.constant 0 : index
    %get3A_8 = vector.load %arg2[%get3A_6, %get3A_7] : memref<20x128xf32, #tpu.memory_space<vmem>>, vector<20x128xf32>
    %dot_general3A = arith.constant dense<0.000000e+00> : vector<2000x128xf32>
    %dot_general3A_9 = tpu.matmul %convert_element_type3A_5, %get3A_8, %dot_general3A {dimension_numbers = #tpu.dot_dimension_numbers<[1], [0], [0], [1], [0, 0, 1, 1], [], []>, transpose_lhs_hint = false} : vector<2000x20xf32>, vector<20x128xf32>, vector<2000x128xf32> -> vector<2000x128xf32>
    %swap3A = arith.constant 0 : index
    %swap3A_10 = arith.constant 0 : index
    %swap3A_11 = vector.load %arg5[%swap3A, %swap3A_10] : memref<2000x128xf32, #tpu.memory_space<vmem>>, vector<2000x128xf32>
    tpu.vector_store %arg5[%swap3A, %swap3A_10], %dot_general3A_9 {strides = array<i32>} : memref<2000x128xf32, #tpu.memory_space<vmem>>, vector<2000x128xf32>,
    %get3A_12 = arith.constant 0 : index
    %get3A_13 = arith.constant 0 : index
    %get3A_14 = vector.load %arg3[%get3A_12, %get3A_13] : memref<128x128xf32, #tpu.memory_space<vmem>>, vector<128x128xf32>
    %dot_general3A_15 = arith.constant dense<0.000000e+00> : vector<2000x128xf32>
    %dot_general3A_16 = tpu.matmul %dot_general3A_9, %get3A_14, %dot_general3A_15 {dimension_numbers = #tpu.dot_dimension_numbers<[1], [0], [0], [1], [0, 0, 1, 1], [], []>, transpose_lhs_hint = false} : vector<2000x128xf32>, vector<128x128xf32>, vector<2000x128xf32> -> vector<2000x128xf32>
    %max3A = arith.constant 0.000000e+00 : f32
    %max3A_17 = vector.broadcast %max3A : f32 to vector<2000x128xf32>
    %max3A_18 = arith.maximumf %dot_general3A_16, %max3A_17 : vector<2000x128xf32>
    %get3A_19 = arith.constant 0 : index
    %get3A_20 = arith.constant 0 : index
    %get3A_21 = vector.load %arg4[%get3A_19, %get3A_20] : memref<128x192xf32, #tpu.memory_space<vmem>>, vector<128x192xf32>
    %dot_general3A_22 = arith.constant dense<0.000000e+00> : vector<2000x192xf32>
    %dot_general3A_23 = tpu.matmul %max3A_18, %get3A_21, %dot_general3A_22 {dimension_numbers = #tpu.dot_dimension_numbers<[1], [0], [0], [1], [0, 0, 1, 1], [], []>, transpose_lhs_hint = false} : vector<2000x128xf32>, vector<128x192xf32>, vector<2000x192xf32> -> vector<2000x192xf32>
    %slice3A = vector.extract_strided_slice %dot_general3A_23 {offsets = [0, 0], sizes = [2000, 96], strides = [1, 1]} : vector<2000x192xf32> to vector<2000x96xf32>
    %swap3A_24 = arith.constant 0 : index
    %swap3A_25 = arith.constant 0 : index
    %swap3A_26 = arith.constant 0 : index
    %swap3A_27 = vector.load %arg6[%swap3A_24, %swap3A_25, %swap3A_26] : memref<2x2000x96xf32, #tpu.memory_space<vmem>>, vector<1x2000x96xf32>
    %swap3A_28 = vector.shape_cast %swap3A_27 : vector<1x2000x96xf32> to vector<2000x96xf32>
    %swap3A_29 = vector.shape_cast %slice3A : vector<2000x96xf32> to vector<1x2000x96xf32>
    tpu.vector_store %arg6[%swap3A_24, %swap3A_25, %swap3A_26], %swap3A_29 {strides = array<i32>} : memref<2x2000x96xf32, #tpu.memory_space<vmem>>, vector<1x2000x96xf32>,
    %slice3A_30 = vector.extract_strided_slice %dot_general3A_23 {offsets = [0, 96], sizes = [2000, 96], strides = [1, 1]} : vector<2000x192xf32> to vector<2000x96xf32>
    %swap3A_31 = arith.constant 1 : index
    %swap3A_32 = arith.constant 0 : index
    %swap3A_33 = arith.constant 0 : index
    %swap3A_34 = vector.load %arg6[%swap3A_31, %swap3A_32, %swap3A_33] : memref<2x2000x96xf32, #tpu.memory_space<vmem>>, vector<1x2000x96xf32>
    %swap3A_35 = vector.shape_cast %swap3A_34 : vector<1x2000x96xf32> to vector<2000x96xf32>
    %swap3A_36 = vector.shape_cast %slice3A_30 : vector<2000x96xf32> to vector<1x2000x96xf32>
    tpu.vector_store %arg6[%swap3A_31, %swap3A_32, %swap3A_33], %swap3A_36 {strides = array<i32>} : memref<2x2000x96xf32, #tpu.memory_space<vmem>>, vector<1x2000x96xf32>,
    return
  }
  func.func @transform_0(%arg0: i32) -> (i32, i32, i32) {
    %c0_i32 = arith.constant 0 : i32
    %c0_i32_0 = arith.constant 0 : i32
    %c0_i32_1 = arith.constant 0 : i32
    return %arg0, %c0_i32, %c0_i32_0 : i32, i32, i32
  }
  func.func @transform_1(%arg0: i32) -> (i32, i32) {
    %c0_i32 = arith.constant 0 : i32
    %c0_i32_0 = arith.constant 0 : i32
    %c0_i32_1 = arith.constant 0 : i32
    return %c0_i32, %c0_i32_0 : i32, i32
  }
  func.func @transform_2(%arg0: i32) -> (i32, i32) {
    %c0_i32 = arith.constant 0 : i32
    %c0_i32_0 = arith.constant 0 : i32
    %c0_i32_1 = arith.constant 0 : i32
    return %c0_i32, %c0_i32_0 : i32, i32
  }
  func.func @transform_3(%arg0: i32) -> (i32, i32) {
    %c0_i32 = arith.constant 0 : i32
    %c0_i32_0 = arith.constant 0 : i32
    %c0_i32_1 = arith.constant 0 : i32
    return %c0_i32, %c0_i32_0 : i32, i32
  }
  func.func @transform_4(%arg0: i32) -> (i32, i32) {
    %c0_i32 = arith.constant 0 : i32
    %c0_i32_0 = arith.constant 0 : i32
    return %arg0, %c0_i32 : i32, i32
  }
  func.func @transform_5(%arg0: i32) -> (i32, i32, i32) {
    %c0_i32 = arith.constant 0 : i32
    %c0_i32_0 = arith.constant 0 : i32
    %c0_i32_1 = arith.constant 0 : i32
    return %c0_i32, %arg0, %c0_i32_0 : i32, i32, i32
  }
}

module attributes {stable_mosaic.version = 14 : i64} {
  func.func @_he_body(%arg0: i32, %arg1: memref<1x1x2048xi32, #tpu.memory_space<vmem>>, %arg2: memref<1x1x2048xf32, #tpu.memory_space<vmem>>, %arg3: memref<400x128xf32, #tpu.memory_space<vmem>>, %arg4: memref<3x192x192xf32, #tpu.memory_space<vmem>>, %arg5: memref<3x192x192xf32, #tpu.memory_space<vmem>>, %arg6: memref<2x2048x96xf32, #tpu.memory_space<vmem>>, %arg7: memref<2x2048x96xf32, #tpu.memory_space<vmem>>, %arg8: memref<2x2048x96xf32, #tpu.memory_space<vmem>>) attributes {dimension_semantics = [#tpu.dimension_semantics<arbitrary>], iteration_bounds = array<i64: 79>, scalar_prefetch = 0 : i64, scratch_operands = 0 : i64, tpu.core_type = #tpu.core_type<tc>, window_params = [{transform_indices = @transform_0, window_bounds = array<i64: 1, 1, 2048>}, {transform_indices = @transform_1, window_bounds = array<i64: 1, 1, 2048>}, {pipeline_mode = #tpu.pipeline_mode<synchronous>, transform_indices = @transform_2, window_bounds = array<i64: 400, 128>}, {pipeline_mode = #tpu.pipeline_mode<synchronous>, transform_indices = @transform_3, window_bounds = array<i64: 3, 192, 192>}, {pipeline_mode = #tpu.pipeline_mode<synchronous>, transform_indices = @transform_4, window_bounds = array<i64: 3, 192, 192>}, {transform_indices = @transform_5, window_bounds = array<i64: 2, 2048, 96>}, {transform_indices = @transform_6, window_bounds = array<i64: 2, 2048, 96>}, {transform_indices = @transform_7, window_bounds = array<i64: 2, 2048, 96>}]} {
    %get3A = arith.constant 0 : index
    %get3A_0 = arith.constant 0 : index
    %get3A_1 = arith.constant 0 : index
    %get3A_2 = vector.load %arg1[%get3A, %get3A_0, %get3A_1] : memref<1x1x2048xi32, #tpu.memory_space<vmem>>, vector<1x1x2048xi32>
    %get3A_3 = vector.shape_cast %get3A_2 : vector<1x1x2048xi32> to vector<2048xi32>
    %broadcast_in_dim3A = vector.shape_cast %get3A_3 : vector<2048xi32> to vector<2048x1xi32>
    %iota3A = tpu.iota {dimensions = array<i32: 1>} : vector<2048x400xi32>
    %eq3A = vector.broadcast %broadcast_in_dim3A : vector<2048x1xi32> to vector<2048x400xi32>
    %eq3A_4 = arith.cmpi eq, %eq3A, %iota3A : vector<2048x400xi32>
    %convert_element_type3A = arith.extui %eq3A_4 : vector<2048x400xi1> to vector<2048x400xi32>
    %convert_element_type3A_5 = arith.sitofp %convert_element_type3A : vector<2048x400xi32> to vector<2048x400xf32>
    %get3A_6 = arith.constant 0 : index
    %get3A_7 = arith.constant 0 : index
    %get3A_8 = vector.load %arg3[%get3A_6, %get3A_7] : memref<400x128xf32, #tpu.memory_space<vmem>>, vector<400x128xf32>
    %dot_general3A = arith.constant dense<0.000000e+00> : vector<2048x128xf32>
    %dot_general3A_9 = tpu.matmul %convert_element_type3A_5, %get3A_8, %dot_general3A {dimension_numbers = #tpu.dot_dimension_numbers<[1], [0], [0], [1], [0, 0, 1, 1], [], []>, transpose_lhs_hint = false} : vector<2048x400xf32>, vector<400x128xf32>, vector<2048x128xf32> -> vector<2048x128xf32>
    %get3A_10 = arith.constant 0 : index
    %get3A_11 = arith.constant 0 : index
    %get3A_12 = arith.constant 0 : index
    %get3A_13 = vector.load %arg2[%get3A_10, %get3A_11, %get3A_12] : memref<1x1x2048xf32, #tpu.memory_space<vmem>>, vector<1x1x2048xf32>
    %get3A_14 = vector.shape_cast %get3A_13 : vector<1x1x2048xf32> to vector<2048xf32>
    %iota3A_15 = tpu.iota {dimensions = array<i32: 1>} : vector<1x64xi32>
    %convert_element_type3A_16 = arith.sitofp %iota3A_15 : vector<1x64xi32> to vector<1x64xf32>
    %mul3A = arith.constant 0.476190478 : f32
    %mul3A_17 = vector.broadcast %mul3A : f32 to vector<1x64xf32>
    %mul3A_18 = arith.mulf %mul3A_17, %convert_element_type3A_16 : vector<1x64xf32>
    %add3A = arith.constant 0.000000e+00 : f32
    %add3A_19 = vector.broadcast %add3A : f32 to vector<1x64xf32>
    %add3A_20 = arith.addf %add3A_19, %mul3A_18 : vector<1x64xf32>
    %broadcast_in_dim3A_21 = vector.shape_cast %get3A_14 : vector<2048xf32> to vector<2048x1xf32>
    %sub3A = vector.broadcast %broadcast_in_dim3A_21 : vector<2048x1xf32> to vector<2048x64xf32>
    %sub3A_22 = vector.broadcast %add3A_20 : vector<1x64xf32> to vector<2048x64xf32>
    %sub3A_23 = arith.subf %sub3A, %sub3A_22 : vector<2048x64xf32>
    %integer_pow3A = arith.mulf %sub3A_23, %sub3A_23 : vector<2048x64xf32>
    %neg3A = arith.constant 0.000000e+00 : f32
    %neg3A_24 = vector.broadcast %neg3A : f32 to vector<2048x64xf32>
    %neg3A_25 = arith.subf %neg3A_24, %integer_pow3A : vector<2048x64xf32>
    %div3A = arith.constant 0.226757362 : f32
    %div3A_26 = vector.broadcast %div3A : f32 to vector<2048x64xf32>
    %div3A_27 = arith.divf %neg3A_25, %div3A_26 : vector<2048x64xf32>
    %exp3A = math.exp %div3A_27 : vector<2048x64xf32>
    %concatenate3A = tpu.concatenate %dot_general3A_9, %exp3A in 1 : vector<2048x128xf32>, vector<2048x64xf32> -> vector<2048x192xf32>
    %mul3A_28 = arith.constant 2048 : i32
    %mul3A_29 = arith.muli %arg0, %mul3A_28 : i32
    %iota3A_30 = tpu.iota {dimensions = array<i32: 0>} : vector<2048x1xi32>
    %add3A_31 = vector.broadcast %mul3A_29 : i32 to vector<2048x1xi32>
    %add3A_32 = arith.addi %add3A_31, %iota3A_30 : vector<2048x1xi32>
    %lt3A = arith.constant 160000 : i32
    %lt3A_33 = vector.broadcast %lt3A : i32 to vector<2048x1xi32>
    %lt3A_34 = arith.cmpi slt, %add3A_32, %lt3A_33 : vector<2048x1xi32>
    %get3A_35 = arith.constant 0 : index
    %get3A_36 = arith.constant 0 : index
    %get3A_37 = arith.constant 0 : index
    %get3A_38 = vector.load %arg4[%get3A_35, %get3A_36, %get3A_37] : memref<3x192x192xf32, #tpu.memory_space<vmem>>, vector<1x192x192xf32>
    %get3A_39 = vector.shape_cast %get3A_38 : vector<1x192x192xf32> to vector<192x192xf32>
    %dot_general3A_40 = arith.constant dense<0.000000e+00> : vector<2048x192xf32>
    %dot_general3A_41 = tpu.matmul %concatenate3A, %get3A_39, %dot_general3A_40 {dimension_numbers = #tpu.dot_dimension_numbers<[1], [0], [0], [1], [0, 0, 1, 1], [], []>, transpose_lhs_hint = false} : vector<2048x192xf32>, vector<192x192xf32>, vector<2048x192xf32> -> vector<2048x192xf32>
    %max3A = arith.constant 0.000000e+00 : f32
    %max3A_42 = vector.broadcast %max3A : f32 to vector<2048x192xf32>
    %max3A_43 = arith.maximumf %dot_general3A_41, %max3A_42 : vector<2048x192xf32>
    %get3A_44 = arith.constant 0 : index
    %get3A_45 = arith.constant 0 : index
    %get3A_46 = arith.constant 0 : index
    %get3A_47 = vector.load %arg5[%get3A_44, %get3A_45, %get3A_46] : memref<3x192x192xf32, #tpu.memory_space<vmem>>, vector<1x192x192xf32>
    %get3A_48 = vector.shape_cast %get3A_47 : vector<1x192x192xf32> to vector<192x192xf32>
    %dot_general3A_49 = arith.constant dense<0.000000e+00> : vector<2048x192xf32>
    %dot_general3A_50 = tpu.matmul %max3A_43, %get3A_48, %dot_general3A_49 {dimension_numbers = #tpu.dot_dimension_numbers<[1], [0], [0], [1], [0, 0, 1, 1], [], []>, transpose_lhs_hint = false} : vector<2048x192xf32>, vector<192x192xf32>, vector<2048x192xf32> -> vector<2048x192xf32>
    %jit3A = arith.constant 0.000000e+00 : f32
    %broadcast_in_dim3A_51 = vector.shape_cast %lt3A_34 : vector<2048x1xi1> to vector<2048x1xi1>
    %broadcast_in_dim3A_52 = vector.broadcast %broadcast_in_dim3A_51 : vector<2048x1xi1> to vector<2048x192xi1>
    %broadcast_in_dim3A_53 = vector.broadcast %jit3A : f32 to vector<2048x192xf32>
    %select_n3A = arith.select %broadcast_in_dim3A_52, %dot_general3A_50, %broadcast_in_dim3A_53 : vector<2048x192xi1>, vector<2048x192xf32>
    %slice3A = vector.extract_strided_slice %select_n3A {offsets = [0, 0], sizes = [2048, 96], strides = [1, 1]} : vector<2048x192xf32> to vector<2048x96xf32>
    %swap3A = arith.constant 0 : index
    %swap3A_54 = arith.constant 0 : index
    %swap3A_55 = arith.constant 0 : index
    %swap3A_56 = vector.load %arg6[%swap3A, %swap3A_54, %swap3A_55] : memref<2x2048x96xf32, #tpu.memory_space<vmem>>, vector<1x2048x96xf32>
    %swap3A_57 = vector.shape_cast %swap3A_56 : vector<1x2048x96xf32> to vector<2048x96xf32>
    %swap3A_58 = vector.shape_cast %slice3A : vector<2048x96xf32> to vector<1x2048x96xf32>
    tpu.vector_store %arg6[%swap3A, %swap3A_54, %swap3A_55], %swap3A_58 {strides = array<i32>} : memref<2x2048x96xf32, #tpu.memory_space<vmem>>, vector<1x2048x96xf32>,
    %slice3A_59 = vector.extract_strided_slice %select_n3A {offsets = [0, 96], sizes = [2048, 96], strides = [1, 1]} : vector<2048x192xf32> to vector<2048x96xf32>
    %swap3A_60 = arith.constant 1 : index
    %swap3A_61 = arith.constant 0 : index
    %swap3A_62 = arith.constant 0 : index
    %swap3A_63 = vector.load %arg6[%swap3A_60, %swap3A_61, %swap3A_62] : memref<2x2048x96xf32, #tpu.memory_space<vmem>>, vector<1x2048x96xf32>
    %swap3A_64 = vector.shape_cast %swap3A_63 : vector<1x2048x96xf32> to vector<2048x96xf32>
    %swap3A_65 = vector.shape_cast %slice3A_59 : vector<2048x96xf32> to vector<1x2048x96xf32>
    tpu.vector_store %arg6[%swap3A_60, %swap3A_61, %swap3A_62], %swap3A_65 {strides = array<i32>} : memref<2x2048x96xf32, #tpu.memory_space<vmem>>, vector<1x2048x96xf32>,
    %get3A_66 = arith.constant 1 : index
    %get3A_67 = arith.constant 0 : index
    %get3A_68 = arith.constant 0 : index
    %get3A_69 = vector.load %arg4[%get3A_66, %get3A_67, %get3A_68] : memref<3x192x192xf32, #tpu.memory_space<vmem>>, vector<1x192x192xf32>
    %get3A_70 = vector.shape_cast %get3A_69 : vector<1x192x192xf32> to vector<192x192xf32>
    %dot_general3A_71 = arith.constant dense<0.000000e+00> : vector<2048x192xf32>
    %dot_general3A_72 = tpu.matmul %concatenate3A, %get3A_70, %dot_general3A_71 {dimension_numbers = #tpu.dot_dimension_numbers<[1], [0], [0], [1], [0, 0, 1, 1], [], []>, transpose_lhs_hint = false} : vector<2048x192xf32>, vector<192x192xf32>, vector<2048x192xf32> -> vector<2048x192xf32>
    %max3A_73 = arith.constant 0.000000e+00 : f32
    %max3A_74 = vector.broadcast %max3A_73 : f32 to vector<2048x192xf32>
    %max3A_75 = arith.maximumf %dot_general3A_72, %max3A_74 : vector<2048x192xf32>
    %get3A_76 = arith.constant 1 : index
    %get3A_77 = arith.constant 0 : index
    %get3A_78 = arith.constant 0 : index
    %get3A_79 = vector.load %arg5[%get3A_76, %get3A_77, %get3A_78] : memref<3x192x192xf32, #tpu.memory_space<vmem>>, vector<1x192x192xf32>
    %get3A_80 = vector.shape_cast %get3A_79 : vector<1x192x192xf32> to vector<192x192xf32>
    %dot_general3A_81 = arith.constant dense<0.000000e+00> : vector<2048x192xf32>
    %dot_general3A_82 = tpu.matmul %max3A_75, %get3A_80, %dot_general3A_81 {dimension_numbers = #tpu.dot_dimension_numbers<[1], [0], [0], [1], [0, 0, 1, 1], [], []>, transpose_lhs_hint = false} : vector<2048x192xf32>, vector<192x192xf32>, vector<2048x192xf32> -> vector<2048x192xf32>
    %jit3A_83 = arith.constant 0.000000e+00 : f32
    %broadcast_in_dim3A_84 = vector.shape_cast %lt3A_34 : vector<2048x1xi1> to vector<2048x1xi1>
    %broadcast_in_dim3A_85 = vector.broadcast %broadcast_in_dim3A_84 : vector<2048x1xi1> to vector<2048x192xi1>
    %broadcast_in_dim3A_86 = vector.broadcast %jit3A_83 : f32 to vector<2048x192xf32>
    %select_n3A_87 = arith.select %broadcast_in_dim3A_85, %dot_general3A_82, %broadcast_in_dim3A_86 : vector<2048x192xi1>, vector<2048x192xf32>
    %slice3A_88 = vector.extract_strided_slice %select_n3A_87 {offsets = [0, 0], sizes = [2048, 96], strides = [1, 1]} : vector<2048x192xf32> to vector<2048x96xf32>
    %swap3A_89 = arith.constant 0 : index
    %swap3A_90 = arith.constant 0 : index
    %swap3A_91 = arith.constant 0 : index
    %swap3A_92 = vector.load %arg7[%swap3A_89, %swap3A_90, %swap3A_91] : memref<2x2048x96xf32, #tpu.memory_space<vmem>>, vector<1x2048x96xf32>
    %swap3A_93 = vector.shape_cast %swap3A_92 : vector<1x2048x96xf32> to vector<2048x96xf32>
    %swap3A_94 = vector.shape_cast %slice3A_88 : vector<2048x96xf32> to vector<1x2048x96xf32>
    tpu.vector_store %arg7[%swap3A_89, %swap3A_90, %swap3A_91], %swap3A_94 {strides = array<i32>} : memref<2x2048x96xf32, #tpu.memory_space<vmem>>, vector<1x2048x96xf32>,
    %slice3A_95 = vector.extract_strided_slice %select_n3A_87 {offsets = [0, 96], sizes = [2048, 96], strides = [1, 1]} : vector<2048x192xf32> to vector<2048x96xf32>
    %swap3A_96 = arith.constant 1 : index
    %swap3A_97 = arith.constant 0 : index
    %swap3A_98 = arith.constant 0 : index
    %swap3A_99 = vector.load %arg7[%swap3A_96, %swap3A_97, %swap3A_98] : memref<2x2048x96xf32, #tpu.memory_space<vmem>>, vector<1x2048x96xf32>
    %swap3A_100 = vector.shape_cast %swap3A_99 : vector<1x2048x96xf32> to vector<2048x96xf32>
    %swap3A_101 = vector.shape_cast %slice3A_95 : vector<2048x96xf32> to vector<1x2048x96xf32>
    tpu.vector_store %arg7[%swap3A_96, %swap3A_97, %swap3A_98], %swap3A_101 {strides = array<i32>} : memref<2x2048x96xf32, #tpu.memory_space<vmem>>, vector<1x2048x96xf32>,
    %get3A_102 = arith.constant 2 : index
    %get3A_103 = arith.constant 0 : index
    %get3A_104 = arith.constant 0 : index
    %get3A_105 = vector.load %arg4[%get3A_102, %get3A_103, %get3A_104] : memref<3x192x192xf32, #tpu.memory_space<vmem>>, vector<1x192x192xf32>
    %get3A_106 = vector.shape_cast %get3A_105 : vector<1x192x192xf32> to vector<192x192xf32>
    %dot_general3A_107 = arith.constant dense<0.000000e+00> : vector<2048x192xf32>
    %dot_general3A_108 = tpu.matmul %concatenate3A, %get3A_106, %dot_general3A_107 {dimension_numbers = #tpu.dot_dimension_numbers<[1], [0], [0], [1], [0, 0, 1, 1], [], []>, transpose_lhs_hint = false} : vector<2048x192xf32>, vector<192x192xf32>, vector<2048x192xf32> -> vector<2048x192xf32>
    %max3A_109 = arith.constant 0.000000e+00 : f32
    %max3A_110 = vector.broadcast %max3A_109 : f32 to vector<2048x192xf32>
    %max3A_111 = arith.maximumf %dot_general3A_108, %max3A_110 : vector<2048x192xf32>
    %get3A_112 = arith.constant 2 : index
    %get3A_113 = arith.constant 0 : index
    %get3A_114 = arith.constant 0 : index
    %get3A_115 = vector.load %arg5[%get3A_112, %get3A_113, %get3A_114] : memref<3x192x192xf32, #tpu.memory_space<vmem>>, vector<1x192x192xf32>
    %get3A_116 = vector.shape_cast %get3A_115 : vector<1x192x192xf32> to vector<192x192xf32>
    %dot_general3A_117 = arith.constant dense<0.000000e+00> : vector<2048x192xf32>
    %dot_general3A_118 = tpu.matmul %max3A_111, %get3A_116, %dot_general3A_117 {dimension_numbers = #tpu.dot_dimension_numbers<[1], [0], [0], [1], [0, 0, 1, 1], [], []>, transpose_lhs_hint = false} : vector<2048x192xf32>, vector<192x192xf32>, vector<2048x192xf32> -> vector<2048x192xf32>
    %jit3A_119 = arith.constant 0.000000e+00 : f32
    %broadcast_in_dim3A_120 = vector.shape_cast %lt3A_34 : vector<2048x1xi1> to vector<2048x1xi1>
    %broadcast_in_dim3A_121 = vector.broadcast %broadcast_in_dim3A_120 : vector<2048x1xi1> to vector<2048x192xi1>
    %broadcast_in_dim3A_122 = vector.broadcast %jit3A_119 : f32 to vector<2048x192xf32>
    %select_n3A_123 = arith.select %broadcast_in_dim3A_121, %dot_general3A_118, %broadcast_in_dim3A_122 : vector<2048x192xi1>, vector<2048x192xf32>
    %slice3A_124 = vector.extract_strided_slice %select_n3A_123 {offsets = [0, 0], sizes = [2048, 96], strides = [1, 1]} : vector<2048x192xf32> to vector<2048x96xf32>
    %swap3A_125 = arith.constant 0 : index
    %swap3A_126 = arith.constant 0 : index
    %swap3A_127 = arith.constant 0 : index
    %swap3A_128 = vector.load %arg8[%swap3A_125, %swap3A_126, %swap3A_127] : memref<2x2048x96xf32, #tpu.memory_space<vmem>>, vector<1x2048x96xf32>
    %swap3A_129 = vector.shape_cast %swap3A_128 : vector<1x2048x96xf32> to vector<2048x96xf32>
    %swap3A_130 = vector.shape_cast %slice3A_124 : vector<2048x96xf32> to vector<1x2048x96xf32>
    tpu.vector_store %arg8[%swap3A_125, %swap3A_126, %swap3A_127], %swap3A_130 {strides = array<i32>} : memref<2x2048x96xf32, #tpu.memory_space<vmem>>, vector<1x2048x96xf32>,
    %slice3A_131 = vector.extract_strided_slice %select_n3A_123 {offsets = [0, 96], sizes = [2048, 96], strides = [1, 1]} : vector<2048x192xf32> to vector<2048x96xf32>
    %swap3A_132 = arith.constant 1 : index
    %swap3A_133 = arith.constant 0 : index
    %swap3A_134 = arith.constant 0 : index
    %swap3A_135 = vector.load %arg8[%swap3A_132, %swap3A_133, %swap3A_134] : memref<2x2048x96xf32, #tpu.memory_space<vmem>>, vector<1x2048x96xf32>
    %swap3A_136 = vector.shape_cast %swap3A_135 : vector<1x2048x96xf32> to vector<2048x96xf32>
    %swap3A_137 = vector.shape_cast %slice3A_131 : vector<2048x96xf32> to vector<1x2048x96xf32>
    tpu.vector_store %arg8[%swap3A_132, %swap3A_133, %swap3A_134], %swap3A_137 {strides = array<i32>} : memref<2x2048x96xf32, #tpu.memory_space<vmem>>, vector<1x2048x96xf32>,
    return
  }
  func.func @transform_0(%arg0: i32) -> (i32, i32, i32) {
    %c0_i32 = arith.constant 0 : i32
    %c0_i32_0 = arith.constant 0 : i32
    %c0_i32_1 = arith.constant 0 : i32
    return %arg0, %c0_i32, %c0_i32_0 : i32, i32, i32
  }
  func.func @transform_1(%arg0: i32) -> (i32, i32, i32) {
    %c0_i32 = arith.constant 0 : i32
    %c0_i32_0 = arith.constant 0 : i32
    %c0_i32_1 = arith.constant 0 : i32
    return %arg0, %c0_i32, %c0_i32_0 : i32, i32, i32
  }
  func.func @transform_2(%arg0: i32) -> (i32, i32) {
    %c0_i32 = arith.constant 0 : i32
    %c0_i32_0 = arith.constant 0 : i32
    %c0_i32_1 = arith.constant 0 : i32
    return %c0_i32, %c0_i32_0 : i32, i32
  }
  func.func @transform_3(%arg0: i32) -> (i32, i32, i32) {
    %c0_i32 = arith.constant 0 : i32
    %c0_i32_0 = arith.constant 0 : i32
    %c0_i32_1 = arith.constant 0 : i32
    %c0_i32_2 = arith.constant 0 : i32
    return %c0_i32, %c0_i32_0, %c0_i32_1 : i32, i32, i32
  }
  func.func @transform_4(%arg0: i32) -> (i32, i32, i32) {
    %c0_i32 = arith.constant 0 : i32
    %c0_i32_0 = arith.constant 0 : i32
    %c0_i32_1 = arith.constant 0 : i32
    %c0_i32_2 = arith.constant 0 : i32
    return %c0_i32, %c0_i32_0, %c0_i32_1 : i32, i32, i32
  }
  func.func @transform_5(%arg0: i32) -> (i32, i32, i32) {
    %c0_i32 = arith.constant 0 : i32
    %c0_i32_0 = arith.constant 0 : i32
    %c0_i32_1 = arith.constant 0 : i32
    return %c0_i32, %arg0, %c0_i32_0 : i32, i32, i32
  }
  func.func @transform_6(%arg0: i32) -> (i32, i32, i32) {
    %c0_i32 = arith.constant 0 : i32
    %c0_i32_0 = arith.constant 0 : i32
    %c0_i32_1 = arith.constant 0 : i32
    return %c0_i32, %arg0, %c0_i32_0 : i32, i32, i32
  }
  func.func @transform_7(%arg0: i32) -> (i32, i32, i32) {
    %c0_i32 = arith.constant 0 : i32
    %c0_i32_0 = arith.constant 0 : i32
    %c0_i32_1 = arith.constant 0 : i32
    return %c0_i32, %arg0, %c0_i32_0 : i32, i32, i32
  }
}

module attributes {stable_mosaic.version = 14 : i64} {
  func.func @_upd_hn_body(%arg0: i32, %arg1: memref<2x2000x96xf32, #tpu.memory_space<vmem>>, %arg2: memref<2000x128xf32, #tpu.memory_space<vmem>>, %arg3: memref<192x128xf32, #tpu.memory_space<vmem>>, %arg4: memref<128x128xf32, #tpu.memory_space<vmem>>, %arg5: memref<128x192xf32, #tpu.memory_space<vmem>>, %arg6: memref<2000x128xf32, #tpu.memory_space<vmem>>, %arg7: memref<2x2000x96xf32, #tpu.memory_space<vmem>>) attributes {dimension_semantics = [#tpu.dimension_semantics<arbitrary>], iteration_bounds = array<i64: 5>, scalar_prefetch = 0 : i64, scratch_operands = 0 : i64, tpu.core_type = #tpu.core_type<tc>, window_params = [{transform_indices = @transform_0, window_bounds = array<i64: 2, 2000, 96>}, {transform_indices = @transform_1, window_bounds = array<i64: 2000, 128>}, {pipeline_mode = #tpu.pipeline_mode<synchronous>, transform_indices = @transform_2, window_bounds = array<i64: 192, 128>}, {pipeline_mode = #tpu.pipeline_mode<synchronous>, transform_indices = @transform_3, window_bounds = array<i64: 128, 128>}, {pipeline_mode = #tpu.pipeline_mode<synchronous>, transform_indices = @transform_4, window_bounds = array<i64: 128, 192>}, {transform_indices = @transform_5, window_bounds = array<i64: 2000, 128>}, {transform_indices = @transform_6, window_bounds = array<i64: 2, 2000, 96>}]} {
    %get3A = arith.constant 0 : index
    %get3A_0 = arith.constant 0 : index
    %get3A_1 = arith.constant 0 : index
    %get3A_2 = vector.load %arg1[%get3A, %get3A_0, %get3A_1] : memref<2x2000x96xf32, #tpu.memory_space<vmem>>, vector<1x2000x96xf32>
    %get3A_3 = vector.shape_cast %get3A_2 : vector<1x2000x96xf32> to vector<2000x96xf32>
    %get3A_4 = arith.constant 1 : index
    %get3A_5 = arith.constant 0 : index
    %get3A_6 = arith.constant 0 : index
    %get3A_7 = vector.load %arg1[%get3A_4, %get3A_5, %get3A_6] : memref<2x2000x96xf32, #tpu.memory_space<vmem>>, vector<1x2000x96xf32>
    %get3A_8 = vector.shape_cast %get3A_7 : vector<1x2000x96xf32> to vector<2000x96xf32>
    %concatenate3A = tpu.concatenate %get3A_3, %get3A_8 in 1 : vector<2000x96xf32>, vector<2000x96xf32> -> vector<2000x192xf32>
    %get3A_9 = arith.constant 0 : index
    %get3A_10 = arith.constant 0 : index
    %get3A_11 = vector.load %arg2[%get3A_9, %get3A_10] : memref<2000x128xf32, #tpu.memory_space<vmem>>, vector<2000x128xf32>
    %get3A_12 = arith.constant 0 : index
    %get3A_13 = arith.constant 0 : index
    %get3A_14 = vector.load %arg3[%get3A_12, %get3A_13] : memref<192x128xf32, #tpu.memory_space<vmem>>, vector<192x128xf32>
    %dot_general3A = arith.constant dense<0.000000e+00> : vector<2000x128xf32>
    %dot_general3A_15 = tpu.matmul %concatenate3A, %get3A_14, %dot_general3A {dimension_numbers = #tpu.dot_dimension_numbers<[1], [0], [0], [1], [0, 0, 1, 1], [], []>, transpose_lhs_hint = false} : vector<2000x192xf32>, vector<192x128xf32>, vector<2000x128xf32> -> vector<2000x128xf32>
    %tanh3A = math.tanh %dot_general3A_15 : vector<2000x128xf32>
    %add3A = arith.addf %get3A_11, %tanh3A : vector<2000x128xf32>
    %swap3A = arith.constant 0 : index
    %swap3A_16 = arith.constant 0 : index
    %swap3A_17 = vector.load %arg6[%swap3A, %swap3A_16] : memref<2000x128xf32, #tpu.memory_space<vmem>>, vector<2000x128xf32>
    tpu.vector_store %arg6[%swap3A, %swap3A_16], %add3A {strides = array<i32>} : memref<2000x128xf32, #tpu.memory_space<vmem>>, vector<2000x128xf32>,
    %get3A_18 = arith.constant 0 : index
    %get3A_19 = arith.constant 0 : index
    %get3A_20 = vector.load %arg4[%get3A_18, %get3A_19] : memref<128x128xf32, #tpu.memory_space<vmem>>, vector<128x128xf32>
    %dot_general3A_21 = arith.constant dense<0.000000e+00> : vector<2000x128xf32>
    %dot_general3A_22 = tpu.matmul %add3A, %get3A_20, %dot_general3A_21 {dimension_numbers = #tpu.dot_dimension_numbers<[1], [0], [0], [1], [0, 0, 1, 1], [], []>, transpose_lhs_hint = false} : vector<2000x128xf32>, vector<128x128xf32>, vector<2000x128xf32> -> vector<2000x128xf32>
    %max3A = arith.constant 0.000000e+00 : f32
    %max3A_23 = vector.broadcast %max3A : f32 to vector<2000x128xf32>
    %max3A_24 = arith.maximumf %dot_general3A_22, %max3A_23 : vector<2000x128xf32>
    %get3A_25 = arith.constant 0 : index
    %get3A_26 = arith.constant 0 : index
    %get3A_27 = vector.load %arg5[%get3A_25, %get3A_26] : memref<128x192xf32, #tpu.memory_space<vmem>>, vector<128x192xf32>
    %dot_general3A_28 = arith.constant dense<0.000000e+00> : vector<2000x192xf32>
    %dot_general3A_29 = tpu.matmul %max3A_24, %get3A_27, %dot_general3A_28 {dimension_numbers = #tpu.dot_dimension_numbers<[1], [0], [0], [1], [0, 0, 1, 1], [], []>, transpose_lhs_hint = false} : vector<2000x128xf32>, vector<128x192xf32>, vector<2000x192xf32> -> vector<2000x192xf32>
    %slice3A = vector.extract_strided_slice %dot_general3A_29 {offsets = [0, 0], sizes = [2000, 96], strides = [1, 1]} : vector<2000x192xf32> to vector<2000x96xf32>
    %swap3A_30 = arith.constant 0 : index
    %swap3A_31 = arith.constant 0 : index
    %swap3A_32 = arith.constant 0 : index
    %swap3A_33 = vector.load %arg7[%swap3A_30, %swap3A_31, %swap3A_32] : memref<2x2000x96xf32, #tpu.memory_space<vmem>>, vector<1x2000x96xf32>
    %swap3A_34 = vector.shape_cast %swap3A_33 : vector<1x2000x96xf32> to vector<2000x96xf32>
    %swap3A_35 = vector.shape_cast %slice3A : vector<2000x96xf32> to vector<1x2000x96xf32>
    tpu.vector_store %arg7[%swap3A_30, %swap3A_31, %swap3A_32], %swap3A_35 {strides = array<i32>} : memref<2x2000x96xf32, #tpu.memory_space<vmem>>, vector<1x2000x96xf32>,
    %slice3A_36 = vector.extract_strided_slice %dot_general3A_29 {offsets = [0, 96], sizes = [2000, 96], strides = [1, 1]} : vector<2000x192xf32> to vector<2000x96xf32>
    %swap3A_37 = arith.constant 1 : index
    %swap3A_38 = arith.constant 0 : index
    %swap3A_39 = arith.constant 0 : index
    %swap3A_40 = vector.load %arg7[%swap3A_37, %swap3A_38, %swap3A_39] : memref<2x2000x96xf32, #tpu.memory_space<vmem>>, vector<1x2000x96xf32>
    %swap3A_41 = vector.shape_cast %swap3A_40 : vector<1x2000x96xf32> to vector<2000x96xf32>
    %swap3A_42 = vector.shape_cast %slice3A_36 : vector<2000x96xf32> to vector<1x2000x96xf32>
    tpu.vector_store %arg7[%swap3A_37, %swap3A_38, %swap3A_39], %swap3A_42 {strides = array<i32>} : memref<2x2000x96xf32, #tpu.memory_space<vmem>>, vector<1x2000x96xf32>,
    return
  }
  func.func @transform_0(%arg0: i32) -> (i32, i32, i32) {
    %c0_i32 = arith.constant 0 : i32
    %c0_i32_0 = arith.constant 0 : i32
    %c0_i32_1 = arith.constant 0 : i32
    return %c0_i32, %arg0, %c0_i32_0 : i32, i32, i32
  }
  func.func @transform_1(%arg0: i32) -> (i32, i32) {
    %c0_i32 = arith.constant 0 : i32
    %c0_i32_0 = arith.constant 0 : i32
    return %arg0, %c0_i32 : i32, i32
  }
  func.func @transform_2(%arg0: i32) -> (i32, i32) {
    %c0_i32 = arith.constant 0 : i32
    %c0_i32_0 = arith.constant 0 : i32
    %c0_i32_1 = arith.constant 0 : i32
    return %c0_i32, %c0_i32_0 : i32, i32
  }
  func.func @transform_3(%arg0: i32) -> (i32, i32) {
    %c0_i32 = arith.constant 0 : i32
    %c0_i32_0 = arith.constant 0 : i32
    %c0_i32_1 = arith.constant 0 : i32
    return %c0_i32, %c0_i32_0 : i32, i32
  }
  func.func @transform_4(%arg0: i32) -> (i32, i32) {
    %c0_i32 = arith.constant 0 : i32
    %c0_i32_0 = arith.constant 0 : i32
    %c0_i32_1 = arith.constant 0 : i32
    return %c0_i32, %c0_i32_0 : i32, i32
  }
  func.func @transform_5(%arg0: i32) -> (i32, i32) {
    %c0_i32 = arith.constant 0 : i32
    %c0_i32_0 = arith.constant 0 : i32
    return %arg0, %c0_i32 : i32, i32
  }
  func.func @transform_6(%arg0: i32) -> (i32, i32, i32) {
    %c0_i32 = arith.constant 0 : i32
    %c0_i32_0 = arith.constant 0 : i32
    %c0_i32_1 = arith.constant 0 : i32
    return %c0_i32, %arg0, %c0_i32_0 : i32, i32, i32
  }
}

module attributes {stable_mosaic.version = 14 : i64} {
  func.func @_upd_read_body(%arg0: i32, %arg1: memref<2x2000x96xf32, #tpu.memory_space<vmem>>, %arg2: memref<2000x128xf32, #tpu.memory_space<vmem>>, %arg3: memref<192x128xf32, #tpu.memory_space<vmem>>, %arg4: memref<128x128xf32, #tpu.memory_space<vmem>>, %arg5: memref<1x128xf32, #tpu.memory_space<vmem>>, %arg6: memref<1x128xf32, #tpu.memory_space<vmem>>) attributes {dimension_semantics = [#tpu.dimension_semantics<arbitrary>], iteration_bounds = array<i64: 5>, scalar_prefetch = 0 : i64, scratch_operands = 0 : i64, tpu.core_type = #tpu.core_type<tc>, window_params = [{transform_indices = @transform_0, window_bounds = array<i64: 2, 2000, 96>}, {transform_indices = @transform_1, window_bounds = array<i64: 2000, 128>}, {pipeline_mode = #tpu.pipeline_mode<synchronous>, transform_indices = @transform_2, window_bounds = array<i64: 192, 128>}, {pipeline_mode = #tpu.pipeline_mode<synchronous>, transform_indices = @transform_3, window_bounds = array<i64: 128, 128>}, {pipeline_mode = #tpu.pipeline_mode<synchronous>, transform_indices = @transform_4, window_bounds = array<i64: 1, 128>}, {pipeline_mode = #tpu.pipeline_mode<synchronous>, transform_indices = @transform_5, window_bounds = array<i64: 1, 128>}]} {
    %get3A = arith.constant 0 : index
    %get3A_0 = arith.constant 0 : index
    %get3A_1 = arith.constant 0 : index
    %get3A_2 = vector.load %arg1[%get3A, %get3A_0, %get3A_1] : memref<2x2000x96xf32, #tpu.memory_space<vmem>>, vector<1x2000x96xf32>
    %get3A_3 = vector.shape_cast %get3A_2 : vector<1x2000x96xf32> to vector<2000x96xf32>
    %get3A_4 = arith.constant 1 : index
    %get3A_5 = arith.constant 0 : index
    %get3A_6 = arith.constant 0 : index
    %get3A_7 = vector.load %arg1[%get3A_4, %get3A_5, %get3A_6] : memref<2x2000x96xf32, #tpu.memory_space<vmem>>, vector<1x2000x96xf32>
    %get3A_8 = vector.shape_cast %get3A_7 : vector<1x2000x96xf32> to vector<2000x96xf32>
    %concatenate3A = tpu.concatenate %get3A_3, %get3A_8 in 1 : vector<2000x96xf32>, vector<2000x96xf32> -> vector<2000x192xf32>
    %get3A_9 = arith.constant 0 : index
    %get3A_10 = arith.constant 0 : index
    %get3A_11 = vector.load %arg2[%get3A_9, %get3A_10] : memref<2000x128xf32, #tpu.memory_space<vmem>>, vector<2000x128xf32>
    %get3A_12 = arith.constant 0 : index
    %get3A_13 = arith.constant 0 : index
    %get3A_14 = vector.load %arg3[%get3A_12, %get3A_13] : memref<192x128xf32, #tpu.memory_space<vmem>>, vector<192x128xf32>
    %dot_general3A = arith.constant dense<0.000000e+00> : vector<2000x128xf32>
    %dot_general3A_15 = tpu.matmul %concatenate3A, %get3A_14, %dot_general3A {dimension_numbers = #tpu.dot_dimension_numbers<[1], [0], [0], [1], [0, 0, 1, 1], [], []>, transpose_lhs_hint = false} : vector<2000x192xf32>, vector<192x128xf32>, vector<2000x128xf32> -> vector<2000x128xf32>
    %tanh3A = math.tanh %dot_general3A_15 : vector<2000x128xf32>
    %add3A = arith.addf %get3A_11, %tanh3A : vector<2000x128xf32>
    %get3A_16 = arith.constant 0 : index
    %get3A_17 = arith.constant 0 : index
    %get3A_18 = vector.load %arg4[%get3A_16, %get3A_17] : memref<128x128xf32, #tpu.memory_space<vmem>>, vector<128x128xf32>
    %dot_general3A_19 = arith.constant dense<0.000000e+00> : vector<2000x128xf32>
    %dot_general3A_20 = tpu.matmul %add3A, %get3A_18, %dot_general3A_19 {dimension_numbers = #tpu.dot_dimension_numbers<[1], [0], [0], [1], [0, 0, 1, 1], [], []>, transpose_lhs_hint = false} : vector<2000x128xf32>, vector<128x128xf32>, vector<2000x128xf32> -> vector<2000x128xf32>
    %max3A = arith.constant 0.000000e+00 : f32
    %max3A_21 = vector.broadcast %max3A : f32 to vector<2000x128xf32>
    %max3A_22 = arith.maximumf %dot_general3A_20, %max3A_21 : vector<2000x128xf32>
    %get3A_23 = arith.constant 0 : index
    %get3A_24 = arith.constant 0 : index
    %get3A_25 = vector.load %arg5[%get3A_23, %get3A_24] : memref<1x128xf32, #tpu.memory_space<vmem>>, vector<1x128xf32>
    %mul3A = vector.broadcast %get3A_25 : vector<1x128xf32> to vector<2000x128xf32>
    %mul3A_26 = arith.mulf %max3A_22, %mul3A : vector<2000x128xf32>
    %reduce_sum3A = arith.constant dense<0.000000e+00> : vector<128xf32>
    %reduce_sum3A_27 = vector.multi_reduction <add>, %mul3A_26, %reduce_sum3A [0] : vector<2000x128xf32> to vector<128xf32>
    %broadcast_in_dim3A = vector.shape_cast %reduce_sum3A_27 : vector<128xf32> to vector<1x128xf32>
    %eq3A = arith.constant 0 : i32
    %eq3A_28 = arith.cmpi eq, %arg0, %eq3A : i32
    %convert_element_type3A = arith.extui %eq3A_28 : i1 to i32
    %cond3A = arith.constant 0 : i32
    %cond3A_29 = arith.cmpi ne, %convert_element_type3A, %cond3A : i32
    scf.if %cond3A_29 {
      %broadcast_in_dim3A_41 = arith.constant 0.000000e+00 : f32
      %broadcast_in_dim3A_42 = vector.broadcast %broadcast_in_dim3A_41 : f32 to vector<1x128xf32>
      %swap3A_43 = arith.constant 0 : index
      %swap3A_44 = arith.constant 0 : index
      %swap3A_45 = vector.load %arg6[%swap3A_43, %swap3A_44] : memref<1x128xf32, #tpu.memory_space<vmem>>, vector<1x128xf32>
      tpu.vector_store %arg6[%swap3A_43, %swap3A_44], %broadcast_in_dim3A_42 {strides = array<i32>} : memref<1x128xf32, #tpu.memory_space<vmem>>, vector<1x128xf32>,
    } else {
    }
    %get3A_30 = arith.constant 0 : index
    %get3A_31 = arith.constant 0 : index
    %get3A_32 = vector.load %arg6[%get3A_30, %get3A_31] : memref<1x128xf32, #tpu.memory_space<vmem>>, vector<1x128xf32>
    %add3A_33 = arith.addf %get3A_32, %broadcast_in_dim3A : vector<1x128xf32>
    %swap3A = arith.constant 0 : index
    %swap3A_34 = arith.constant 0 : index
    %swap3A_35 = vector.load %arg6[%swap3A, %swap3A_34] : memref<1x128xf32, #tpu.memory_space<vmem>>, vector<1x128xf32>
    tpu.vector_store %arg6[%swap3A, %swap3A_34], %add3A_33 {strides = array<i32>} : memref<1x128xf32, #tpu.memory_space<vmem>>, vector<1x128xf32>,
    %eq3A_36 = arith.constant 4 : i32
    %eq3A_37 = arith.cmpi eq, %arg0, %eq3A_36 : i32
    %convert_element_type3A_38 = arith.extui %eq3A_37 : i1 to i32
    %cond3A_39 = arith.constant 0 : i32
    %cond3A_40 = arith.cmpi ne, %convert_element_type3A_38, %cond3A_39 : i32
    scf.if %cond3A_40 {
      %broadcast_in_dim3A_41 = arith.constant 0.000000e+00 : f32
      %broadcast_in_dim3A_42 = vector.broadcast %broadcast_in_dim3A_41 : f32 to vector<1x128xf32>
      %get3A_43 = arith.constant 0 : index
      %get3A_44 = arith.constant 0 : index
      %get3A_45 = vector.load %arg6[%get3A_43, %get3A_44] : memref<1x128xf32, #tpu.memory_space<vmem>>, vector<1x128xf32>
      %reduce_sum3A_46 = vector.shape_cast %get3A_45 : vector<1x128xf32> to vector<1x1x128xf32>
      %reduce_sum3A_47 = arith.constant dense<0.000000e+00> : vector<1xf32>
      %reduce_sum3A_48 = vector.multi_reduction <add>, %reduce_sum3A_46, %reduce_sum3A_47 [1, 2] : vector<1x1x128xf32> to vector<1xf32>
      %reduce_sum3A_49 = vector.shape_cast %reduce_sum3A_48 : vector<1xf32> to vector<1x1x1xf32>
      %reduce_sum3A_50 = vector.extract %reduce_sum3A_49[0, 0, 0] : f32 from vector<1x1x1xf32>
      %add3A_51 = vector.broadcast %reduce_sum3A_50 : f32 to vector<1x128xf32>
      %add3A_52 = arith.addf %broadcast_in_dim3A_42, %add3A_51 : vector<1x128xf32>
      %swap3A_53 = arith.constant 0 : index
      %swap3A_54 = arith.constant 0 : index
      %swap3A_55 = vector.load %arg6[%swap3A_53, %swap3A_54] : memref<1x128xf32, #tpu.memory_space<vmem>>, vector<1x128xf32>
      tpu.vector_store %arg6[%swap3A_53, %swap3A_54], %add3A_52 {strides = array<i32>} : memref<1x128xf32, #tpu.memory_space<vmem>>, vector<1x128xf32>,
    } else {
    }
    return
  }
  func.func @transform_0(%arg0: i32) -> (i32, i32, i32) {
    %c0_i32 = arith.constant 0 : i32
    %c0_i32_0 = arith.constant 0 : i32
    %c0_i32_1 = arith.constant 0 : i32
    return %c0_i32, %arg0, %c0_i32_0 : i32, i32, i32
  }
  func.func @transform_1(%arg0: i32) -> (i32, i32) {
    %c0_i32 = arith.constant 0 : i32
    %c0_i32_0 = arith.constant 0 : i32
    return %arg0, %c0_i32 : i32, i32
  }
  func.func @transform_2(%arg0: i32) -> (i32, i32) {
    %c0_i32 = arith.constant 0 : i32
    %c0_i32_0 = arith.constant 0 : i32
    %c0_i32_1 = arith.constant 0 : i32
    return %c0_i32, %c0_i32_0 : i32, i32
  }
  func.func @transform_3(%arg0: i32) -> (i32, i32) {
    %c0_i32 = arith.constant 0 : i32
    %c0_i32_0 = arith.constant 0 : i32
    %c0_i32_1 = arith.constant 0 : i32
    return %c0_i32, %c0_i32_0 : i32, i32
  }
  func.func @transform_4(%arg0: i32) -> (i32, i32) {
    %c0_i32 = arith.constant 0 : i32
    %c0_i32_0 = arith.constant 0 : i32
    %c0_i32_1 = arith.constant 0 : i32
    return %c0_i32, %c0_i32_0 : i32, i32
  }
  func.func @transform_5(%arg0: i32) -> (i32, i32) {
    %c0_i32 = arith.constant 0 : i32
    %c0_i32_0 = arith.constant 0 : i32
    %c0_i32_1 = arith.constant 0 : i32
    return %c0_i32, %c0_i32_0 : i32, i32
  }
}

</mosaic_0001>

<sc_bundles>
// kernel: kernel.10.cloned.1.call-start
scs
__scs_entry_jumppad:
0x0: {  	(pc) =	sbr.rel $0x88, $3  }
0x1: {  	(tag) =	ssettag $0x0;
	lr =	simm.s32 $0x1  }
0x2: {  	[smem:$0x3F94] =	sst lr;
	_ =	strace $0xD0000000  }
0x3: {  	_ = 	snop  }
0x4: {  	_ = 	snop  }
0x5: {  	_ = 	snop  }
0x6: {  	_ = 	snop  }
0x7: {  	_ = 	snop  }
__scs_overlays_trampoline_lowered:
0x8: {  	[smem:$0x3FA3] =	sst s0  }
0x9: {  	[smem:$0x3FA4] =	sst s1  }
0xa: {  	[smem:$0x3FA5] =	sst s2  }
0xb: {  	[smem:$0x3FA6] =	sst s3  }
0xc: {  	[smem:$0x3FA7] =	sst s4  }
0xd: {  	[smem:$0x3FA8] =	sst s5  }
0xe: {  	[smem:$0x3FA9] =	sst s6  }
0xf: {  	[smem:$0x3FAA] =	sst s7  }
0x10: {  	[smem:$0x3FAB] =	sst s8  }
0x11: {  	[smem:$0x3FAC] =	sst s9;
	s0 =	simm.s32 @!p0 $0x0  }
0x12: {  	s1 =	sld [smem:$0x3F92];
	s0 =	simm.s32 @p0 $0x1  }
0x13: {  	[smem:$0x3FAD] =	sst s0;
	s0 =	simm.s32 @!p1 $0x0  }
0x14: {  	s2 =	sld [smem:$0x3F91];
	s0 =	simm.s32 @p1 $0x1  }
0x15: {  	[smem:$0x3FAE] =	sst s0;
	s0 =	simm.s32 @!p2 $0x0  }
0x16: {  	s3 =	sld [smem:$0x3FDB];
	s0 =	simm.s32 @p2 $0x1  }
0x17: {  	s4 =	simm.s32 $0x1BF5;
	[smem:$0x3FB0] =	sst s0  }
0x18: {  	s0 =	sld [smem:$0x3F93];
	_ =	swait.ge [sflag:s4], $0x0  }
0x19: {  	s7 =	sld [smem:$0x3F94]  }
0x1a: {  	s8 =	sadd.s32 $0xFFFFE003, lr  }
0x1b: {  	s9 =	sadd.s32 $0xFFFFFEF7, lr;
	s5 =	simm.s32 $0xFFFFFFFF;
	p2 =	slt.u32 s8, $0xFFFFF086  }
0x1c: {  	p1 =	slt.u32 s9, $0xF7A;
	s5 =	simm.s32 @!p2 $0x0  }
0x1d: {  	s5 =	simm.s32 @p1 $0x1;
	p0 =	seq.s32 s7, s2  }
0x1e: {  	s7 =	smul.u32 @!p0 $0xF7A, s2;
	p2 =	seq.s32 @!p0 s5, $0x0  }
0x1f: {  	s9 =	smul.u32 $0xF7A, s1;
	s8 =	simm.s32 @!p0 $0x1BF5;
	p2 =	por !p2, p0  }
0x20: {  	[sflag:s8] =	ssyncset.s32 @!p0 $0xFFFFF086;
	s6 =	sadd.s32 @!p0 s3, s7;
	s7 =	simm.s32 @!p0 $0x108  }
0x21: {  	s3 =	sadd.s32 s3, s9;
	s6 =	sadd.s32 @!p0 $0x88, s6;
	s7 =	simm.s32 @p2 $0x1082  }
0x22: {  	[simem:s7], [sflag:s8] =	dma.local @!p0 [hbm:s6], $0xF7A  }
0x23: {  	s9 =	sor.u32 $0xD0000000, s2;
	s6 =	simm.s32 $0x108;
	_ =	swait.ge @!p0 [sflag:s8], $0x0  }
0x24: {  	s3 =	sadd.s32 $0x88, s3;
	s6 =	simm.s32 @!p1 $0x1082;
	[sflag:s4] =	ssyncset.s32 $0xFFFFF086  }
0x25: {  	[simem:s6], [sflag:s4] =	dma.local [hbm:s3], $0xF7A  }
0x26: {  	[smem:$0x3F94] =	sst s1;
	(tag) =	ssettag s2;
	_ =	strace s9  }
0x27: {  	s1 =	sld [smem:$0x3FA4]  }
0x28: {  	s2 =	sld [smem:$0x3FA5]  }
0x29: {  	s4 =	sld [smem:$0x3FA7]  }
0x2a: {  	p0 =	seq.s32 s5, $0x0;
	s5 =	sld [smem:$0x3FA8]  }
0x2b: {  	s6 =	sld [smem:$0x3FA9]  }
0x2c: {  	s7 =	sld [smem:$0x3FAA]  }
0x2d: {  	s3 =	simm.s32 $0x108;
	s8 =	sld [smem:$0x3FAB]  }
0x2e: {  	s3 =	simm.s32 @!p0 $0x1082;
	s9 =	sld [smem:$0x3FAC]  }
0x2f: {  	lr =	sadd.s32 s0, s3;
	s0 =	sld [smem:$0x3FA3]  }
0x30: {  	s3 =	sld [smem:$0x3FA6]  }
0x31: {  	[smem:$0x3FAF] =	sst s10  }
0x32: {  	s10 =	sld [smem:$0x3FAD];
	_ =	sdelay $0x3  }
0x33: {  	p0 =	seq.s32 s10, $0x1;
	s10 =	sld [smem:$0x3FAF];
	_ =	sdelay $0x3  }
0x34: {  	[smem:$0x3FAF] =	sst s10  }
0x35: {  	s10 =	sld [smem:$0x3FAE];
	_ =	sdelay $0x3  }
0x36: {  	p1 =	seq.s32 s10, $0x1;
	s10 =	sld [smem:$0x3FAF];
	_ =	sdelay $0x3  }
0x37: {  	[smem:$0x3FAF] =	sst s10  }
0x38: {  	s10 =	sld [smem:$0x3FB0]  }
0x39: {  	_ = 	snop;
	(pc) =	sbr.ind lr, $3  }
0x3a: {  	_ = 	snop  }
0x3b: {  	_ = 	snop  }
0x3c: {  	p2 =	seq.s32 s10, $0x1;
	s10 =	sld [smem:$0x3FAF]  }
0x3d: {  	_ =	shalt  }
0x3e: {  	_ =	shalt  }
0x3f: {  	_ =	shalt  }
0x40: {  	_ =	shalt  }
0x41: {  	_ =	shalt  }
0x42: {  	_ =	shalt  }
0x43: {  	_ =	shalt  }
0x44: {  	_ =	shalt  }
0x45: {  	_ =	shalt  }
0x46: {  	_ =	shalt  }
0x47: {  	_ =	shalt  }
0x48: {  	_ =	shalt  }
0x49: {  	_ =	shalt  }
0x4a: {  	_ =	shalt  }
0x4b: {  	_ =	shalt  }
0x4c: {  	_ =	shalt  }
0x4d: {  	_ =	shalt  }
0x4e: {  	_ =	shalt  }
0x4f: {  	_ =	shalt  }
0x50: {  	_ =	shalt  }
0x51: {  	_ =	shalt  }
0x52: {  	_ =	shalt  }
0x53: {  	_ =	shalt  }
0x54: {  	_ =	shalt  }
0x55: {  	_ =	shalt  }
0x56: {  	_ =	shalt  }
0x57: {  	_ =	shalt  }
0x58: {  	_ =	shalt  }
0x59: {  	_ =	shalt  }
0x5a: {  	_ =	shalt  }
0x5b: {  	_ =	shalt  }
0x5c: {  	_ =	shalt  }
0x5d: {  	_ =	shalt  }
0x5e: {  	_ =	shalt  }
0x5f: {  	_ =	shalt  }
0x60: {  	_ =	shalt  }
0x61: {  	_ =	shalt  }
0x62: {  	_ =	shalt  }
0x63: {  	_ =	shalt  }
0x64: {  	_ =	shalt  }
0x65: {  	_ =	shalt  }
0x66: {  	_ =	shalt  }
0x67: {  	_ =	shalt  }
0x68: {  	_ =	shalt  }
0x69: {  	_ =	shalt  }
0x6a: {  	_ =	shalt  }
0x6b: {  	_ =	shalt  }
0x6c: {  	_ =	shalt  }
0x6d: {  	_ =	shalt  }
0x6e: {  	_ =	shalt  }
0x6f: {  	_ =	shalt  }
0x70: {  	_ =	shalt  }
0x71: {  	_ =	shalt  }
0x72: {  	_ =	shalt  }
0x73: {  	_ =	shalt  }
0x74: {  	_ =	shalt  }
0x75: {  	_ =	shalt  }
0x76: {  	_ =	shalt  }
0x77: {  	_ =	shalt  }
0x78: {  	_ =	shalt  }
0x79: {  	_ =	shalt  }
0x7a: {  	_ =	shalt  }
0x7b: {  	_ =	shalt  }
0x7c: {  	_ =	shalt  }
0x7d: {  	_ =	shalt  }
0x7e: {  	_ =	shalt  }
0x7f: {  	_ =	shalt  }
0x80: {  	_ =	shalt  }
0x81: {  	_ =	shalt  }
0x82: {  	_ =	shalt  }
0x83: {  	_ =	shalt  }
0x84: {  	_ =	shalt  }
0x85: {  	_ =	shalt  }
0x86: {  	_ =	shalt  }
0x87: {  	_ =	shalt  }
.Lfunc_end0:
.L_simem_size_0:
called_computation_lowered:
.L_overlay_start_0:
0x88: {  	s2 =	sld [smem:$0x3FD9]  }
0x89: {  	s3 =	sld [smem:$0x3FFE];
	_ =	sdelay $0x1  }
0x8a: {  	s1 =	srdreg.scid  }
0x8b: {  	s0 =	sand.u32 $0x1, s1  }
0x8c: {  	s16 =	sshll.u32 s0, $0xA;
	s2 =	sadd.s32 s3, s2  }
0x8d: {  	s2 =	sadd.s32 s2, s16  }
0x8e: {  	[smem:$0x3FBB] =	sst s2  }
0x8f: {  	_ = 	snop  }
0x90: {  	(tm) =	ssettm $0x1  }
0x91: {  	s17 =	sld [smem:$0x3FFB];
	_ =	sdelay $0x3  }
0x92: {  	_ =	strace s17  }
0x93: {  	s2 =	sld [smem:$0x3FFC];
	_ =	sdelay $0x3  }
0x94: {  	_ =	strace s2  }
0x95: {  	s2 =	sld [smem:$0x3FFD];
	_ =	sdelay $0x3  }
0x96: {  	_ =	strace s2  }
0x97: {  	_ =	strace $0x8FFFFFFF  }
0x98: {  	s18 =	sld [smem:$0x3FDB];
	_ =	sdelay $0x1  }
0x99: {  	s19 =	simm.s32 $_scs_section_size  }
0x9a: {  	s4 =	simm.s32 $_size__tile_overlayer_lowered;
	s5 =	simm.s32 $_tile_overlayer_lowered  }
0x9b: {  	s22 =	simm.s32 $0x1BFF;
	s21 =	sshll.u32 s5, $0x1;
	s2 =	sadd.s32 s19, s18  }
0x9c: {  	s6 =	simm.s32 $0x0;
	s20 =	sshll.u32 s4, $0x1;
	s4 =	sadd.s32 s21, s2  }
0x9d: {  	[timem:s6], [sflag:s22] =	dma.local [hbm:s4], s20  }
0x9e: {  	_ =	swait.ge [sflag:s22], s20  }
0x9f: {  	s3 =	ssub.s32 $0x0, s20;
	[sflag:s22] =	ssyncset.done $0x0  }
0xa0: {  	[sflag:s22] =	ssyncadd.s32 s3;
	_ =	sdelay $0x1  }
0xa1: {  	s23 =	simm.s32 $0x1B8B  }
0xa2: {  	_ =	swait.ge [sflag:s23], $0x1  }
0xa3: {  	[sflag:s23] =	ssyncset.done $0x0  }
0xa4: {  	s25 =	simm.s32 $0x1B8E;
	s24 =	sld [smem:$0x3FFE];
	[sflag:s23] =	ssyncadd.s32 $0xFFFFFFFF  }
0xa5: {  	s26 =	simm.s32 $execute0_lowered;
	[smem:$0x3FD2] =	sst s25  }
0xa6: {  	s4 =	sshll.u32 s26, $0x1;
	_ =	strace $0x80000046;
	[dreg:$0x1] =	wrdreg $0xFFFFFFFF  }
0xa7: {  	s28 =	simm.s32 $_size_execute0_lowered;
	s2 =	sadd.s32 s2, s4;
	[dreg:$0x0] =	wrdreg $0x0  }
0xa8: {  	s4 =	sshll.u32 s28, $0x1;
	[dreg:$0x2] =	wrdreg s2  }
0xa9: {  	[dreg:$0x3] =	wrdreg s4  }
0xaa: {  	[dreg:$0x4] =	wrdreg $0xC0  }
0xab: {  	_ =	task [dreg:s6], $0x5FFFF  }
0xac: {  	[dreg:$0x1] =	wrdreg $0xFFFFFFFF  }
0xad: {  	[dreg:$0x0] =	wrdreg $0x60  }
0xae: {  	[dreg:$0x2] =	wrdreg s24  }
0xaf: {  	[dreg:$0x3] =	wrdreg $0x8FE00  }
0xb0: {  	[dreg:$0x4] =	wrdreg $0x9  }
0xb1: {  	_ =	task.clear_ibuf [dreg:s6], $0x5FFFF;
	_ =	strace $0x90000046  }
0xb2: {  	s29 =	simm.s32 $0x9;
	_ =	strace $0x80000048  }
0xb3: {  	_ =	swait.ge [sflag:s29], $0x1  }
0xb4: {  	[sflag:s29] =	ssyncadd.s32 $0xFFFFFFFF  }
0xb5: {  	_ =	strace $0x90000048  }
0xb6: {  	_ =	sfence  }
0xb7: {  	s30 =	sld [smem:$0x0];
	_ =	sdelay $0x2  }
0xb8: {  	s31 =	sshll.u32 s1, $0xD;
	s1 =	sshrl.u32 s1, $0x2  }
0xb9: {  	s3 =	sand.u32 $0x4000, s31;
	s1 =	sadd.s32 s1, s30  }
0xba: {  	s0 =	sor.u32 s3, s0;
	s1 =	sshll.u32 s1, $0x11  }
0xbb: {  	s0 =	sor.u32 s1, s0  }
0xbc: {  	s0 =	sadd.s32 $0x8F2B, s0  }
0xbd: {  	[sflag:s0] =	ssyncadd.remote.s32 $0x1  }
0xbe: {  	_ =	sfence.sel $0xFFFF  }
0xbf: {  	[dreg:$0x0] =	wrdreg $0xFFFFFFFF;
	(pc) =	sbr.abs _section_cstart, $3  }
0xc0: {  	[dreg:$0x1] =	wrdreg $0xFFFFFFFF  }
0xc1: {  	_ =	task.clear_ibuf [dreg:s6], $0x2FFFF;
	_ =	strace $0x9FFFFFFF  }
0xc2: {  	(tm) =	ssettm $0x7FFFFFFF  }
0xc3: {  	_ =	shalt  }
tec
execute0_lowered:
.L_overlay_start_1:
0x0: {  	(tag) =	ssettag $0x1  }
0x1: {  	s7 =	rddreg [dreg:$0x0]  }
0x2: {  	s1 =	rddreg [dreg:$0x1];
	s2 =	srdreg.scid  }
0x3: {  	s0 =	rddreg [dreg:$0x2];
	s3 =	simm.s32 $0x0;
	s17 =	simm.s32 $0x6100  }
0x4: {  	s18 =	simm.s32 $0x2;
	s19 =	simm.s32 $0x80;
	s14 =	sand.u32 $0x1, s2  }
0x5: {  	s20 =	simm.s32 $0x100;
	s2 =	stileid.u32;
	s4 =	smul.u32 $0x1D4C0, s14  }
0x6: {  	s21 =	simm.s32 $0x1;
	s22 =	simm.s32 $0x3100;
	s8 =	smul.u32 $0xEA60, s2  }
0x7: {  	s23 =	simm.s32 $0x0;
	[smem:$0x7FF] =	sst s3;
	s9 =	smul.u32 $0xEA600, s14  }
0x8: {  	s5 =	sadd.s32 $0x68A00, s7;
	s6 =	sadd.s32 $0x6DA00, s7;
	s10 =	smul.u32 $0x3A980, s2  }
0x9: {  	_ =	strace $0x80000047;
	s11 =	ssub.s32 $0x2, s14;
	s14 =	smul.u32 $0xED0000, s14  }
0xa: {  	s31 =	sshrl.u32 s11, $0x1;
	s13 =	sadd.s32 s4, s7;
	s4 =	sadd.s32 $0xF38A00, s7  }
0xb: {  	s9 =	sadd.s32 s8, s9;
	s10 =	sshrl.u32 s10, $0x2;
	s16 =	ssub.s32 s11, s31  }
0xc: {  	s11 =	smul.u32 $0x2780, s2;
	s9 =	sshrl.u32 s9, $0x3;
	s12 =	sadd.s32 s10, s1  }
0xd: {  	s13 =	sadd.s32 $0x2E000, s13;
	s16 =	smax.u32 s16, $0x1;
	s15 =	sadd.s32 s9, s7  }
0xe: {  	s7 =	sadd.s32 s8, s1;
	s8 =	sadd.s32 $0x2EE0, s12;
	s9 =	sadd.s32 $0x5DC0, s12  }
0xf: {  	v0 =	vimm.f32 $0.0e+00;
	s10 =	sadd.s32 $0x8CA0, s12;
	s12 =	sadd.s32 $0xBB80, s12;
	s15 =	sadd.s32 $0x72A00, s15  }
.LBB2_1:
0x10: {  	s24 =	simm.s32 $0x0  }
0x11: {  	[tilespmem:s24+$0x6150] =	vst v0  }
0x12: {  	[tilespmem:s24+$0x6100] =	vst v0  }
0x13: {  	[tilespmem:s24+$0x6110] =	vst v0  }
0x14: {  	[tilespmem:s24+$0x6120] =	vst v0  }
0x15: {  	s25 =	simm.s32 $0x180;
	[tilespmem:s24+$0x6130] =	vst v0  }
.LBB2_2:
0x16: {  	p0 =	sne.s32 s25, $0xBA00;
	[tilespmem:s24+$0x6140] =	vst v0;
	s24 =	sshra.s32 s25, $0x2;
	s25 =	sadd.s32 $0x180, s25  }
.Ltmp0:
0x17: {  	[tilespmem:s24+$0x6150] =	vst v0;
	(pc) =	sbr.rel @p0 .LBB2_2-.Ltmp0, $4  }
0x18: {  	[tilespmem:s24+$0x6100] =	vst v0  }
0x19: {  	[tilespmem:s24+$0x6110] =	vst v0  }
0x1a: {  	[tilespmem:s24+$0x6120] =	vst v0  }
0x1b: {  	[tilespmem:s24+$0x6130] =	vst v0  }
0x1c: {  	[tilespmem:s24+$0x6140] =	vst v0  }
0x1d: {  	[spmem:s7] =	stream.linear.scatter [tilespmem:s17], [sflag:$0x2], $0x2EE0, $0x38;
	[tilespmem:$0x17A40] =	vst v63  }
0x1e: {  	_ =	swait.ge [sflag:s18], $0x2EE0  }
0x1f: {  	[sflag:s18] =	ssyncset.done $0x0  }
0x20: {  	[sflag:s18] =	ssyncadd.s32 $0xFFFFD120  }
0x21: {  	[spmem:s8] =	stream.linear.scatter [tilespmem:s17], [sflag:$0x2], $0x2EE0, $0x38;
	[tilespmem:$0x17A40] =	vst v63  }
0x22: {  	_ =	swait.ge [sflag:s18], $0x2EE0  }
0x23: {  	[sflag:s18] =	ssyncset.done $0x0  }
0x24: {  	[sflag:s18] =	ssyncadd.s32 $0xFFFFD120  }
0x25: {  	[spmem:s9] =	stream.linear.scatter [tilespmem:s17], [sflag:$0x2], $0x2EE0, $0x38;
	[tilespmem:$0x17A40] =	vst v63  }
0x26: {  	_ =	swait.ge [sflag:s18], $0x2EE0  }
0x27: {  	[sflag:s18] =	ssyncset.done $0x0  }
0x28: {  	[sflag:s18] =	ssyncadd.s32 $0xFFFFD120  }
0x29: {  	[spmem:s10] =	stream.linear.scatter [tilespmem:s17], [sflag:$0x2], $0x2EE0, $0x38;
	[tilespmem:$0x17A40] =	vst v63  }
0x2a: {  	_ =	swait.ge [sflag:s18], $0x2EE0  }
0x2b: {  	[sflag:s18] =	ssyncset.done $0x0  }
0x2c: {  	[sflag:s18] =	ssyncadd.s32 $0xFFFFD120  }
0x2d: {  	[spmem:s12] =	stream.linear.scatter [tilespmem:s17], [sflag:$0x2], $0x2EE0, $0x38;
	[tilespmem:$0x17A40] =	vst v63  }
0x2e: {  	_ =	swait.ge [sflag:s18], $0x2EE0  }
0x2f: {  	[sflag:s18] =	ssyncset.done $0x0  }
0x30: {  	[sflag:s18] =	ssyncadd.s32 $0xFFFFD120  }
0x31: {  	s24 =	simm.s32 $0x0;
	[bflag:$0x0] =	sbarrier.arrive $0xFFFF  }
.LBB2_4:
0x32: {  	s25 =	sshll.u32 s24, $0x7  }
0x33: {  	s25 =	sadd.s32 s11, s25  }
0x34: {  	s26 =	sshrl.u32 s25, $0x3  }
0x35: {  	s28 =	sadd.s32 s5, s26  }
0x36: {  	[tilespmem:s3], [sflag:$0x2] =	stream.linear.gather [hbm4b:s28+s3], $0x80, $0x38;
	[tilespmem:$0x17A40] =	vst v63  }
0x37: {  	_ =	swait.ge [sflag:s18], $0x80  }
0x38: {  	[sflag:s18] =	ssyncset.done $0x0  }
0x39: {  	s26 =	sadd.s32 s6, s26;
	[sflag:s18] =	ssyncadd.s32 $0xFFFFFF80  }
0x3a: {  	[tilespmem:s19], [sflag:$0x2] =	stream.linear.gather [hbm4b:s26+s3], $0x80, $0x38;
	[tilespmem:$0x17A40] =	vst v63  }
0x3b: {  	_ =	swait.ge [sflag:s18], $0x80  }
0x3c: {  	[sflag:s18] =	ssyncset.done $0x0  }
0x3d: {  	s25 =	smul.u32 $0x60, s25;
	[sflag:s18] =	ssyncadd.s32 $0xFFFFFF80  }
0x3e: {  	[tilespmem:s20], [sflag:$0x1] =	stream.indirect.gather [hbm4b:s13+s19], $0x60, s3, s19, $0xb8;
	[tilespmem:$0x17A40] =	vst v63  }
0x3f: {  	s25 =	sadd.s32 s14, s25;
	_ =	swait.ge [sflag:s21], $0x3000  }
0x40: {  	s25 =	sshrl.u32 s25, $0x3;
	[sflag:s21] =	ssyncset.done $0x0  }
0x41: {  	s25 =	sadd.s32 s4, s25;
	[sflag:s21] =	ssyncadd.s32 $0xFFFFD000  }
0x42: {  	[tilespmem:s22], [sflag:$0x2] =	stream.linear.gather [hbm4b:s25+s3], $0x3000, $0x38;
	[tilespmem:$0x17A40] =	vst v63  }
0x43: {  	_ =	swait.ge [sflag:s18], $0x3000  }
0x44: {  	[sflag:s18] =	ssyncset.done $0x0  }
0x45: {  	s25 =	simm.s32 $0x50;
	[sflag:s18] =	ssyncadd.s32 $0xFFFFD000  }
0x46: {  	v6 =	vld [tilespmem:s25+$0xB0]  }
0x47: {  	v5 =	vld [tilespmem:s25+$0xC0]  }
0x48: {  	v4 =	vld [tilespmem:s25+$0xD0]  }
0x49: {  	v3 =	vld [tilespmem:s25+$0xE0]  }
0x4a: {  	v2 =	vld [tilespmem:s25+$0xF0]  }
0x4b: {  	v1 =	vld [tilespmem:s25+$0x100]  }
0x4c: {  	v11 =	vld [tilespmem:s25+$0x30B0]  }
0x4d: {  	v10 =	vld [tilespmem:s25+$0x30C0]  }
0x4e: {  	v9 =	vld [tilespmem:s25+$0x30D0]  }
0x4f: {  	v8 =	vld [tilespmem:s25+$0x30E0]  }
0x50: {  	s26 =	simm.s32 $0x2C0;
	v7 =	vld [tilespmem:s25+$0x30F0]  }
.LBB2_5:
0x51: {  	s28 =	sshra.s32 s26, $0x2;
	p0 =	sne.s32 s26, $0xBFC0;
	v11 =	vmul.f32 v6, v11;
	v12 =	vld [tilespmem:s25+$0x3100]  }
0x52: {  	v6 =	vld [tilespmem:s28+$0xB0];
	v10 =	vmul.f32 v5, v10  }
0x53: {  	v5 =	vld [tilespmem:s28+$0xC0];
	[tilespmem:s25+$0x30B0] =	vst v11;
	v9 =	vmul.f32 v4, v9  }
0x54: {  	v4 =	vld [tilespmem:s28+$0xD0];
	[tilespmem:s25+$0x30C0] =	vst v10;
	v8 =	vmul.f32 v3, v8  }
0x55: {  	v3 =	vld [tilespmem:s28+$0xE0];
	[tilespmem:s25+$0x30D0] =	vst v9;
	v7 =	vmul.f32 v2, v7  }
0x56: {  	v2 =	vld [tilespmem:s28+$0xF0];
	[tilespmem:s25+$0x30E0] =	vst v8;
	v8 =	vmul.f32 v1, v12  }
0x57: {  	v1 =	vld [tilespmem:s28+$0x100];
	[tilespmem:s25+$0x30F0] =	vst v7  }
.Ltmp1:
0x58: {  	v11 =	vld [tilespmem:s28+$0x30B0];
	[tilespmem:s25+$0x3100] =	vst v8;
	s25 =	smov.u32 s28;
	(pc) =	sbr.rel @p0 .LBB2_5-.Ltmp1, $4  }
0x59: {  	v10 =	vld [tilespmem:s25+$0x30C0]  }
0x5a: {  	v9 =	vld [tilespmem:s25+$0x30D0]  }
0x5b: {  	v8 =	vld [tilespmem:s25+$0x30E0]  }
0x5c: {  	s26 =	sadd.s32 $0x180, s26;
	v7 =	vld [tilespmem:s25+$0x30F0]  }
0x5d: {  	v6 =	vmul.f32 v6, v11;
	v63 =	vld [tilespmem:s25+$0x3100]  }
0x5e: {  	v5 =	vmul.f32 v5, v10  }
0x5f: {  	[tilespmem:s25+$0x30B0] =	vst v6;
	v4 =	vmul.f32 v4, v9  }
0x60: {  	[tilespmem:s25+$0x30C0] =	vst v5;
	v3 =	vmul.f32 v3, v8  }
0x61: {  	[tilespmem:s25+$0x30D0] =	vst v4;
	v2 =	vmul.f32 v2, v7  }
0x62: {  	s24 =	sadd.s32 $0x1, s24;
	[tilespmem:s25+$0x30E0] =	vst v3;
	v1 =	vmul.f32 v1, v63  }
0x63: {  	p0 =	sne.s32 s24, $0x4F;
	[tilespmem:s25+$0x30F0] =	vst v2  }
.Ltmp2:
0x64: {  	[tilespmem:s25+$0x3100] =	vst v1;
	(pc) =	sbr.rel @p0 .LBB2_4-.Ltmp2, $4  }
0x65: {  	[spmem:s1] =	stream.indirect.scatter.add.f32 [tilespmem:s22], [sflag:$0x2], $0x60, s19, s19, $0xb8;
	[tilespmem:$0x17A40] =	vst v63  }
0x66: {  	_ =	swait.ge [sflag:s18], $0x3000  }
0x67: {  	[sflag:s18] =	ssyncset.done $0x0  }
0x68: {  	[sflag:s18] =	ssyncadd.s32 $0xFFFFD000  }
0x69: {  	s23 =	sadd.s32 $0x1, s23  }
0x6a: {  	s24 =	sshll.u32 s2, $0x6;
	[bflag:$0x0] =	sbarrier.arrive $0xFFFF;
	p0 =	sne.s32 s23, s16  }
.Ltmp3:
0x6b: {  	s25 =	sshrl.u32 s7, $0x3;
	s24 =	sor.u32 $0x1C02, s24;
	(pc) =	sbr.rel @p0 .LBB2_1-.Ltmp3, $4  }
0x6c: {  	[hbm:s15], [sflag:s24] =	dma.local [spmem:s25], $0x1D4C  }
0x6d: {  	_ =	swait.ge [sflag:s18], $0x1D4C  }
0x6e: {  	[sflag:s18] =	ssyncset.done $0x0  }
0x6f: {  	[sflag:s18] =	ssyncadd.s32 $0xFFFFE2B4  }
0x70: {  	_ =	sfence.sel $0x180000  }
0x71: {  	[bflag:$0x0] =	sbarrier.arrive $0xFFFF  }
0x72: {  	p0 =	sne.s32 s2, $0x0;
	_ =	strace $0x90000047  }
0x73: {  	s0 =	sadd.s32 @!p0 $0x100000, s0;
	[bflag:$0x2] =	sbarrier.arrive $0xFFFF  }
0x74: {  	[sflag:s0] =	ssyncadd.tile.s32 @!p0 $0x1;
	_ =	shalt  }
.Lfunc_end2:
_tile_overlayer_lowered:
.L_overlay_start_2:
0x75: {  	(tag) =	ssettag $0x2  }
0x76: {  	s0 =	rddreg [dreg:$0x0];
	s2 =	stileid.u32  }
0x77: {  	s1 =	rddreg [dreg:$0x1];
	p0 =	sne.s32 s2, $0x0  }
0x78: {  	s3 =	rddreg [dreg:$0x2];
	[bflag:$0x3] =	sbarrier.arrive $0xFFFF;
	s2 =	simm.s32 @!p0 $0x1C02  }
0x79: {  	[timem:s3], [sflag:s2] =	dma.local @!p0 [hbm:s0], s1  }
0x7a: {  	s0 =	simm.s32 @!p0 $0x2  }
0x7b: {  	_ =	swait.ge @!p0 [sflag:s0], s1  }
0x7c: {  	s1 =	ssub.s32 @!p0 $0x0, s1;
	[sflag:s0] =	ssyncset.done @!p0 $0x0  }
0x7d: {  	[sflag:s0] =	ssyncadd.s32 @!p0 s1  }
0x7e: {  	[bflag:$0x3] =	sbarrier.arrive $0xFFFF  }
0x7f: {  	_ =	shalt  }

// kernel: kernel.13.cloned.1.call-start
scs
__scs_entry_jumppad:
0x0: {  	(pc) =	sbr.rel $0x88, $3  }
0x1: {  	(tag) =	ssettag $0x0;
	lr =	simm.s32 $0x1  }
0x2: {  	[smem:$0x3F94] =	sst lr;
	_ =	strace $0xD0000000  }
0x3: {  	_ = 	snop  }
0x4: {  	_ = 	snop  }
0x5: {  	_ = 	snop  }
0x6: {  	_ = 	snop  }
0x7: {  	_ = 	snop  }
__scs_overlays_trampoline_lowered:
0x8: {  	[smem:$0x3FA3] =	sst s0  }
0x9: {  	[smem:$0x3FA4] =	sst s1  }
0xa: {  	[smem:$0x3FA5] =	sst s2  }
0xb: {  	[smem:$0x3FA6] =	sst s3  }
0xc: {  	[smem:$0x3FA7] =	sst s4  }
0xd: {  	[smem:$0x3FA8] =	sst s5  }
0xe: {  	[smem:$0x3FA9] =	sst s6  }
0xf: {  	[smem:$0x3FAA] =	sst s7  }
0x10: {  	[smem:$0x3FAB] =	sst s8  }
0x11: {  	[smem:$0x3FAC] =	sst s9;
	s0 =	simm.s32 @!p0 $0x0  }
0x12: {  	s1 =	sld [smem:$0x3F92];
	s0 =	simm.s32 @p0 $0x1  }
0x13: {  	[smem:$0x3FAD] =	sst s0;
	s0 =	simm.s32 @!p1 $0x0  }
0x14: {  	s2 =	sld [smem:$0x3F91];
	s0 =	simm.s32 @p1 $0x1  }
0x15: {  	[smem:$0x3FAE] =	sst s0;
	s0 =	simm.s32 @!p2 $0x0  }
0x16: {  	s3 =	sld [smem:$0x3FDB];
	s0 =	simm.s32 @p2 $0x1  }
0x17: {  	s4 =	simm.s32 $0x1BF5;
	[smem:$0x3FB0] =	sst s0  }
0x18: {  	s0 =	sld [smem:$0x3F93];
	_ =	swait.ge [sflag:s4], $0x0  }
0x19: {  	s7 =	sld [smem:$0x3F94]  }
0x1a: {  	s8 =	sadd.s32 $0xFFFFE003, lr  }
0x1b: {  	s9 =	sadd.s32 $0xFFFFFEF7, lr;
	s5 =	simm.s32 $0xFFFFFFFF;
	p2 =	slt.u32 s8, $0xFFFFF086  }
0x1c: {  	p1 =	slt.u32 s9, $0xF7A;
	s5 =	simm.s32 @!p2 $0x0  }
0x1d: {  	s5 =	simm.s32 @p1 $0x1;
	p0 =	seq.s32 s7, s2  }
0x1e: {  	s7 =	smul.u32 @!p0 $0xF7A, s2;
	p2 =	seq.s32 @!p0 s5, $0x0  }
0x1f: {  	s9 =	smul.u32 $0xF7A, s1;
	s8 =	simm.s32 @!p0 $0x1BF5;
	p2 =	por !p2, p0  }
0x20: {  	[sflag:s8] =	ssyncset.s32 @!p0 $0xFFFFF086;
	s6 =	sadd.s32 @!p0 s3, s7;
	s7 =	simm.s32 @!p0 $0x108  }
0x21: {  	s3 =	sadd.s32 s3, s9;
	s6 =	sadd.s32 @!p0 $0x88, s6;
	s7 =	simm.s32 @p2 $0x1082  }
0x22: {  	[simem:s7], [sflag:s8] =	dma.local @!p0 [hbm:s6], $0xF7A  }
0x23: {  	s9 =	sor.u32 $0xD0000000, s2;
	s6 =	simm.s32 $0x108;
	_ =	swait.ge @!p0 [sflag:s8], $0x0  }
0x24: {  	s3 =	sadd.s32 $0x88, s3;
	s6 =	simm.s32 @!p1 $0x1082;
	[sflag:s4] =	ssyncset.s32 $0xFFFFF086  }
0x25: {  	[simem:s6], [sflag:s4] =	dma.local [hbm:s3], $0xF7A  }
0x26: {  	[smem:$0x3F94] =	sst s1;
	(tag) =	ssettag s2;
	_ =	strace s9  }
0x27: {  	s1 =	sld [smem:$0x3FA4]  }
0x28: {  	s2 =	sld [smem:$0x3FA5]  }
0x29: {  	s4 =	sld [smem:$0x3FA7]  }
0x2a: {  	p0 =	seq.s32 s5, $0x0;
	s5 =	sld [smem:$0x3FA8]  }
0x2b: {  	s6 =	sld [smem:$0x3FA9]  }
0x2c: {  	s7 =	sld [smem:$0x3FAA]  }
0x2d: {  	s3 =	simm.s32 $0x108;
	s8 =	sld [smem:$0x3FAB]  }
0x2e: {  	s3 =	simm.s32 @!p0 $0x1082;
	s9 =	sld [smem:$0x3FAC]  }
0x2f: {  	lr =	sadd.s32 s0, s3;
	s0 =	sld [smem:$0x3FA3]  }
0x30: {  	s3 =	sld [smem:$0x3FA6]  }
0x31: {  	[smem:$0x3FAF] =	sst s10  }
0x32: {  	s10 =	sld [smem:$0x3FAD];
	_ =	sdelay $0x3  }
0x33: {  	p0 =	seq.s32 s10, $0x1;
	s10 =	sld [smem:$0x3FAF];
	_ =	sdelay $0x3  }
0x34: {  	[smem:$0x3FAF] =	sst s10  }
0x35: {  	s10 =	sld [smem:$0x3FAE];
	_ =	sdelay $0x3  }
0x36: {  	p1 =	seq.s32 s10, $0x1;
	s10 =	sld [smem:$0x3FAF];
	_ =	sdelay $0x3  }
0x37: {  	[smem:$0x3FAF] =	sst s10  }
0x38: {  	s10 =	sld [smem:$0x3FB0]  }
0x39: {  	_ = 	snop;
	(pc) =	sbr.ind lr, $3  }
0x3a: {  	_ = 	snop  }
0x3b: {  	_ = 	snop  }
0x3c: {  	p2 =	seq.s32 s10, $0x1;
	s10 =	sld [smem:$0x3FAF]  }
0x3d: {  	_ =	shalt  }
0x3e: {  	_ =	shalt  }
0x3f: {  	_ =	shalt  }
0x40: {  	_ =	shalt  }
0x41: {  	_ =	shalt  }
0x42: {  	_ =	shalt  }
0x43: {  	_ =	shalt  }
0x44: {  	_ =	shalt  }
0x45: {  	_ =	shalt  }
0x46: {  	_ =	shalt  }
0x47: {  	_ =	shalt  }
0x48: {  	_ =	shalt  }
0x49: {  	_ =	shalt  }
0x4a: {  	_ =	shalt  }
0x4b: {  	_ =	shalt  }
0x4c: {  	_ =	shalt  }
0x4d: {  	_ =	shalt  }
0x4e: {  	_ =	shalt  }
0x4f: {  	_ =	shalt  }
0x50: {  	_ =	shalt  }
0x51: {  	_ =	shalt  }
0x52: {  	_ =	shalt  }
0x53: {  	_ =	shalt  }
0x54: {  	_ =	shalt  }
0x55: {  	_ =	shalt  }
0x56: {  	_ =	shalt  }
0x57: {  	_ =	shalt  }
0x58: {  	_ =	shalt  }
0x59: {  	_ =	shalt  }
0x5a: {  	_ =	shalt  }
0x5b: {  	_ =	shalt  }
0x5c: {  	_ =	shalt  }
0x5d: {  	_ =	shalt  }
0x5e: {  	_ =	shalt  }
0x5f: {  	_ =	shalt  }
0x60: {  	_ =	shalt  }
0x61: {  	_ =	shalt  }
0x62: {  	_ =	shalt  }
0x63: {  	_ =	shalt  }
0x64: {  	_ =	shalt  }
0x65: {  	_ =	shalt  }
0x66: {  	_ =	shalt  }
0x67: {  	_ =	shalt  }
0x68: {  	_ =	shalt  }
0x69: {  	_ =	shalt  }
0x6a: {  	_ =	shalt  }
0x6b: {  	_ =	shalt  }
0x6c: {  	_ =	shalt  }
0x6d: {  	_ =	shalt  }
0x6e: {  	_ =	shalt  }
0x6f: {  	_ =	shalt  }
0x70: {  	_ =	shalt  }
0x71: {  	_ =	shalt  }
0x72: {  	_ =	shalt  }
0x73: {  	_ =	shalt  }
0x74: {  	_ =	shalt  }
0x75: {  	_ =	shalt  }
0x76: {  	_ =	shalt  }
0x77: {  	_ =	shalt  }
0x78: {  	_ =	shalt  }
0x79: {  	_ =	shalt  }
0x7a: {  	_ =	shalt  }
0x7b: {  	_ =	shalt  }
0x7c: {  	_ =	shalt  }
0x7d: {  	_ =	shalt  }
0x7e: {  	_ =	shalt  }
0x7f: {  	_ =	shalt  }
0x80: {  	_ =	shalt  }
0x81: {  	_ =	shalt  }
0x82: {  	_ =	shalt  }
0x83: {  	_ =	shalt  }
0x84: {  	_ =	shalt  }
0x85: {  	_ =	shalt  }
0x86: {  	_ =	shalt  }
0x87: {  	_ =	shalt  }
.Lfunc_end0:
.L_simem_size_0:
called_computation.1_lowered:
.L_overlay_start_0:
0x88: {  	s2 =	sld [smem:$0x3FD9]  }
0x89: {  	s3 =	sld [smem:$0x3FFE];
	_ =	sdelay $0x1  }
0x8a: {  	s1 =	srdreg.scid  }
0x8b: {  	s0 =	sand.u32 $0x1, s1  }
0x8c: {  	s16 =	sshll.u32 s0, $0xA;
	s2 =	sadd.s32 s3, s2  }
0x8d: {  	s2 =	sadd.s32 s2, s16  }
0x8e: {  	[smem:$0x3FBB] =	sst s2  }
0x8f: {  	_ = 	snop  }
0x90: {  	(tm) =	ssettm $0x1  }
0x91: {  	s17 =	sld [smem:$0x3FFB];
	_ =	sdelay $0x3  }
0x92: {  	_ =	strace s17  }
0x93: {  	s2 =	sld [smem:$0x3FFC];
	_ =	sdelay $0x3  }
0x94: {  	_ =	strace s2  }
0x95: {  	s2 =	sld [smem:$0x3FFD];
	_ =	sdelay $0x3  }
0x96: {  	_ =	strace s2  }
0x97: {  	_ =	strace $0x8FFFFFFF  }
0x98: {  	s18 =	sld [smem:$0x3FDB];
	_ =	sdelay $0x1  }
0x99: {  	s19 =	simm.s32 $_scs_section_size  }
0x9a: {  	s4 =	simm.s32 $_size__tile_overlayer_lowered;
	s5 =	simm.s32 $_tile_overlayer_lowered  }
0x9b: {  	s22 =	simm.s32 $0x1BFF;
	s21 =	sshll.u32 s5, $0x1;
	s2 =	sadd.s32 s19, s18  }
0x9c: {  	s6 =	simm.s32 $0x0;
	s20 =	sshll.u32 s4, $0x1;
	s4 =	sadd.s32 s21, s2  }
0x9d: {  	[timem:s6], [sflag:s22] =	dma.local [hbm:s4], s20  }
0x9e: {  	_ =	swait.ge [sflag:s22], s20  }
0x9f: {  	s3 =	ssub.s32 $0x0, s20;
	[sflag:s22] =	ssyncset.done $0x0  }
0xa0: {  	[sflag:s22] =	ssyncadd.s32 s3;
	_ =	sdelay $0x1  }
0xa1: {  	s23 =	simm.s32 $0x1B8B  }
0xa2: {  	_ =	swait.ge [sflag:s23], $0x1  }
0xa3: {  	[sflag:s23] =	ssyncset.done $0x0  }
0xa4: {  	s25 =	simm.s32 $0x1B8E;
	s24 =	sld [smem:$0x3FFE];
	[sflag:s23] =	ssyncadd.s32 $0xFFFFFFFF  }
0xa5: {  	s26 =	simm.s32 $execute0_lowered;
	[smem:$0x3FD2] =	sst s25  }
0xa6: {  	s4 =	sshll.u32 s26, $0x1;
	_ =	strace $0x80000049;
	[dreg:$0x1] =	wrdreg $0xFFFFFFFF  }
0xa7: {  	s28 =	simm.s32 $_size_execute0_lowered;
	s2 =	sadd.s32 s2, s4;
	[dreg:$0x0] =	wrdreg $0x0  }
0xa8: {  	s4 =	sshll.u32 s28, $0x1;
	[dreg:$0x2] =	wrdreg s2  }
0xa9: {  	[dreg:$0x3] =	wrdreg s4  }
0xaa: {  	[dreg:$0x4] =	wrdreg $0xC0  }
0xab: {  	_ =	task [dreg:s6], $0x5FFFF  }
0xac: {  	[dreg:$0x1] =	wrdreg $0xFFFFFFFF  }
0xad: {  	[dreg:$0x0] =	wrdreg $0x60  }
0xae: {  	[dreg:$0x2] =	wrdreg s24  }
0xaf: {  	[dreg:$0x3] =	wrdreg $0x8FE00  }
0xb0: {  	[dreg:$0x4] =	wrdreg $0x9  }
0xb1: {  	_ =	task.clear_ibuf [dreg:s6], $0x5FFFF;
	_ =	strace $0x90000049  }
0xb2: {  	s29 =	simm.s32 $0x9;
	_ =	strace $0x8000004B  }
0xb3: {  	_ =	swait.ge [sflag:s29], $0x1  }
0xb4: {  	[sflag:s29] =	ssyncadd.s32 $0xFFFFFFFF  }
0xb5: {  	_ =	strace $0x9000004B  }
0xb6: {  	_ =	sfence  }
0xb7: {  	s30 =	sld [smem:$0x0];
	_ =	sdelay $0x2  }
0xb8: {  	s31 =	sshll.u32 s1, $0xD;
	s1 =	sshrl.u32 s1, $0x2  }
0xb9: {  	s3 =	sand.u32 $0x4000, s31;
	s1 =	sadd.s32 s1, s30  }
0xba: {  	s0 =	sor.u32 s3, s0;
	s1 =	sshll.u32 s1, $0x11  }
0xbb: {  	s0 =	sor.u32 s1, s0  }
0xbc: {  	s0 =	sadd.s32 $0x8F2B, s0  }
0xbd: {  	[sflag:s0] =	ssyncadd.remote.s32 $0x1  }
0xbe: {  	_ =	sfence.sel $0xFFFF  }
0xbf: {  	[dreg:$0x0] =	wrdreg $0xFFFFFFFF;
	(pc) =	sbr.abs _section_cstart, $3  }
0xc0: {  	[dreg:$0x1] =	wrdreg $0xFFFFFFFF  }
0xc1: {  	_ =	task.clear_ibuf [dreg:s6], $0x2FFFF;
	_ =	strace $0x9FFFFFFF  }
0xc2: {  	(tm) =	ssettm $0x7FFFFFFF  }
0xc3: {  	_ =	shalt  }
tec
execute0_lowered:
.L_overlay_start_1:
0x0: {  	(tag) =	ssettag $0x1  }
0x1: {  	s7 =	rddreg [dreg:$0x0]  }
0x2: {  	s1 =	rddreg [dreg:$0x1];
	s2 =	srdreg.scid  }
0x3: {  	s0 =	rddreg [dreg:$0x2];
	s3 =	simm.s32 $0x0;
	s17 =	simm.s32 $0x6100  }
0x4: {  	s18 =	simm.s32 $0x2;
	s19 =	simm.s32 $0x80;
	s14 =	sand.u32 $0x1, s2  }
0x5: {  	s20 =	simm.s32 $0x100;
	s2 =	stileid.u32;
	s4 =	smul.u32 $0x1D4C0, s14  }
0x6: {  	s21 =	simm.s32 $0x1;
	s22 =	simm.s32 $0x3100;
	s8 =	smul.u32 $0xEA60, s2  }
0x7: {  	s23 =	simm.s32 $0x0;
	[smem:$0x7FF] =	sst s3;
	s9 =	smul.u32 $0xEA600, s14  }
0x8: {  	s5 =	sadd.s32 $0x68A00, s7;
	s6 =	sadd.s32 $0x6DA00, s7;
	s10 =	smul.u32 $0x3A980, s2  }
0x9: {  	_ =	strace $0x8000004A;
	s11 =	ssub.s32 $0x2, s14;
	s14 =	smul.u32 $0xED0000, s14  }
0xa: {  	s31 =	sshrl.u32 s11, $0x1;
	s13 =	sadd.s32 s4, s7;
	s4 =	sadd.s32 $0xAD400, s7  }
0xb: {  	s9 =	sadd.s32 s8, s9;
	s10 =	sshrl.u32 s10, $0x2;
	s16 =	ssub.s32 s11, s31  }
0xc: {  	s11 =	smul.u32 $0x2780, s2;
	s9 =	sshrl.u32 s9, $0x3;
	s12 =	sadd.s32 s10, s1  }
0xd: {  	s13 =	sadd.s32 $0x6E00, s13;
	s16 =	smax.u32 s16, $0x1;
	s15 =	sadd.s32 s9, s7  }
0xe: {  	s7 =	sadd.s32 s8, s1;
	s8 =	sadd.s32 $0x2EE0, s12;
	s9 =	sadd.s32 $0x5DC0, s12  }
0xf: {  	v0 =	vimm.f32 $0.0e+00;
	s10 =	sadd.s32 $0x8CA0, s12;
	s12 =	sadd.s32 $0xBB80, s12;
	s15 =	sadd.s32 $0x462000, s15  }
.LBB2_1:
0x10: {  	s24 =	simm.s32 $0x0  }
0x11: {  	[tilespmem:s24+$0x6150] =	vst v0  }
0x12: {  	[tilespmem:s24+$0x6100] =	vst v0  }
0x13: {  	[tilespmem:s24+$0x6110] =	vst v0  }
0x14: {  	[tilespmem:s24+$0x6120] =	vst v0  }
0x15: {  	s25 =	simm.s32 $0x180;
	[tilespmem:s24+$0x6130] =	vst v0  }
.LBB2_2:
0x16: {  	p0 =	sne.s32 s25, $0xBA00;
	[tilespmem:s24+$0x6140] =	vst v0;
	s24 =	sshra.s32 s25, $0x2;
	s25 =	sadd.s32 $0x180, s25  }
.Ltmp0:
0x17: {  	[tilespmem:s24+$0x6150] =	vst v0;
	(pc) =	sbr.rel @p0 .LBB2_2-.Ltmp0, $4  }
0x18: {  	[tilespmem:s24+$0x6100] =	vst v0  }
0x19: {  	[tilespmem:s24+$0x6110] =	vst v0  }
0x1a: {  	[tilespmem:s24+$0x6120] =	vst v0  }
0x1b: {  	[tilespmem:s24+$0x6130] =	vst v0  }
0x1c: {  	[tilespmem:s24+$0x6140] =	vst v0  }
0x1d: {  	[spmem:s7] =	stream.linear.scatter [tilespmem:s17], [sflag:$0x2], $0x2EE0, $0x38;
	[tilespmem:$0x17A40] =	vst v63  }
0x1e: {  	_ =	swait.ge [sflag:s18], $0x2EE0  }
0x1f: {  	[sflag:s18] =	ssyncset.done $0x0  }
0x20: {  	[sflag:s18] =	ssyncadd.s32 $0xFFFFD120  }
0x21: {  	[spmem:s8] =	stream.linear.scatter [tilespmem:s17], [sflag:$0x2], $0x2EE0, $0x38;
	[tilespmem:$0x17A40] =	vst v63  }
0x22: {  	_ =	swait.ge [sflag:s18], $0x2EE0  }
0x23: {  	[sflag:s18] =	ssyncset.done $0x0  }
0x24: {  	[sflag:s18] =	ssyncadd.s32 $0xFFFFD120  }
0x25: {  	[spmem:s9] =	stream.linear.scatter [tilespmem:s17], [sflag:$0x2], $0x2EE0, $0x38;
	[tilespmem:$0x17A40] =	vst v63  }
0x26: {  	_ =	swait.ge [sflag:s18], $0x2EE0  }
0x27: {  	[sflag:s18] =	ssyncset.done $0x0  }
0x28: {  	[sflag:s18] =	ssyncadd.s32 $0xFFFFD120  }
0x29: {  	[spmem:s10] =	stream.linear.scatter [tilespmem:s17], [sflag:$0x2], $0x2EE0, $0x38;
	[tilespmem:$0x17A40] =	vst v63  }
0x2a: {  	_ =	swait.ge [sflag:s18], $0x2EE0  }
0x2b: {  	[sflag:s18] =	ssyncset.done $0x0  }
0x2c: {  	[sflag:s18] =	ssyncadd.s32 $0xFFFFD120  }
0x2d: {  	[spmem:s12] =	stream.linear.scatter [tilespmem:s17], [sflag:$0x2], $0x2EE0, $0x38;
	[tilespmem:$0x17A40] =	vst v63  }
0x2e: {  	_ =	swait.ge [sflag:s18], $0x2EE0  }
0x2f: {  	[sflag:s18] =	ssyncset.done $0x0  }
0x30: {  	[sflag:s18] =	ssyncadd.s32 $0xFFFFD120  }
0x31: {  	s24 =	simm.s32 $0x0;
	[bflag:$0x0] =	sbarrier.arrive $0xFFFF  }
.LBB2_4:
0x32: {  	s25 =	sshll.u32 s24, $0x7  }
0x33: {  	s25 =	sadd.s32 s11, s25  }
0x34: {  	s26 =	sshrl.u32 s25, $0x3  }
0x35: {  	s28 =	sadd.s32 s5, s26  }
0x36: {  	[tilespmem:s3], [sflag:$0x2] =	stream.linear.gather [hbm4b:s28+s3], $0x80, $0x38;
	[tilespmem:$0x17A40] =	vst v63  }
0x37: {  	_ =	swait.ge [sflag:s18], $0x80  }
0x38: {  	[sflag:s18] =	ssyncset.done $0x0  }
0x39: {  	s26 =	sadd.s32 s6, s26;
	[sflag:s18] =	ssyncadd.s32 $0xFFFFFF80  }
0x3a: {  	[tilespmem:s19], [sflag:$0x2] =	stream.linear.gather [hbm4b:s26+s3], $0x80, $0x38;
	[tilespmem:$0x17A40] =	vst v63  }
0x3b: {  	_ =	swait.ge [sflag:s18], $0x80  }
0x3c: {  	[sflag:s18] =	ssyncset.done $0x0  }
0x3d: {  	s25 =	smul.u32 $0x60, s25;
	[sflag:s18] =	ssyncadd.s32 $0xFFFFFF80  }
0x3e: {  	[tilespmem:s20], [sflag:$0x1] =	stream.indirect.gather [hbm4b:s13+s19], $0x60, s3, s19, $0xb8;
	[tilespmem:$0x17A40] =	vst v63  }
0x3f: {  	s25 =	sadd.s32 s14, s25;
	_ =	swait.ge [sflag:s21], $0x3000  }
0x40: {  	s25 =	sshrl.u32 s25, $0x3;
	[sflag:s21] =	ssyncset.done $0x0  }
0x41: {  	s25 =	sadd.s32 s4, s25;
	[sflag:s21] =	ssyncadd.s32 $0xFFFFD000  }
0x42: {  	[tilespmem:s22], [sflag:$0x2] =	stream.linear.gather [hbm4b:s25+s3], $0x3000, $0x38;
	[tilespmem:$0x17A40] =	vst v63  }
0x43: {  	_ =	swait.ge [sflag:s18], $0x3000  }
0x44: {  	[sflag:s18] =	ssyncset.done $0x0  }
0x45: {  	s25 =	simm.s32 $0x50;
	[sflag:s18] =	ssyncadd.s32 $0xFFFFD000  }
0x46: {  	v6 =	vld [tilespmem:s25+$0xB0]  }
0x47: {  	v5 =	vld [tilespmem:s25+$0xC0]  }
0x48: {  	v4 =	vld [tilespmem:s25+$0xD0]  }
0x49: {  	v3 =	vld [tilespmem:s25+$0xE0]  }
0x4a: {  	v2 =	vld [tilespmem:s25+$0xF0]  }
0x4b: {  	v1 =	vld [tilespmem:s25+$0x100]  }
0x4c: {  	v11 =	vld [tilespmem:s25+$0x30B0]  }
0x4d: {  	v10 =	vld [tilespmem:s25+$0x30C0]  }
0x4e: {  	v9 =	vld [tilespmem:s25+$0x30D0]  }
0x4f: {  	v8 =	vld [tilespmem:s25+$0x30E0]  }
0x50: {  	s26 =	simm.s32 $0x2C0;
	v7 =	vld [tilespmem:s25+$0x30F0]  }
.LBB2_5:
0x51: {  	s28 =	sshra.s32 s26, $0x2;
	p0 =	sne.s32 s26, $0xBFC0;
	v11 =	vmul.f32 v6, v11;
	v12 =	vld [tilespmem:s25+$0x3100]  }
0x52: {  	v6 =	vld [tilespmem:s28+$0xB0];
	v10 =	vmul.f32 v5, v10  }
0x53: {  	v5 =	vld [tilespmem:s28+$0xC0];
	[tilespmem:s25+$0x30B0] =	vst v11;
	v9 =	vmul.f32 v4, v9  }
0x54: {  	v4 =	vld [tilespmem:s28+$0xD0];
	[tilespmem:s25+$0x30C0] =	vst v10;
	v8 =	vmul.f32 v3, v8  }
0x55: {  	v3 =	vld [tilespmem:s28+$0xE0];
	[tilespmem:s25+$0x30D0] =	vst v9;
	v7 =	vmul.f32 v2, v7  }
0x56: {  	v2 =	vld [tilespmem:s28+$0xF0];
	[tilespmem:s25+$0x30E0] =	vst v8;
	v8 =	vmul.f32 v1, v12  }
0x57: {  	v1 =	vld [tilespmem:s28+$0x100];
	[tilespmem:s25+$0x30F0] =	vst v7  }
.Ltmp1:
0x58: {  	v11 =	vld [tilespmem:s28+$0x30B0];
	[tilespmem:s25+$0x3100] =	vst v8;
	s25 =	smov.u32 s28;
	(pc) =	sbr.rel @p0 .LBB2_5-.Ltmp1, $4  }
0x59: {  	v10 =	vld [tilespmem:s25+$0x30C0]  }
0x5a: {  	v9 =	vld [tilespmem:s25+$0x30D0]  }
0x5b: {  	v8 =	vld [tilespmem:s25+$0x30E0]  }
0x5c: {  	s26 =	sadd.s32 $0x180, s26;
	v7 =	vld [tilespmem:s25+$0x30F0]  }
0x5d: {  	v6 =	vmul.f32 v6, v11;
	v63 =	vld [tilespmem:s25+$0x3100]  }
0x5e: {  	v5 =	vmul.f32 v5, v10  }
0x5f: {  	[tilespmem:s25+$0x30B0] =	vst v6;
	v4 =	vmul.f32 v4, v9  }
0x60: {  	[tilespmem:s25+$0x30C0] =	vst v5;
	v3 =	vmul.f32 v3, v8  }
0x61: {  	[tilespmem:s25+$0x30D0] =	vst v4;
	v2 =	vmul.f32 v2, v7  }
0x62: {  	s24 =	sadd.s32 $0x1, s24;
	[tilespmem:s25+$0x30E0] =	vst v3;
	v1 =	vmul.f32 v1, v63  }
0x63: {  	p0 =	sne.s32 s24, $0x4F;
	[tilespmem:s25+$0x30F0] =	vst v2  }
.Ltmp2:
0x64: {  	[tilespmem:s25+$0x3100] =	vst v1;
	(pc) =	sbr.rel @p0 .LBB2_4-.Ltmp2, $4  }
0x65: {  	[spmem:s1] =	stream.indirect.scatter.add.f32 [tilespmem:s22], [sflag:$0x2], $0x60, s19, s19, $0xb8;
	[tilespmem:$0x17A40] =	vst v63  }
0x66: {  	_ =	swait.ge [sflag:s18], $0x3000  }
0x67: {  	[sflag:s18] =	ssyncset.done $0x0  }
0x68: {  	[sflag:s18] =	ssyncadd.s32 $0xFFFFD000  }
0x69: {  	s23 =	sadd.s32 $0x1, s23  }
0x6a: {  	s24 =	sshll.u32 s2, $0x6;
	[bflag:$0x0] =	sbarrier.arrive $0xFFFF;
	p0 =	sne.s32 s23, s16  }
.Ltmp3:
0x6b: {  	s25 =	sshrl.u32 s7, $0x3;
	s24 =	sor.u32 $0x1C02, s24;
	(pc) =	sbr.rel @p0 .LBB2_1-.Ltmp3, $4  }
0x6c: {  	[hbm:s15], [sflag:s24] =	dma.local [spmem:s25], $0x1D4C  }
0x6d: {  	_ =	swait.ge [sflag:s18], $0x1D4C  }
0x6e: {  	[sflag:s18] =	ssyncset.done $0x0  }
0x6f: {  	[sflag:s18] =	ssyncadd.s32 $0xFFFFE2B4  }
0x70: {  	_ =	sfence.sel $0x180000  }
0x71: {  	[bflag:$0x0] =	sbarrier.arrive $0xFFFF  }
0x72: {  	p0 =	sne.s32 s2, $0x0;
	_ =	strace $0x9000004A  }
0x73: {  	s0 =	sadd.s32 @!p0 $0x100000, s0;
	[bflag:$0x2] =	sbarrier.arrive $0xFFFF  }
0x74: {  	[sflag:s0] =	ssyncadd.tile.s32 @!p0 $0x1;
	_ =	shalt  }
.Lfunc_end2:
_tile_overlayer_lowered:
.L_overlay_start_2:
0x75: {  	(tag) =	ssettag $0x2  }
0x76: {  	s0 =	rddreg [dreg:$0x0];
	s2 =	stileid.u32  }
0x77: {  	s1 =	rddreg [dreg:$0x1];
	p0 =	sne.s32 s2, $0x0  }
0x78: {  	s3 =	rddreg [dreg:$0x2];
	[bflag:$0x3] =	sbarrier.arrive $0xFFFF;
	s2 =	simm.s32 @!p0 $0x1C02  }
0x79: {  	[timem:s3], [sflag:s2] =	dma.local @!p0 [hbm:s0], s1  }
0x7a: {  	s0 =	simm.s32 @!p0 $0x2  }
0x7b: {  	_ =	swait.ge @!p0 [sflag:s0], s1  }
0x7c: {  	s1 =	ssub.s32 @!p0 $0x0, s1;
	[sflag:s0] =	ssyncset.done @!p0 $0x0  }
0x7d: {  	[sflag:s0] =	ssyncadd.s32 @!p0 s1  }
0x7e: {  	[bflag:$0x3] =	sbarrier.arrive $0xFFFF  }
0x7f: {  	_ =	shalt  }

// kernel: kernel.16.cloned.1.call-start
scs
__scs_entry_jumppad:
0x0: {  	(pc) =	sbr.rel $0x88, $3  }
0x1: {  	(tag) =	ssettag $0x0;
	lr =	simm.s32 $0x1  }
0x2: {  	[smem:$0x3F94] =	sst lr;
	_ =	strace $0xD0000000  }
0x3: {  	_ = 	snop  }
0x4: {  	_ = 	snop  }
0x5: {  	_ = 	snop  }
0x6: {  	_ = 	snop  }
0x7: {  	_ = 	snop  }
__scs_overlays_trampoline_lowered:
0x8: {  	[smem:$0x3FA3] =	sst s0  }
0x9: {  	[smem:$0x3FA4] =	sst s1  }
0xa: {  	[smem:$0x3FA5] =	sst s2  }
0xb: {  	[smem:$0x3FA6] =	sst s3  }
0xc: {  	[smem:$0x3FA7] =	sst s4  }
0xd: {  	[smem:$0x3FA8] =	sst s5  }
0xe: {  	[smem:$0x3FA9] =	sst s6  }
0xf: {  	[smem:$0x3FAA] =	sst s7  }
0x10: {  	[smem:$0x3FAB] =	sst s8  }
0x11: {  	[smem:$0x3FAC] =	sst s9;
	s0 =	simm.s32 @!p0 $0x0  }
0x12: {  	s1 =	sld [smem:$0x3F92];
	s0 =	simm.s32 @p0 $0x1  }
0x13: {  	[smem:$0x3FAD] =	sst s0;
	s0 =	simm.s32 @!p1 $0x0  }
0x14: {  	s2 =	sld [smem:$0x3F91];
	s0 =	simm.s32 @p1 $0x1  }
0x15: {  	[smem:$0x3FAE] =	sst s0;
	s0 =	simm.s32 @!p2 $0x0  }
0x16: {  	s3 =	sld [smem:$0x3FDB];
	s0 =	simm.s32 @p2 $0x1  }
0x17: {  	s4 =	simm.s32 $0x1BF5;
	[smem:$0x3FB0] =	sst s0  }
0x18: {  	s0 =	sld [smem:$0x3F93];
	_ =	swait.ge [sflag:s4], $0x0  }
0x19: {  	s7 =	sld [smem:$0x3F94]  }
0x1a: {  	s8 =	sadd.s32 $0xFFFFE003, lr  }
0x1b: {  	s9 =	sadd.s32 $0xFFFFFEF7, lr;
	s5 =	simm.s32 $0xFFFFFFFF;
	p2 =	slt.u32 s8, $0xFFFFF086  }
0x1c: {  	p1 =	slt.u32 s9, $0xF7A;
	s5 =	simm.s32 @!p2 $0x0  }
0x1d: {  	s5 =	simm.s32 @p1 $0x1;
	p0 =	seq.s32 s7, s2  }
0x1e: {  	s7 =	smul.u32 @!p0 $0xF7A, s2;
	p2 =	seq.s32 @!p0 s5, $0x0  }
0x1f: {  	s9 =	smul.u32 $0xF7A, s1;
	s8 =	simm.s32 @!p0 $0x1BF5;
	p2 =	por !p2, p0  }
0x20: {  	[sflag:s8] =	ssyncset.s32 @!p0 $0xFFFFF086;
	s6 =	sadd.s32 @!p0 s3, s7;
	s7 =	simm.s32 @!p0 $0x108  }
0x21: {  	s3 =	sadd.s32 s3, s9;
	s6 =	sadd.s32 @!p0 $0x88, s6;
	s7 =	simm.s32 @p2 $0x1082  }
0x22: {  	[simem:s7], [sflag:s8] =	dma.local @!p0 [hbm:s6], $0xF7A  }
0x23: {  	s9 =	sor.u32 $0xD0000000, s2;
	s6 =	simm.s32 $0x108;
	_ =	swait.ge @!p0 [sflag:s8], $0x0  }
0x24: {  	s3 =	sadd.s32 $0x88, s3;
	s6 =	simm.s32 @!p1 $0x1082;
	[sflag:s4] =	ssyncset.s32 $0xFFFFF086  }
0x25: {  	[simem:s6], [sflag:s4] =	dma.local [hbm:s3], $0xF7A  }
0x26: {  	[smem:$0x3F94] =	sst s1;
	(tag) =	ssettag s2;
	_ =	strace s9  }
0x27: {  	s1 =	sld [smem:$0x3FA4]  }
0x28: {  	s2 =	sld [smem:$0x3FA5]  }
0x29: {  	s4 =	sld [smem:$0x3FA7]  }
0x2a: {  	p0 =	seq.s32 s5, $0x0;
	s5 =	sld [smem:$0x3FA8]  }
0x2b: {  	s6 =	sld [smem:$0x3FA9]  }
0x2c: {  	s7 =	sld [smem:$0x3FAA]  }
0x2d: {  	s3 =	simm.s32 $0x108;
	s8 =	sld [smem:$0x3FAB]  }
0x2e: {  	s3 =	simm.s32 @!p0 $0x1082;
	s9 =	sld [smem:$0x3FAC]  }
0x2f: {  	lr =	sadd.s32 s0, s3;
	s0 =	sld [smem:$0x3FA3]  }
0x30: {  	s3 =	sld [smem:$0x3FA6]  }
0x31: {  	[smem:$0x3FAF] =	sst s10  }
0x32: {  	s10 =	sld [smem:$0x3FAD];
	_ =	sdelay $0x3  }
0x33: {  	p0 =	seq.s32 s10, $0x1;
	s10 =	sld [smem:$0x3FAF];
	_ =	sdelay $0x3  }
0x34: {  	[smem:$0x3FAF] =	sst s10  }
0x35: {  	s10 =	sld [smem:$0x3FAE];
	_ =	sdelay $0x3  }
0x36: {  	p1 =	seq.s32 s10, $0x1;
	s10 =	sld [smem:$0x3FAF];
	_ =	sdelay $0x3  }
0x37: {  	[smem:$0x3FAF] =	sst s10  }
0x38: {  	s10 =	sld [smem:$0x3FB0]  }
0x39: {  	_ = 	snop;
	(pc) =	sbr.ind lr, $3  }
0x3a: {  	_ = 	snop  }
0x3b: {  	_ = 	snop  }
0x3c: {  	p2 =	seq.s32 s10, $0x1;
	s10 =	sld [smem:$0x3FAF]  }
0x3d: {  	_ =	shalt  }
0x3e: {  	_ =	shalt  }
0x3f: {  	_ =	shalt  }
0x40: {  	_ =	shalt  }
0x41: {  	_ =	shalt  }
0x42: {  	_ =	shalt  }
0x43: {  	_ =	shalt  }
0x44: {  	_ =	shalt  }
0x45: {  	_ =	shalt  }
0x46: {  	_ =	shalt  }
0x47: {  	_ =	shalt  }
0x48: {  	_ =	shalt  }
0x49: {  	_ =	shalt  }
0x4a: {  	_ =	shalt  }
0x4b: {  	_ =	shalt  }
0x4c: {  	_ =	shalt  }
0x4d: {  	_ =	shalt  }
0x4e: {  	_ =	shalt  }
0x4f: {  	_ =	shalt  }
0x50: {  	_ =	shalt  }
0x51: {  	_ =	shalt  }
0x52: {  	_ =	shalt  }
0x53: {  	_ =	shalt  }
0x54: {  	_ =	shalt  }
0x55: {  	_ =	shalt  }
0x56: {  	_ =	shalt  }
0x57: {  	_ =	shalt  }
0x58: {  	_ =	shalt  }
0x59: {  	_ =	shalt  }
0x5a: {  	_ =	shalt  }
0x5b: {  	_ =	shalt  }
0x5c: {  	_ =	shalt  }
0x5d: {  	_ =	shalt  }
0x5e: {  	_ =	shalt  }
0x5f: {  	_ =	shalt  }
0x60: {  	_ =	shalt  }
0x61: {  	_ =	shalt  }
0x62: {  	_ =	shalt  }
0x63: {  	_ =	shalt  }
0x64: {  	_ =	shalt  }
0x65: {  	_ =	shalt  }
0x66: {  	_ =	shalt  }
0x67: {  	_ =	shalt  }
0x68: {  	_ =	shalt  }
0x69: {  	_ =	shalt  }
0x6a: {  	_ =	shalt  }
0x6b: {  	_ =	shalt  }
0x6c: {  	_ =	shalt  }
0x6d: {  	_ =	shalt  }
0x6e: {  	_ =	shalt  }
0x6f: {  	_ =	shalt  }
0x70: {  	_ =	shalt  }
0x71: {  	_ =	shalt  }
0x72: {  	_ =	shalt  }
0x73: {  	_ =	shalt  }
0x74: {  	_ =	shalt  }
0x75: {  	_ =	shalt  }
0x76: {  	_ =	shalt  }
0x77: {  	_ =	shalt  }
0x78: {  	_ =	shalt  }
0x79: {  	_ =	shalt  }
0x7a: {  	_ =	shalt  }
0x7b: {  	_ =	shalt  }
0x7c: {  	_ =	shalt  }
0x7d: {  	_ =	shalt  }
0x7e: {  	_ =	shalt  }
0x7f: {  	_ =	shalt  }
0x80: {  	_ =	shalt  }
0x81: {  	_ =	shalt  }
0x82: {  	_ =	shalt  }
0x83: {  	_ =	shalt  }
0x84: {  	_ =	shalt  }
0x85: {  	_ =	shalt  }
0x86: {  	_ =	shalt  }
0x87: {  	_ =	shalt  }
.Lfunc_end0:
.L_simem_size_0:
called_computation.2_lowered:
.L_overlay_start_0:
0x88: {  	s2 =	sld [smem:$0x3FD9]  }
0x89: {  	s3 =	sld [smem:$0x3FFE];
	_ =	sdelay $0x1  }
0x8a: {  	s1 =	srdreg.scid  }
0x8b: {  	s0 =	sand.u32 $0x1, s1  }
0x8c: {  	s16 =	sshll.u32 s0, $0xA;
	s2 =	sadd.s32 s3, s2  }
0x8d: {  	s2 =	sadd.s32 s2, s16  }
0x8e: {  	[smem:$0x3FBB] =	sst s2  }
0x8f: {  	_ = 	snop  }
0x90: {  	(tm) =	ssettm $0x1  }
0x91: {  	s17 =	sld [smem:$0x3FFB];
	_ =	sdelay $0x3  }
0x92: {  	_ =	strace s17  }
0x93: {  	s2 =	sld [smem:$0x3FFC];
	_ =	sdelay $0x3  }
0x94: {  	_ =	strace s2  }
0x95: {  	s2 =	sld [smem:$0x3FFD];
	_ =	sdelay $0x3  }
0x96: {  	_ =	strace s2  }
0x97: {  	_ =	strace $0x8FFFFFFF  }
0x98: {  	s18 =	sld [smem:$0x3FDB];
	_ =	sdelay $0x1  }
0x99: {  	s19 =	simm.s32 $_scs_section_size  }
0x9a: {  	s4 =	simm.s32 $_size__tile_overlayer_lowered;
	s5 =	simm.s32 $_tile_overlayer_lowered  }
0x9b: {  	s22 =	simm.s32 $0x1BFF;
	s21 =	sshll.u32 s5, $0x1;
	s2 =	sadd.s32 s19, s18  }
0x9c: {  	s6 =	simm.s32 $0x0;
	s20 =	sshll.u32 s4, $0x1;
	s4 =	sadd.s32 s21, s2  }
0x9d: {  	[timem:s6], [sflag:s22] =	dma.local [hbm:s4], s20  }
0x9e: {  	_ =	swait.ge [sflag:s22], s20  }
0x9f: {  	s3 =	ssub.s32 $0x0, s20;
	[sflag:s22] =	ssyncset.done $0x0  }
0xa0: {  	[sflag:s22] =	ssyncadd.s32 s3;
	_ =	sdelay $0x1  }
0xa1: {  	s23 =	simm.s32 $0x1B8B  }
0xa2: {  	_ =	swait.ge [sflag:s23], $0x1  }
0xa3: {  	[sflag:s23] =	ssyncset.done $0x0  }
0xa4: {  	s25 =	simm.s32 $0x1B8E;
	s24 =	sld [smem:$0x3FFE];
	[sflag:s23] =	ssyncadd.s32 $0xFFFFFFFF  }
0xa5: {  	s26 =	simm.s32 $execute0_lowered;
	[smem:$0x3FD2] =	sst s25  }
0xa6: {  	s4 =	sshll.u32 s26, $0x1;
	_ =	strace $0x8000004C;
	[dreg:$0x1] =	wrdreg $0xFFFFFFFF  }
0xa7: {  	s28 =	simm.s32 $_size_execute0_lowered;
	s2 =	sadd.s32 s2, s4;
	[dreg:$0x0] =	wrdreg $0x0  }
0xa8: {  	s4 =	sshll.u32 s28, $0x1;
	[dreg:$0x2] =	wrdreg s2  }
0xa9: {  	[dreg:$0x3] =	wrdreg s4  }
0xaa: {  	[dreg:$0x4] =	wrdreg $0xC0  }
0xab: {  	_ =	task [dreg:s6], $0x5FFFF  }
0xac: {  	[dreg:$0x1] =	wrdreg $0xFFFFFFFF  }
0xad: {  	[dreg:$0x0] =	wrdreg $0x60  }
0xae: {  	[dreg:$0x2] =	wrdreg s24  }
0xaf: {  	[dreg:$0x3] =	wrdreg $0x8FE00  }
0xb0: {  	[dreg:$0x4] =	wrdreg $0x9  }
0xb1: {  	_ =	task.clear_ibuf [dreg:s6], $0x5FFFF;
	_ =	strace $0x9000004C  }
0xb2: {  	s29 =	simm.s32 $0x9;
	_ =	strace $0x8000004E  }
0xb3: {  	_ =	swait.ge [sflag:s29], $0x1  }
0xb4: {  	[sflag:s29] =	ssyncadd.s32 $0xFFFFFFFF  }
0xb5: {  	_ =	strace $0x9000004E  }
0xb6: {  	_ =	sfence  }
0xb7: {  	s30 =	sld [smem:$0x0];
	_ =	sdelay $0x2  }
0xb8: {  	s31 =	sshll.u32 s1, $0xD;
	s1 =	sshrl.u32 s1, $0x2  }
0xb9: {  	s3 =	sand.u32 $0x4000, s31;
	s1 =	sadd.s32 s1, s30  }
0xba: {  	s0 =	sor.u32 s3, s0;
	s1 =	sshll.u32 s1, $0x11  }
0xbb: {  	s0 =	sor.u32 s1, s0  }
0xbc: {  	s0 =	sadd.s32 $0x8F2B, s0  }
0xbd: {  	[sflag:s0] =	ssyncadd.remote.s32 $0x1  }
0xbe: {  	_ =	sfence.sel $0xFFFF  }
0xbf: {  	[dreg:$0x0] =	wrdreg $0xFFFFFFFF;
	(pc) =	sbr.abs _section_cstart, $3  }
0xc0: {  	[dreg:$0x1] =	wrdreg $0xFFFFFFFF  }
0xc1: {  	_ =	task.clear_ibuf [dreg:s6], $0x2FFFF;
	_ =	strace $0x9FFFFFFF  }
0xc2: {  	(tm) =	ssettm $0x7FFFFFFF  }
0xc3: {  	_ =	shalt  }
tec
execute0_lowered:
.L_overlay_start_1:
0x0: {  	(tag) =	ssettag $0x1  }
0x1: {  	s7 =	rddreg [dreg:$0x0]  }
0x2: {  	s1 =	rddreg [dreg:$0x1];
	s2 =	srdreg.scid  }
0x3: {  	s0 =	rddreg [dreg:$0x2];
	s3 =	simm.s32 $0x0;
	s17 =	simm.s32 $0x6100  }
0x4: {  	s18 =	simm.s32 $0x2;
	s19 =	simm.s32 $0x80;
	s14 =	sand.u32 $0x1, s2  }
0x5: {  	s20 =	simm.s32 $0x100;
	s2 =	stileid.u32;
	s4 =	smul.u32 $0x1D4C0, s14  }
0x6: {  	s21 =	simm.s32 $0x1;
	s22 =	simm.s32 $0x3100;
	s8 =	smul.u32 $0xEA60, s2  }
0x7: {  	s23 =	simm.s32 $0x0;
	[smem:$0x7FF] =	sst s3;
	s9 =	smul.u32 $0xEA600, s14  }
0x8: {  	s5 =	sadd.s32 $0x68A00, s7;
	s6 =	sadd.s32 $0x6DA00, s7;
	s10 =	smul.u32 $0x3A980, s2  }
0x9: {  	_ =	strace $0x8000004D;
	s11 =	ssub.s32 $0x2, s14;
	s14 =	smul.u32 $0xED0000, s14  }
0xa: {  	s31 =	sshrl.u32 s11, $0x1;
	s13 =	sadd.s32 s4, s7;
	s4 =	sadd.s32 $0x49CA00, s7  }
0xb: {  	s9 =	sadd.s32 s8, s9;
	s10 =	sshrl.u32 s10, $0x2;
	s16 =	ssub.s32 s11, s31  }
0xc: {  	s11 =	smul.u32 $0x2780, s2;
	s9 =	sshrl.u32 s9, $0x3;
	s12 =	sadd.s32 s10, s1  }
0xd: {  	s13 =	sadd.s32 $0x462000, s13;
	s16 =	smax.u32 s16, $0x1;
	s15 =	sadd.s32 s9, s7  }
0xe: {  	s7 =	sadd.s32 s8, s1;
	s8 =	sadd.s32 $0x2EE0, s12;
	s9 =	sadd.s32 $0x5DC0, s12  }
0xf: {  	v0 =	vimm.f32 $0.0e+00;
	s10 =	sadd.s32 $0x8CA0, s12;
	s12 =	sadd.s32 $0xBB80, s12;
	s15 =	sadd.s32 $0x4600, s15  }
.LBB2_1:
0x10: {  	s24 =	simm.s32 $0x0  }
0x11: {  	[tilespmem:s24+$0x6150] =	vst v0  }
0x12: {  	[tilespmem:s24+$0x6100] =	vst v0  }
0x13: {  	[tilespmem:s24+$0x6110] =	vst v0  }
0x14: {  	[tilespmem:s24+$0x6120] =	vst v0  }
0x15: {  	s25 =	simm.s32 $0x180;
	[tilespmem:s24+$0x6130] =	vst v0  }
.LBB2_2:
0x16: {  	p0 =	sne.s32 s25, $0xBA00;
	[tilespmem:s24+$0x6140] =	vst v0;
	s24 =	sshra.s32 s25, $0x2;
	s25 =	sadd.s32 $0x180, s25  }
.Ltmp0:
0x17: {  	[tilespmem:s24+$0x6150] =	vst v0;
	(pc) =	sbr.rel @p0 .LBB2_2-.Ltmp0, $4  }
0x18: {  	[tilespmem:s24+$0x6100] =	vst v0  }
0x19: {  	[tilespmem:s24+$0x6110] =	vst v0  }
0x1a: {  	[tilespmem:s24+$0x6120] =	vst v0  }
0x1b: {  	[tilespmem:s24+$0x6130] =	vst v0  }
0x1c: {  	[tilespmem:s24+$0x6140] =	vst v0  }
0x1d: {  	[spmem:s7] =	stream.linear.scatter [tilespmem:s17], [sflag:$0x2], $0x2EE0, $0x38;
	[tilespmem:$0x17A40] =	vst v63  }
0x1e: {  	_ =	swait.ge [sflag:s18], $0x2EE0  }
0x1f: {  	[sflag:s18] =	ssyncset.done $0x0  }
0x20: {  	[sflag:s18] =	ssyncadd.s32 $0xFFFFD120  }
0x21: {  	[spmem:s8] =	stream.linear.scatter [tilespmem:s17], [sflag:$0x2], $0x2EE0, $0x38;
	[tilespmem:$0x17A40] =	vst v63  }
0x22: {  	_ =	swait.ge [sflag:s18], $0x2EE0  }
0x23: {  	[sflag:s18] =	ssyncset.done $0x0  }
0x24: {  	[sflag:s18] =	ssyncadd.s32 $0xFFFFD120  }
0x25: {  	[spmem:s9] =	stream.linear.scatter [tilespmem:s17], [sflag:$0x2], $0x2EE0, $0x38;
	[tilespmem:$0x17A40] =	vst v63  }
0x26: {  	_ =	swait.ge [sflag:s18], $0x2EE0  }
0x27: {  	[sflag:s18] =	ssyncset.done $0x0  }
0x28: {  	[sflag:s18] =	ssyncadd.s32 $0xFFFFD120  }
0x29: {  	[spmem:s10] =	stream.linear.scatter [tilespmem:s17], [sflag:$0x2], $0x2EE0, $0x38;
	[tilespmem:$0x17A40] =	vst v63  }
0x2a: {  	_ =	swait.ge [sflag:s18], $0x2EE0  }
0x2b: {  	[sflag:s18] =	ssyncset.done $0x0  }
0x2c: {  	[sflag:s18] =	ssyncadd.s32 $0xFFFFD120  }
0x2d: {  	[spmem:s12] =	stream.linear.scatter [tilespmem:s17], [sflag:$0x2], $0x2EE0, $0x38;
	[tilespmem:$0x17A40] =	vst v63  }
0x2e: {  	_ =	swait.ge [sflag:s18], $0x2EE0  }
0x2f: {  	[sflag:s18] =	ssyncset.done $0x0  }
0x30: {  	[sflag:s18] =	ssyncadd.s32 $0xFFFFD120  }
0x31: {  	s24 =	simm.s32 $0x0;
	[bflag:$0x0] =	sbarrier.arrive $0xFFFF  }
.LBB2_4:
0x32: {  	s25 =	sshll.u32 s24, $0x7  }
0x33: {  	s25 =	sadd.s32 s11, s25  }
0x34: {  	s26 =	sshrl.u32 s25, $0x3  }
0x35: {  	s28 =	sadd.s32 s5, s26  }
0x36: {  	[tilespmem:s3], [sflag:$0x2] =	stream.linear.gather [hbm4b:s28+s3], $0x80, $0x38;
	[tilespmem:$0x17A40] =	vst v63  }
0x37: {  	_ =	swait.ge [sflag:s18], $0x80  }
0x38: {  	[sflag:s18] =	ssyncset.done $0x0  }
0x39: {  	s26 =	sadd.s32 s6, s26;
	[sflag:s18] =	ssyncadd.s32 $0xFFFFFF80  }
0x3a: {  	[tilespmem:s19], [sflag:$0x2] =	stream.linear.gather [hbm4b:s26+s3], $0x80, $0x38;
	[tilespmem:$0x17A40] =	vst v63  }
0x3b: {  	_ =	swait.ge [sflag:s18], $0x80  }
0x3c: {  	[sflag:s18] =	ssyncset.done $0x0  }
0x3d: {  	s25 =	smul.u32 $0x60, s25;
	[sflag:s18] =	ssyncadd.s32 $0xFFFFFF80  }
0x3e: {  	[tilespmem:s20], [sflag:$0x1] =	stream.indirect.gather [hbm4b:s13+s19], $0x60, s3, s19, $0xb8;
	[tilespmem:$0x17A40] =	vst v63  }
0x3f: {  	s25 =	sadd.s32 s14, s25;
	_ =	swait.ge [sflag:s21], $0x3000  }
0x40: {  	s25 =	sshrl.u32 s25, $0x3;
	[sflag:s21] =	ssyncset.done $0x0  }
0x41: {  	s25 =	sadd.s32 s4, s25;
	[sflag:s21] =	ssyncadd.s32 $0xFFFFD000  }
0x42: {  	[tilespmem:s22], [sflag:$0x2] =	stream.linear.gather [hbm4b:s25+s3], $0x3000, $0x38;
	[tilespmem:$0x17A40] =	vst v63  }
0x43: {  	_ =	swait.ge [sflag:s18], $0x3000  }
0x44: {  	[sflag:s18] =	ssyncset.done $0x0  }
0x45: {  	s25 =	simm.s32 $0x50;
	[sflag:s18] =	ssyncadd.s32 $0xFFFFD000  }
0x46: {  	v6 =	vld [tilespmem:s25+$0xB0]  }
0x47: {  	v5 =	vld [tilespmem:s25+$0xC0]  }
0x48: {  	v4 =	vld [tilespmem:s25+$0xD0]  }
0x49: {  	v3 =	vld [tilespmem:s25+$0xE0]  }
0x4a: {  	v2 =	vld [tilespmem:s25+$0xF0]  }
0x4b: {  	v1 =	vld [tilespmem:s25+$0x100]  }
0x4c: {  	v11 =	vld [tilespmem:s25+$0x30B0]  }
0x4d: {  	v10 =	vld [tilespmem:s25+$0x30C0]  }
0x4e: {  	v9 =	vld [tilespmem:s25+$0x30D0]  }
0x4f: {  	v8 =	vld [tilespmem:s25+$0x30E0]  }
0x50: {  	s26 =	simm.s32 $0x2C0;
	v7 =	vld [tilespmem:s25+$0x30F0]  }
.LBB2_5:
0x51: {  	s28 =	sshra.s32 s26, $0x2;
	p0 =	sne.s32 s26, $0xBFC0;
	v11 =	vmul.f32 v6, v11;
	v12 =	vld [tilespmem:s25+$0x3100]  }
0x52: {  	v6 =	vld [tilespmem:s28+$0xB0];
	v10 =	vmul.f32 v5, v10  }
0x53: {  	v5 =	vld [tilespmem:s28+$0xC0];
	[tilespmem:s25+$0x30B0] =	vst v11;
	v9 =	vmul.f32 v4, v9  }
0x54: {  	v4 =	vld [tilespmem:s28+$0xD0];
	[tilespmem:s25+$0x30C0] =	vst v10;
	v8 =	vmul.f32 v3, v8  }
0x55: {  	v3 =	vld [tilespmem:s28+$0xE0];
	[tilespmem:s25+$0x30D0] =	vst v9;
	v7 =	vmul.f32 v2, v7  }
0x56: {  	v2 =	vld [tilespmem:s28+$0xF0];
	[tilespmem:s25+$0x30E0] =	vst v8;
	v8 =	vmul.f32 v1, v12  }
0x57: {  	v1 =	vld [tilespmem:s28+$0x100];
	[tilespmem:s25+$0x30F0] =	vst v7  }
.Ltmp1:
0x58: {  	v11 =	vld [tilespmem:s28+$0x30B0];
	[tilespmem:s25+$0x3100] =	vst v8;
	s25 =	smov.u32 s28;
	(pc) =	sbr.rel @p0 .LBB2_5-.Ltmp1, $4  }
0x59: {  	v10 =	vld [tilespmem:s25+$0x30C0]  }
0x5a: {  	v9 =	vld [tilespmem:s25+$0x30D0]  }
0x5b: {  	v8 =	vld [tilespmem:s25+$0x30E0]  }
0x5c: {  	s26 =	sadd.s32 $0x180, s26;
	v7 =	vld [tilespmem:s25+$0x30F0]  }
0x5d: {  	v6 =	vmul.f32 v6, v11;
	v63 =	vld [tilespmem:s25+$0x3100]  }
0x5e: {  	v5 =	vmul.f32 v5, v10  }
0x5f: {  	[tilespmem:s25+$0x30B0] =	vst v6;
	v4 =	vmul.f32 v4, v9  }
0x60: {  	[tilespmem:s25+$0x30C0] =	vst v5;
	v3 =	vmul.f32 v3, v8  }
0x61: {  	[tilespmem:s25+$0x30D0] =	vst v4;
	v2 =	vmul.f32 v2, v7  }
0x62: {  	s24 =	sadd.s32 $0x1, s24;
	[tilespmem:s25+$0x30E0] =	vst v3;
	v1 =	vmul.f32 v1, v63  }
0x63: {  	p0 =	sne.s32 s24, $0x4F;
	[tilespmem:s25+$0x30F0] =	vst v2  }
.Ltmp2:
0x64: {  	[tilespmem:s25+$0x3100] =	vst v1;
	(pc) =	sbr.rel @p0 .LBB2_4-.Ltmp2, $4  }
0x65: {  	[spmem:s1] =	stream.indirect.scatter.add.f32 [tilespmem:s22], [sflag:$0x2], $0x60, s19, s19, $0xb8;
	[tilespmem:$0x17A40] =	vst v63  }
0x66: {  	_ =	swait.ge [sflag:s18], $0x3000  }
0x67: {  	[sflag:s18] =	ssyncset.done $0x0  }
0x68: {  	[sflag:s18] =	ssyncadd.s32 $0xFFFFD000  }
0x69: {  	s23 =	sadd.s32 $0x1, s23  }
0x6a: {  	s24 =	sshll.u32 s2, $0x6;
	[bflag:$0x0] =	sbarrier.arrive $0xFFFF;
	p0 =	sne.s32 s23, s16  }
.Ltmp3:
0x6b: {  	s25 =	sshrl.u32 s7, $0x3;
	s24 =	sor.u32 $0x1C02, s24;
	(pc) =	sbr.rel @p0 .LBB2_1-.Ltmp3, $4  }
0x6c: {  	[hbm:s15], [sflag:s24] =	dma.local [spmem:s25], $0x1D4C  }
0x6d: {  	_ =	swait.ge [sflag:s18], $0x1D4C  }
0x6e: {  	[sflag:s18] =	ssyncset.done $0x0  }
0x6f: {  	[sflag:s18] =	ssyncadd.s32 $0xFFFFE2B4  }
0x70: {  	_ =	sfence.sel $0x180000  }
0x71: {  	[bflag:$0x0] =	sbarrier.arrive $0xFFFF  }
0x72: {  	p0 =	sne.s32 s2, $0x0;
	_ =	strace $0x9000004D  }
0x73: {  	s0 =	sadd.s32 @!p0 $0x100000, s0;
	[bflag:$0x2] =	sbarrier.arrive $0xFFFF  }
0x74: {  	[sflag:s0] =	ssyncadd.tile.s32 @!p0 $0x1;
	_ =	shalt  }
.Lfunc_end2:
_tile_overlayer_lowered:
.L_overlay_start_2:
0x75: {  	(tag) =	ssettag $0x2  }
0x76: {  	s0 =	rddreg [dreg:$0x0];
	s2 =	stileid.u32  }
0x77: {  	s1 =	rddreg [dreg:$0x1];
	p0 =	sne.s32 s2, $0x0  }
0x78: {  	s3 =	rddreg [dreg:$0x2];
	[bflag:$0x3] =	sbarrier.arrive $0xFFFF;
	s2 =	simm.s32 @!p0 $0x1C02  }
0x79: {  	[timem:s3], [sflag:s2] =	dma.local @!p0 [hbm:s0], s1  }
0x7a: {  	s0 =	simm.s32 @!p0 $0x2  }
0x7b: {  	_ =	swait.ge @!p0 [sflag:s0], s1  }
0x7c: {  	s1 =	ssub.s32 @!p0 $0x0, s1;
	[sflag:s0] =	ssyncset.done @!p0 $0x0  }
0x7d: {  	[sflag:s0] =	ssyncadd.s32 @!p0 s1  }
0x7e: {  	[bflag:$0x3] =	sbarrier.arrive $0xFFFF  }
0x7f: {  	_ =	shalt  }

</sc_bundles>
